<compile_context>
chip_gen: v7x
topology: tpu7x:2x2x1
jax: 0.10.2.dev20260603
libtpu: 0.0.44.dev20260713+nightly
codegen_flags: <defaults>
</compile_context>

<pallas_src>
import functools

import jax
import jax.numpy as jnp
from jax import lax
from jax.experimental import pallas as pl
from jax.experimental.pallas import tpu as pltpu
from jax.experimental.pallas import tpu_sc as plsc

N_NODES = 10000
IN_DIM = 128
HID_DIM = 128
OUT_DIM = 64

NC, NS = 2, 16
NW = NC * NS
CHUNK = 128
T_CHUNKS = 80
E_PAD = NW * T_CHUNKS * CHUNK
ROWS_PAD = 10240
RPT = ROWS_PAD // NS
DEG_W = 128

_mesh = plsc.VectorSubcoreMesh(
    core_axis_name="c", subcore_axis_name="s", num_cores=NC, num_subcores=NS)


@functools.partial(
    pl.kernel,
    out_type=jax.ShapeDtypeStruct((NC * ROWS_PAD, DEG_W), jnp.float32),
    mesh=_mesh,
    scratch_types=[
        pltpu.VMEM((2, 2, CHUNK), jnp.int32),
        pltpu.VMEM((CHUNK, DEG_W), jnp.float32),
        pltpu.VMEM((CHUNK, DEG_W), jnp.float32),
        pltpu.SemaphoreType.DMA,
        pltpu.SemaphoreType.DMA,
        pltpu.VMEM_SHARED((ROWS_PAD, DEG_W), jnp.float32),
    ],
)
def _deg_kernel(il_hbm, ones_hbm, zero_hbm, out_hbm,
                ei_v, ones_v, zero_v, semi0, semi1, acc_sh):
    c = lax.axis_index("c")
    s = lax.axis_index("s")
    wid = c * NS + s
    cid0 = wid * T_CHUNKS
    pltpu.sync_copy(ones_hbm, ones_v)
    pltpu.sync_copy(zero_hbm, zero_v)

    base = s * RPT
    for k in range(RPT // CHUNK):
        pltpu.sync_copy(zero_v, acc_sh.at[pl.ds(base + k * CHUNK, CHUNK)])
    plsc.subcore_barrier()

    semi = (semi0, semi1)
    pltpu.async_copy(il_hbm.at[cid0], ei_v.at[0], semi0)

    def body(i, carry):
        for b in range(2):
            t = 2 * i + b
            pltpu.make_async_copy(il_hbm.at[cid0 + t],
                                  ei_v.at[b], semi[b]).wait()

            @pl.when(t + 1 < T_CHUNKS)
            def _():
                pltpu.async_copy(il_hbm.at[cid0 + t + 1],
                                 ei_v.at[1 - b], semi[1 - b])

            pltpu.sync_copy(ones_v, acc_sh.at[ei_v.at[b, 1]], add=True)
        return carry

    lax.fori_loop(0, T_CHUNKS // 2, body, 0)
    plsc.subcore_barrier()
    pltpu.sync_copy(acc_sh.at[pl.ds(base, RPT)],
                    out_hbm.at[pl.ds(c * ROWS_PAD + base, RPT)])
    plsc.subcore_barrier()


@functools.partial(
    pl.kernel,
    out_type=jax.ShapeDtypeStruct((NC * ROWS_PAD, HID_DIM), jnp.float32),
    mesh=_mesh,
    scratch_types=[
        pltpu.VMEM((4, 2, CHUNK), jnp.int32),
        pltpu.VMEM((CHUNK, HID_DIM), jnp.float32),
        pltpu.VMEM((CHUNK, HID_DIM), jnp.float32),
        pltpu.SemaphoreType.DMA,
        pltpu.SemaphoreType.DMA,
        pltpu.SemaphoreType.DMA,
        pltpu.SemaphoreType.DMA,
        pltpu.SemaphoreType.DMA,
        pltpu.SemaphoreType.DMA,
        pltpu.SemaphoreType.DMA,
        pltpu.SemaphoreType.DMA,
        pltpu.VMEM_SHARED((ROWS_PAD, HID_DIM), jnp.float32),
    ],
)
def _segsum_kernel(g_hbm, il_hbm, zero_hbm, out_hbm,
                   ei_v, buf0, buf1,
                   semg0, semg1, sems0, sems1,
                   semi0, semi1, semi2, semi3, acc_sh):
    c = lax.axis_index("c")
    s = lax.axis_index("s")
    wid = c * NS + s
    cid0 = wid * T_CHUNKS

    pltpu.sync_copy(zero_hbm, buf0)
    base = s * RPT
    for k in range(RPT // CHUNK):
        pltpu.sync_copy(buf0, acc_sh.at[pl.ds(base + k * CHUNK, CHUNK)])
    plsc.subcore_barrier()

    bufs = (buf0, buf1)
    semg = (semg0, semg1)
    sems = (sems0, sems1)
    semi = (semi0, semi1, semi2, semi3)
    T = T_CHUNKS

    pltpu.async_copy(il_hbm.at[cid0], ei_v.at[0], semi[0])
    pltpu.async_copy(il_hbm.at[cid0 + 1], ei_v.at[1], semi[1])
    pltpu.make_async_copy(il_hbm.at[cid0], ei_v.at[0], semi[0]).wait()
    pltpu.async_copy(g_hbm.at[ei_v.at[0, 0]], buf0, semg[0])

    def body(i, carry):
        for j in range(4):
            t = 4 * i + j
            b = j % 2
            nb = (j + 1) % 2
            sl1 = (j + 1) % 4
            sl2 = (j + 2) % 4

            @pl.when(t >= 1)
            def _():
                pltpu.make_async_copy(bufs[nb], acc_sh.at[ei_v.at[j, 1]],
                                      sems[nb]).wait()

            @pl.when(t + 1 < T)
            def _():
                pltpu.make_async_copy(il_hbm.at[cid0 + t + 1],
                                      ei_v.at[sl1], semi[sl1]).wait()
                pltpu.async_copy(g_hbm.at[ei_v.at[sl1, 0]],
                                 bufs[nb], semg[nb])

            @pl.when(t + 2 < T)
            def _():
                pltpu.async_copy(il_hbm.at[cid0 + t + 2],
                                 ei_v.at[sl2], semi[sl2])

            pltpu.make_async_copy(g_hbm.at[ei_v.at[j % 4, 0]],
                                  bufs[b], semg[b]).wait()
            pltpu.async_copy(bufs[b], acc_sh.at[ei_v.at[j % 4, 1]],
                             sems[b], add=True)
        return carry

    lax.fori_loop(0, T // 4, body, 0)
    pltpu.make_async_copy(bufs[(T - 1) % 2], acc_sh.at[ei_v.at[0, 1]],
                          sems[(T - 1) % 2]).wait()
    plsc.subcore_barrier()
    pltpu.sync_copy(acc_sh.at[pl.ds(base, RPT)],
                    out_hbm.at[pl.ds(c * ROWS_PAD + base, RPT)])
    plsc.subcore_barrier()


R = 1024
GRID = ROWS_PAD // R


def _pre_body(deg0, deg1, x, w, g, dinv_o):
    deg = deg0[...] + deg1[...] + 1.0
    dinv = lax.rsqrt(deg)
    h = jnp.dot(x[...], w[...], preferred_element_type=jnp.float32)
    g[...] = h * dinv[:, None]
    dinv_o[...] = dinv


def _mid_body(s0, s1, g1, dinv, b1, w2, g2):
    d = dinv[...]
    o = (s0[...] + s1[...] + g1[...]) * d[:, None] + b1[...][None, :]
    h = jnp.maximum(o, 0.0)
    g2[...] = jnp.dot(h, w2[...], preferred_element_type=jnp.float32) * d[:, None]


def _fin_body(s0, s1, g2, dinv, b2, wc, bc, out):
    d = dinv[...]
    h = (s0[...] + s1[...] + g2[...]) * d[:, None] + b2[...][None, :]
    out[...] = jnp.dot(h, wc[...], preferred_element_type=jnp.float32) + bc[...][None, :]


def _vec_spec():
    return pl.BlockSpec((R,), lambda i: (i,))


def _mat_spec(ncols):
    return pl.BlockSpec((R, ncols), lambda i: (i, 0))


def _full_spec(shape):
    nd = len(shape)
    return pl.BlockSpec(shape, lambda i: (0,) * nd)


def kernel(x, edge_index, W1, b1, W2, b2, Wc, bc):
    ei = edge_index.astype(jnp.int32)
    e = ei.shape[1]
    ppw = (E_PAD - e) // NW
    src_p = jnp.concatenate(
        [ei[0].reshape(NW, e // NW),
         jnp.zeros((NW, ppw), jnp.int32)], axis=1)
    dst_p = jnp.concatenate(
        [ei[1].reshape(NW, e // NW),
         jnp.broadcast_to(N_NODES + jnp.arange(ppw, dtype=jnp.int32),
                          (NW, ppw))], axis=1)
    il3 = jnp.concatenate(
        [src_p.reshape(NW * T_CHUNKS, 1, CHUNK),
         dst_p.reshape(NW * T_CHUNKS, 1, CHUNK)], axis=1)

    xp = jnp.concatenate(
        [x, jnp.zeros((ROWS_PAD - N_NODES, IN_DIM), x.dtype)])

    zrows = jnp.zeros((CHUNK, HID_DIM), jnp.float32)
    degp = _deg_kernel(il3, jnp.ones((CHUNK, DEG_W), jnp.float32), zrows)
    deg0 = degp[:ROWS_PAD, 0]
    deg1 = degp[ROWS_PAD:, 0]

    g1, dinv = pl.pallas_call(
        _pre_body,
        grid=(GRID,),
        in_specs=[_vec_spec(), _vec_spec(), _mat_spec(IN_DIM),
                  _full_spec((IN_DIM, HID_DIM))],
        out_specs=[_mat_spec(HID_DIM), _vec_spec()],
        out_shape=[jax.ShapeDtypeStruct((ROWS_PAD, HID_DIM), jnp.float32),
                   jax.ShapeDtypeStruct((ROWS_PAD,), jnp.float32)],
    )(deg0, deg1, xp, W1)

    s1p = _segsum_kernel(g1, il3, zrows)
    g2 = pl.pallas_call(
        _mid_body,
        grid=(GRID,),
        in_specs=[_mat_spec(HID_DIM), _mat_spec(HID_DIM), _mat_spec(HID_DIM),
                  _vec_spec(), _full_spec((HID_DIM,)),
                  _full_spec((HID_DIM, HID_DIM))],
        out_specs=_mat_spec(HID_DIM),
        out_shape=jax.ShapeDtypeStruct((ROWS_PAD, HID_DIM), jnp.float32),
    )(s1p[:ROWS_PAD], s1p[ROWS_PAD:], g1, dinv, b1, W2)

    s2p = _segsum_kernel(g2, il3, zrows)
    out = pl.pallas_call(
        _fin_body,
        grid=(GRID,),
        in_specs=[_mat_spec(HID_DIM), _mat_spec(HID_DIM), _mat_spec(HID_DIM),
                  _vec_spec(), _full_spec((HID_DIM,)),
                  _full_spec((HID_DIM, OUT_DIM)), _full_spec((OUT_DIM,))],
        out_specs=pl.BlockSpec((R, OUT_DIM), lambda i: (i, 0)),
        out_shape=jax.ShapeDtypeStruct((ROWS_PAD, OUT_DIM), jnp.float32),
    )(s2p[:ROWS_PAD], s2p[ROWS_PAD:], g2, dinv, b2, Wc, bc)
    return out[:N_NODES]

# --- scband reference (transcript-rebuilt; emitter-appended) ---
"""Pipeline reference for scband-temporal-gcn-19069654794550 (READ-ONLY COPY).

The authoritative reference and input builder live on the scoring server;
editing this copy changes nothing except your own understanding.
"""

import jax, jax.numpy as jnp
import numpy as np

N_NODES = 10000
N_EDGES = 320000
IN_DIM = 128
HID_DIM = 128
OUT_DIM = 64


def _gcn_conv(x, src, dst, W, b):
    # PyG-style GCNConv with added self-loops and symmetric normalization.
    n = x.shape[0]
    h = x @ W
    deg = jnp.zeros((n,), dtype=h.dtype).at[dst].add(jnp.ones_like(dst, dtype=h.dtype))
    dinv = jnp.where(deg > 0, 1.0 / jnp.sqrt(deg), 0.0)
    norm = dinv[src] * dinv[dst]
    msg = h[src] * norm[:, None]
    out = jnp.zeros_like(h).at[dst].add(msg)
    return out + b


def setup_inputs(seed: int = 0) -> dict:
    key = jax.random.key(seed)
    k = jax.random.split(key, 8)
    x = jax.random.normal(k[0], (N_NODES, IN_DIM), dtype=jnp.float32)
    edge_index = jax.random.randint(k[1], (2, N_EDGES), 0, N_NODES, dtype=jnp.int64 if jax.config.jax_enable_x64 else jnp.int32)
    W1 = jax.random.normal(k[2], (IN_DIM, HID_DIM), dtype=jnp.float32) * (1.0 / np.sqrt(IN_DIM))
    b1 = jnp.zeros((HID_DIM,), dtype=jnp.float32)
    W2 = jax.random.normal(k[3], (HID_DIM, HID_DIM), dtype=jnp.float32) * (1.0 / np.sqrt(HID_DIM))
    b2 = jnp.zeros((HID_DIM,), dtype=jnp.float32)
    Wc = jax.random.normal(k[4], (HID_DIM, OUT_DIM), dtype=jnp.float32) * (1.0 / np.sqrt(HID_DIM))
    bc = jnp.zeros((OUT_DIM,), dtype=jnp.float32)
    return {"x": x, "edge_index": edge_index, "W1": W1, "b1": b1, "W2": W2, "b2": b2, "Wc": Wc, "bc": bc}


def reference(x, edge_index, W1, b1, W2, b2, Wc, bc):
    n = x.shape[0]
    loop = jnp.arange(n, dtype=edge_index.dtype)
    src = jnp.concatenate([edge_index[0], loop])
    dst = jnp.concatenate([edge_index[1], loop])
    h = _gcn_conv(x, src, dst, W1, b1)
    h = jax.nn.relu(h)
    # dropout is identity in eval mode
    h = _gcn_conv(h, src, dst, W2, b2)
    out = h @ Wc + bc
    return out

if __name__ == "__main__":
    import jax
    _d = setup_inputs()
    print(jax.jit(kernel)(*tuple(_d.values())))

</pallas_src>

<mosaic_0001>
#map = affine_map<(d0, d1) -> (0, 0)>
#map1 = affine_map<(d0, d1) -> (0, 0, 0)>
module attributes {stable_mosaic.version = 14 : i64} {
  func.func @_segsum_kernel(%arg0: i32, %arg1: i32, %arg2: memref<10240x128xf32, #tpu.memory_space<hbm>>, %arg3: memref<2560x2x128xi32, #tpu.memory_space<hbm>>, %arg4: memref<128x128xf32, #tpu.memory_space<hbm>>, %arg5: memref<20480x128xf32, #tpu.memory_space<hbm>>, %arg6: memref<4x2x128xi32, #tpu.memory_space<vmem>>, %arg7: memref<128x128xf32, #tpu.memory_space<vmem>>, %arg8: memref<128x128xf32, #tpu.memory_space<vmem>>, %arg9: memref<!tpu.dma_semaphore, #tpu.memory_space<semaphore_mem>>, %arg10: memref<!tpu.dma_semaphore, #tpu.memory_space<semaphore_mem>>, %arg11: memref<!tpu.dma_semaphore, #tpu.memory_space<semaphore_mem>>, %arg12: memref<!tpu.dma_semaphore, #tpu.memory_space<semaphore_mem>>, %arg13: memref<!tpu.dma_semaphore, #tpu.memory_space<semaphore_mem>>, %arg14: memref<!tpu.dma_semaphore, #tpu.memory_space<semaphore_mem>>, %arg15: memref<!tpu.dma_semaphore, #tpu.memory_space<semaphore_mem>>, %arg16: memref<!tpu.dma_semaphore, #tpu.memory_space<semaphore_mem>>, %arg17: memref<10240x128xf32, #tpu.memory_space<vmem_shared>>) attributes {dimension_semantics = [#tpu.dimension_semantics<core_parallel>, #tpu.dimension_semantics<subcore_parallel>], iteration_bounds = array<i64: 2, 16>, scalar_prefetch = 0 : i64, scratch_operands = 12 : i64, tpu.core_type = #tpu.core_type<sc_vector_subcore>, window_params = [{transform_indices = #map}, {transform_indices = #map1}, {transform_indices = #map}, {transform_indices = #map}]} {
    %mul3A = arith.constant 16 : i32
    %mul3A_0 = arith.muli %arg0, %mul3A : i32
    %add3A = arith.addi %mul3A_0, %arg1 : i32
    %mul3A_1 = arith.constant 80 : i32
    %mul3A_2 = arith.muli %add3A, %mul3A_1 : i32
    "tpu.region"() ({
      %run_scoped3A = tpu.sem_alloc : memref<!tpu.dma_semaphore, #tpu.memory_space<semaphore_mem>>
      tpu.enqueue_dma source(%arg4 : memref<128x128xf32, #tpu.memory_space<hbm>>) target(%arg7 : memref<128x128xf32, #tpu.memory_space<vmem>>) target_semaphore(%run_scoped3A : memref<!tpu.dma_semaphore, #tpu.memory_space<semaphore_mem>>)
      tpu.wait_dma2 semaphore(%run_scoped3A : memref<!tpu.dma_semaphore, #tpu.memory_space<semaphore_mem>>) src(%arg4 : memref<128x128xf32, #tpu.memory_space<hbm>>) dst(%arg7 : memref<128x128xf32, #tpu.memory_space<vmem>>)
      tpu.yield
    }) : () -> ()
    %mul3A_3 = arith.constant 640 : i32
    %mul3A_4 = arith.muli %arg1, %mul3A_3 : i32
    %add3A_5 = arith.constant 0 : i32
    %add3A_6 = arith.addi %mul3A_4, %add3A_5 : i32
    "tpu.region"() ({
      %run_scoped3A = tpu.sem_alloc : memref<!tpu.dma_semaphore, #tpu.memory_space<semaphore_mem>>
      %dma_start3A_92 = arith.constant 0 : i32
      %dma_start3A_93 = tpu.memref_slice %arg17[%add3A_6, %dma_start3A_92] : memref<10240x128xf32, #tpu.memory_space<vmem_shared>> -> memref<128x128xf32, #tpu.memory_space<vmem_shared>>
      %dma_start3A_94 = arith.constant 0 : i32
      %dma_start3A_95 = tpu.memref_slice %arg17[%add3A_6, %dma_start3A_94] : memref<10240x128xf32, #tpu.memory_space<vmem_shared>> -> memref<128x128xf32, #tpu.memory_space<vmem_shared>>
      tpu.enqueue_dma source(%arg7 : memref<128x128xf32, #tpu.memory_space<vmem>>) target(%dma_start3A_95 : memref<128x128xf32, #tpu.memory_space<vmem_shared>>) target_semaphore(%run_scoped3A : memref<!tpu.dma_semaphore, #tpu.memory_space<semaphore_mem>>)
      %dma_wait3A_96 = arith.constant 0 : i32
      %dma_wait3A_97 = tpu.memref_slice %arg17[%add3A_6, %dma_wait3A_96] : memref<10240x128xf32, #tpu.memory_space<vmem_shared>> -> memref<128x128xf32, #tpu.memory_space<vmem_shared>>
      %dma_wait3A_98 = arith.constant 0 : i32
      %dma_wait3A_99 = tpu.memref_slice %arg17[%add3A_6, %dma_wait3A_98] : memref<10240x128xf32, #tpu.memory_space<vmem_shared>> -> memref<128x128xf32, #tpu.memory_space<vmem_shared>>
      tpu.wait_dma2 semaphore(%run_scoped3A : memref<!tpu.dma_semaphore, #tpu.memory_space<semaphore_mem>>) src(%arg7 : memref<128x128xf32, #tpu.memory_space<vmem>>) dst(%dma_wait3A_99 : memref<128x128xf32, #tpu.memory_space<vmem_shared>>)
      tpu.yield
    }) : () -> ()
    %add3A_7 = arith.constant 128 : i32
    %add3A_8 = arith.addi %mul3A_4, %add3A_7 : i32
    "tpu.region"() ({
      %run_scoped3A = tpu.sem_alloc : memref<!tpu.dma_semaphore, #tpu.memory_space<semaphore_mem>>
      %dma_start3A_92 = arith.constant 0 : i32
      %dma_start3A_93 = tpu.memref_slice %arg17[%add3A_8, %dma_start3A_92] : memref<10240x128xf32, #tpu.memory_space<vmem_shared>> -> memref<128x128xf32, #tpu.memory_space<vmem_shared>>
      %dma_start3A_94 = arith.constant 0 : i32
      %dma_start3A_95 = tpu.memref_slice %arg17[%add3A_8, %dma_start3A_94] : memref<10240x128xf32, #tpu.memory_space<vmem_shared>> -> memref<128x128xf32, #tpu.memory_space<vmem_shared>>
      tpu.enqueue_dma source(%arg7 : memref<128x128xf32, #tpu.memory_space<vmem>>) target(%dma_start3A_95 : memref<128x128xf32, #tpu.memory_space<vmem_shared>>) target_semaphore(%run_scoped3A : memref<!tpu.dma_semaphore, #tpu.memory_space<semaphore_mem>>)
      %dma_wait3A_96 = arith.constant 0 : i32
      %dma_wait3A_97 = tpu.memref_slice %arg17[%add3A_8, %dma_wait3A_96] : memref<10240x128xf32, #tpu.memory_space<vmem_shared>> -> memref<128x128xf32, #tpu.memory_space<vmem_shared>>
      %dma_wait3A_98 = arith.constant 0 : i32
      %dma_wait3A_99 = tpu.memref_slice %arg17[%add3A_8, %dma_wait3A_98] : memref<10240x128xf32, #tpu.memory_space<vmem_shared>> -> memref<128x128xf32, #tpu.memory_space<vmem_shared>>
      tpu.wait_dma2 semaphore(%run_scoped3A : memref<!tpu.dma_semaphore, #tpu.memory_space<semaphore_mem>>) src(%arg7 : memref<128x128xf32, #tpu.memory_space<vmem>>) dst(%dma_wait3A_99 : memref<128x128xf32, #tpu.memory_space<vmem_shared>>)
      tpu.yield
    }) : () -> ()
    %add3A_9 = arith.constant 256 : i32
    %add3A_10 = arith.addi %mul3A_4, %add3A_9 : i32
    "tpu.region"() ({
      %run_scoped3A = tpu.sem_alloc : memref<!tpu.dma_semaphore, #tpu.memory_space<semaphore_mem>>
      %dma_start3A_92 = arith.constant 0 : i32
      %dma_start3A_93 = tpu.memref_slice %arg17[%add3A_10, %dma_start3A_92] : memref<10240x128xf32, #tpu.memory_space<vmem_shared>> -> memref<128x128xf32, #tpu.memory_space<vmem_shared>>
      %dma_start3A_94 = arith.constant 0 : i32
      %dma_start3A_95 = tpu.memref_slice %arg17[%add3A_10, %dma_start3A_94] : memref<10240x128xf32, #tpu.memory_space<vmem_shared>> -> memref<128x128xf32, #tpu.memory_space<vmem_shared>>
      tpu.enqueue_dma source(%arg7 : memref<128x128xf32, #tpu.memory_space<vmem>>) target(%dma_start3A_95 : memref<128x128xf32, #tpu.memory_space<vmem_shared>>) target_semaphore(%run_scoped3A : memref<!tpu.dma_semaphore, #tpu.memory_space<semaphore_mem>>)
      %dma_wait3A_96 = arith.constant 0 : i32
      %dma_wait3A_97 = tpu.memref_slice %arg17[%add3A_10, %dma_wait3A_96] : memref<10240x128xf32, #tpu.memory_space<vmem_shared>> -> memref<128x128xf32, #tpu.memory_space<vmem_shared>>
      %dma_wait3A_98 = arith.constant 0 : i32
      %dma_wait3A_99 = tpu.memref_slice %arg17[%add3A_10, %dma_wait3A_98] : memref<10240x128xf32, #tpu.memory_space<vmem_shared>> -> memref<128x128xf32, #tpu.memory_space<vmem_shared>>
      tpu.wait_dma2 semaphore(%run_scoped3A : memref<!tpu.dma_semaphore, #tpu.memory_space<semaphore_mem>>) src(%arg7 : memref<128x128xf32, #tpu.memory_space<vmem>>) dst(%dma_wait3A_99 : memref<128x128xf32, #tpu.memory_space<vmem_shared>>)
      tpu.yield
    }) : () -> ()
    %add3A_11 = arith.constant 384 : i32
    %add3A_12 = arith.addi %mul3A_4, %add3A_11 : i32
    "tpu.region"() ({
      %run_scoped3A = tpu.sem_alloc : memref<!tpu.dma_semaphore, #tpu.memory_space<semaphore_mem>>
      %dma_start3A_92 = arith.constant 0 : i32
      %dma_start3A_93 = tpu.memref_slice %arg17[%add3A_12, %dma_start3A_92] : memref<10240x128xf32, #tpu.memory_space<vmem_shared>> -> memref<128x128xf32, #tpu.memory_space<vmem_shared>>
      %dma_start3A_94 = arith.constant 0 : i32
      %dma_start3A_95 = tpu.memref_slice %arg17[%add3A_12, %dma_start3A_94] : memref<10240x128xf32, #tpu.memory_space<vmem_shared>> -> memref<128x128xf32, #tpu.memory_space<vmem_shared>>
      tpu.enqueue_dma source(%arg7 : memref<128x128xf32, #tpu.memory_space<vmem>>) target(%dma_start3A_95 : memref<128x128xf32, #tpu.memory_space<vmem_shared>>) target_semaphore(%run_scoped3A : memref<!tpu.dma_semaphore, #tpu.memory_space<semaphore_mem>>)
      %dma_wait3A_96 = arith.constant 0 : i32
      %dma_wait3A_97 = tpu.memref_slice %arg17[%add3A_12, %dma_wait3A_96] : memref<10240x128xf32, #tpu.memory_space<vmem_shared>> -> memref<128x128xf32, #tpu.memory_space<vmem_shared>>
      %dma_wait3A_98 = arith.constant 0 : i32
      %dma_wait3A_99 = tpu.memref_slice %arg17[%add3A_12, %dma_wait3A_98] : memref<10240x128xf32, #tpu.memory_space<vmem_shared>> -> memref<128x128xf32, #tpu.memory_space<vmem_shared>>
      tpu.wait_dma2 semaphore(%run_scoped3A : memref<!tpu.dma_semaphore, #tpu.memory_space<semaphore_mem>>) src(%arg7 : memref<128x128xf32, #tpu.memory_space<vmem>>) dst(%dma_wait3A_99 : memref<128x128xf32, #tpu.memory_space<vmem_shared>>)
      tpu.yield
    }) : () -> ()
    %add3A_13 = arith.constant 512 : i32
    %add3A_14 = arith.addi %mul3A_4, %add3A_13 : i32
    "tpu.region"() ({
      %run_scoped3A = tpu.sem_alloc : memref<!tpu.dma_semaphore, #tpu.memory_space<semaphore_mem>>
      %dma_start3A_92 = arith.constant 0 : i32
      %dma_start3A_93 = tpu.memref_slice %arg17[%add3A_14, %dma_start3A_92] : memref<10240x128xf32, #tpu.memory_space<vmem_shared>> -> memref<128x128xf32, #tpu.memory_space<vmem_shared>>
      %dma_start3A_94 = arith.constant 0 : i32
      %dma_start3A_95 = tpu.memref_slice %arg17[%add3A_14, %dma_start3A_94] : memref<10240x128xf32, #tpu.memory_space<vmem_shared>> -> memref<128x128xf32, #tpu.memory_space<vmem_shared>>
      tpu.enqueue_dma source(%arg7 : memref<128x128xf32, #tpu.memory_space<vmem>>) target(%dma_start3A_95 : memref<128x128xf32, #tpu.memory_space<vmem_shared>>) target_semaphore(%run_scoped3A : memref<!tpu.dma_semaphore, #tpu.memory_space<semaphore_mem>>)
      %dma_wait3A_96 = arith.constant 0 : i32
      %dma_wait3A_97 = tpu.memref_slice %arg17[%add3A_14, %dma_wait3A_96] : memref<10240x128xf32, #tpu.memory_space<vmem_shared>> -> memref<128x128xf32, #tpu.memory_space<vmem_shared>>
      %dma_wait3A_98 = arith.constant 0 : i32
      %dma_wait3A_99 = tpu.memref_slice %arg17[%add3A_14, %dma_wait3A_98] : memref<10240x128xf32, #tpu.memory_space<vmem_shared>> -> memref<128x128xf32, #tpu.memory_space<vmem_shared>>
      tpu.wait_dma2 semaphore(%run_scoped3A : memref<!tpu.dma_semaphore, #tpu.memory_space<semaphore_mem>>) src(%arg7 : memref<128x128xf32, #tpu.memory_space<vmem>>) dst(%dma_wait3A_99 : memref<128x128xf32, #tpu.memory_space<vmem_shared>>)
      tpu.yield
    }) : () -> ()
    %barrier3A = arith.constant 0 : index
    tpu.barrier barrier_id(%barrier3A)
    %dma_start3A = arith.constant 0 : i32
    %dma_start3A_15 = arith.constant 0 : i32
    %dma_start3A_16 = arith.constant 0 : i32
    %dma_start3A_17 = tpu.memref_slice %arg6[%dma_start3A, %dma_start3A_15, %dma_start3A_16] : memref<4x2x128xi32, #tpu.memory_space<vmem>> -> memref<1x2x128xi32, #tpu.memory_space<vmem>>
    %dma_start3A_18 = tpu.memref_squeeze %dma_start3A_17 : memref<1x2x128xi32, #tpu.memory_space<vmem>> -> memref<2x128xi32, #tpu.memory_space<vmem>>
    %dma_start3A_19 = arith.constant 0 : i32
    %dma_start3A_20 = arith.constant 0 : i32
    %dma_start3A_21 = tpu.memref_slice %arg3[%mul3A_2, %dma_start3A_19, %dma_start3A_20] : memref<2560x2x128xi32, #tpu.memory_space<hbm>> -> memref<1x2x128xi32, #tpu.memory_space<hbm>>
    %dma_start3A_22 = tpu.memref_squeeze %dma_start3A_21 : memref<1x2x128xi32, #tpu.memory_space<hbm>> -> memref<2x128xi32, #tpu.memory_space<hbm>>
    %dma_start3A_23 = arith.constant 0 : i32
    %dma_start3A_24 = arith.constant 0 : i32
    %dma_start3A_25 = tpu.memref_slice %arg6[%dma_start3A, %dma_start3A_23, %dma_start3A_24] : memref<4x2x128xi32, #tpu.memory_space<vmem>> -> memref<1x2x128xi32, #tpu.memory_space<vmem>>
    %dma_start3A_26 = tpu.memref_squeeze %dma_start3A_25 : memref<1x2x128xi32, #tpu.memory_space<vmem>> -> memref<2x128xi32, #tpu.memory_space<vmem>>
    %dma_start3A_27 = arith.constant 0 : i32
    %dma_start3A_28 = arith.constant 0 : i32
    %dma_start3A_29 = tpu.memref_slice %arg3[%mul3A_2, %dma_start3A_27, %dma_start3A_28] : memref<2560x2x128xi32, #tpu.memory_space<hbm>> -> memref<1x2x128xi32, #tpu.memory_space<hbm>>
    %dma_start3A_30 = tpu.memref_squeeze %dma_start3A_29 : memref<1x2x128xi32, #tpu.memory_space<hbm>> -> memref<2x128xi32, #tpu.memory_space<hbm>>
    tpu.enqueue_dma source(%dma_start3A_30 : memref<2x128xi32, #tpu.memory_space<hbm>>) target(%dma_start3A_26 : memref<2x128xi32, #tpu.memory_space<vmem>>) target_semaphore(%arg13 : memref<!tpu.dma_semaphore, #tpu.memory_space<semaphore_mem>>)
    %add3A_31 = arith.constant 1 : i32
    %add3A_32 = arith.addi %mul3A_2, %add3A_31 : i32
    %dma_start3A_33 = arith.constant 1 : i32
    %dma_start3A_34 = arith.constant 0 : i32
    %dma_start3A_35 = arith.constant 0 : i32
    %dma_start3A_36 = tpu.memref_slice %arg6[%dma_start3A_33, %dma_start3A_34, %dma_start3A_35] : memref<4x2x128xi32, #tpu.memory_space<vmem>> -> memref<1x2x128xi32, #tpu.memory_space<vmem>>
    %dma_start3A_37 = tpu.memref_squeeze %dma_start3A_36 : memref<1x2x128xi32, #tpu.memory_space<vmem>> -> memref<2x128xi32, #tpu.memory_space<vmem>>
    %dma_start3A_38 = arith.constant 0 : i32
    %dma_start3A_39 = arith.constant 0 : i32
    %dma_start3A_40 = tpu.memref_slice %arg3[%add3A_32, %dma_start3A_38, %dma_start3A_39] : memref<2560x2x128xi32, #tpu.memory_space<hbm>> -> memref<1x2x128xi32, #tpu.memory_space<hbm>>
    %dma_start3A_41 = tpu.memref_squeeze %dma_start3A_40 : memref<1x2x128xi32, #tpu.memory_space<hbm>> -> memref<2x128xi32, #tpu.memory_space<hbm>>
    %dma_start3A_42 = arith.constant 0 : i32
    %dma_start3A_43 = arith.constant 0 : i32
    %dma_start3A_44 = tpu.memref_slice %arg6[%dma_start3A_33, %dma_start3A_42, %dma_start3A_43] : memref<4x2x128xi32, #tpu.memory_space<vmem>> -> memref<1x2x128xi32, #tpu.memory_space<vmem>>
    %dma_start3A_45 = tpu.memref_squeeze %dma_start3A_44 : memref<1x2x128xi32, #tpu.memory_space<vmem>> -> memref<2x128xi32, #tpu.memory_space<vmem>>
    %dma_start3A_46 = arith.constant 0 : i32
    %dma_start3A_47 = arith.constant 0 : i32
    %dma_start3A_48 = tpu.memref_slice %arg3[%add3A_32, %dma_start3A_46, %dma_start3A_47] : memref<2560x2x128xi32, #tpu.memory_space<hbm>> -> memref<1x2x128xi32, #tpu.memory_space<hbm>>
    %dma_start3A_49 = tpu.memref_squeeze %dma_start3A_48 : memref<1x2x128xi32, #tpu.memory_space<hbm>> -> memref<2x128xi32, #tpu.memory_space<hbm>>
    tpu.enqueue_dma source(%dma_start3A_49 : memref<2x128xi32, #tpu.memory_space<hbm>>) target(%dma_start3A_45 : memref<2x128xi32, #tpu.memory_space<vmem>>) target_semaphore(%arg14 : memref<!tpu.dma_semaphore, #tpu.memory_space<semaphore_mem>>)
    %dma_wait3A = arith.constant 0 : i32
    %dma_wait3A_50 = arith.constant 0 : i32
    %dma_wait3A_51 = arith.constant 0 : i32
    %dma_wait3A_52 = tpu.memref_slice %arg6[%dma_wait3A, %dma_wait3A_50, %dma_wait3A_51] : memref<4x2x128xi32, #tpu.memory_space<vmem>> -> memref<1x2x128xi32, #tpu.memory_space<vmem>>
    %dma_wait3A_53 = tpu.memref_squeeze %dma_wait3A_52 : memref<1x2x128xi32, #tpu.memory_space<vmem>> -> memref<2x128xi32, #tpu.memory_space<vmem>>
    %dma_wait3A_54 = arith.constant 0 : i32
    %dma_wait3A_55 = arith.constant 0 : i32
    %dma_wait3A_56 = tpu.memref_slice %arg3[%mul3A_2, %dma_wait3A_54, %dma_wait3A_55] : memref<2560x2x128xi32, #tpu.memory_space<hbm>> -> memref<1x2x128xi32, #tpu.memory_space<hbm>>
    %dma_wait3A_57 = tpu.memref_squeeze %dma_wait3A_56 : memref<1x2x128xi32, #tpu.memory_space<hbm>> -> memref<2x128xi32, #tpu.memory_space<hbm>>
    %dma_wait3A_58 = arith.constant 0 : i32
    %dma_wait3A_59 = arith.constant 0 : i32
    %dma_wait3A_60 = tpu.memref_slice %arg6[%dma_wait3A, %dma_wait3A_58, %dma_wait3A_59] : memref<4x2x128xi32, #tpu.memory_space<vmem>> -> memref<1x2x128xi32, #tpu.memory_space<vmem>>
    %dma_wait3A_61 = tpu.memref_squeeze %dma_wait3A_60 : memref<1x2x128xi32, #tpu.memory_space<vmem>> -> memref<2x128xi32, #tpu.memory_space<vmem>>
    %dma_wait3A_62 = arith.constant 0 : i32
    %dma_wait3A_63 = arith.constant 0 : i32
    %dma_wait3A_64 = tpu.memref_slice %arg3[%mul3A_2, %dma_wait3A_62, %dma_wait3A_63] : memref<2560x2x128xi32, #tpu.memory_space<hbm>> -> memref<1x2x128xi32, #tpu.memory_space<hbm>>
    %dma_wait3A_65 = tpu.memref_squeeze %dma_wait3A_64 : memref<1x2x128xi32, #tpu.memory_space<hbm>> -> memref<2x128xi32, #tpu.memory_space<hbm>>
    tpu.wait_dma2 semaphore(%arg13 : memref<!tpu.dma_semaphore, #tpu.memory_space<semaphore_mem>>) src(%dma_wait3A_65 : memref<2x128xi32, #tpu.memory_space<hbm>>) dst(%dma_wait3A_61 : memref<2x128xi32, #tpu.memory_space<vmem>>)
    %dma_start3A_66 = arith.constant 0 : i32
    %dma_start3A_67 = arith.constant 0 : i32
    %dma_start3A_68 = arith.constant 0 : i32
    %dma_start3A_69 = tpu.memref_slice %arg6[%dma_start3A_66, %dma_start3A_67, %dma_start3A_68] : memref<4x2x128xi32, #tpu.memory_space<vmem>> -> memref<1x1x128xi32, #tpu.memory_space<vmem>>
    %dma_start3A_70 = tpu.memref_squeeze %dma_start3A_69 : memref<1x1x128xi32, #tpu.memory_space<vmem>> -> memref<128xi32, #tpu.memory_space<vmem>>
    %dma_start3A_71 = arith.constant 0 : i32
    %dma_start3A_72 = arith.constant 0 : i32
    %dma_start3A_73 = tpu.memref_slice %arg2[%dma_start3A_71, %dma_start3A_72] : memref<10240x128xf32, #tpu.memory_space<hbm>> -> memref<10240x128xf32, #tpu.memory_space<hbm>>
    tpu.enqueue_indirect_dma source(%dma_start3A_73 : memref<10240x128xf32, #tpu.memory_space<hbm>>) target(%arg7 : memref<128x128xf32, #tpu.memory_space<vmem>>) offsets(%dma_start3A_70 : memref<128xi32, #tpu.memory_space<vmem>>) semaphore(%arg9 : memref<!tpu.dma_semaphore, #tpu.memory_space<semaphore_mem>>)
    %scan3A = arith.constant 0 : i32
    %scan3A_74 = arith.constant 0 : i32
    %scan3A_75 = arith.constant 20 : i32
    %scan3A_76 = arith.addi %scan3A_74, %scan3A_75 : i32
    %scan3A_77 = arith.constant 1 : i32
    scf.for %scan3A_92 = %scan3A_74 to %scan3A_76 step %scan3A_77  : i32 {
      %mul3A_93 = arith.constant 4 : i32
      %mul3A_94 = arith.muli %mul3A_93, %scan3A_92 : i32
      %add3A_95 = arith.constant 0 : i32
      %add3A_96 = arith.addi %mul3A_94, %add3A_95 : i32
      %ge3A = arith.constant 1 : i32
      %ge3A_97 = arith.cmpi sge, %add3A_96, %ge3A : i32
      %convert_element_type3A = arith.extui %ge3A_97 : i1 to i32
      %cond3A = arith.constant 0 : i32
      %cond3A_98 = arith.cmpi ne, %convert_element_type3A, %cond3A : i32
      scf.if %cond3A_98 {
        %dma_wait3A_245 = arith.constant 0 : i32
        %dma_wait3A_246 = arith.constant 1 : i32
        %dma_wait3A_247 = arith.constant 0 : i32
        %dma_wait3A_248 = tpu.memref_slice %arg6[%dma_wait3A_245, %dma_wait3A_246, %dma_wait3A_247] : memref<4x2x128xi32, #tpu.memory_space<vmem>> -> memref<1x1x128xi32, #tpu.memory_space<vmem>>
        %dma_wait3A_249 = tpu.memref_squeeze %dma_wait3A_248 : memref<1x1x128xi32, #tpu.memory_space<vmem>> -> memref<128xi32, #tpu.memory_space<vmem>>
        %dma_wait3A_250 = arith.constant 0 : i32
        %dma_wait3A_251 = arith.constant 0 : i32
        %dma_wait3A_252 = tpu.memref_slice %arg17[%dma_wait3A_250, %dma_wait3A_251] : memref<10240x128xf32, #tpu.memory_space<vmem_shared>> -> memref<10240x128xf32, #tpu.memory_space<vmem_shared>>
        tpu.wait_indirect_dma semaphore(%arg12 : memref<!tpu.dma_semaphore, #tpu.memory_space<semaphore_mem>>) src(%arg8 : memref<128x128xf32, #tpu.memory_space<vmem>>) dst(%dma_wait3A_252 : memref<10240x128xf32, #tpu.memory_space<vmem_shared>>)
      } else {
      }
      %add3A_99 = arith.constant 1 : i32
      %add3A_100 = arith.addi %add3A_96, %add3A_99 : i32
      %lt3A = arith.constant 80 : i32
      %lt3A_101 = arith.cmpi slt, %add3A_100, %lt3A : i32
      %convert_element_type3A_102 = arith.extui %lt3A_101 : i1 to i32
      %cond3A_103 = arith.constant 0 : i32
      %cond3A_104 = arith.cmpi ne, %convert_element_type3A_102, %cond3A_103 : i32
      scf.if %cond3A_104 {
        %add3A_245 = arith.addi %mul3A_2, %add3A_96 : i32
        %add3A_246 = arith.constant 1 : i32
        %add3A_247 = arith.addi %add3A_245, %add3A_246 : i32
        %dma_wait3A_248 = arith.constant 1 : i32
        %dma_wait3A_249 = arith.constant 0 : i32
        %dma_wait3A_250 = arith.constant 0 : i32
        %dma_wait3A_251 = tpu.memref_slice %arg6[%dma_wait3A_248, %dma_wait3A_249, %dma_wait3A_250] : memref<4x2x128xi32, #tpu.memory_space<vmem>> -> memref<1x2x128xi32, #tpu.memory_space<vmem>>
        %dma_wait3A_252 = tpu.memref_squeeze %dma_wait3A_251 : memref<1x2x128xi32, #tpu.memory_space<vmem>> -> memref<2x128xi32, #tpu.memory_space<vmem>>
        %dma_wait3A_253 = arith.constant 0 : i32
        %dma_wait3A_254 = arith.constant 0 : i32
        %dma_wait3A_255 = tpu.memref_slice %arg3[%add3A_247, %dma_wait3A_253, %dma_wait3A_254] : memref<2560x2x128xi32, #tpu.memory_space<hbm>> -> memref<1x2x128xi32, #tpu.memory_space<hbm>>
        %dma_wait3A_256 = tpu.memref_squeeze %dma_wait3A_255 : memref<1x2x128xi32, #tpu.memory_space<hbm>> -> memref<2x128xi32, #tpu.memory_space<hbm>>
        %dma_wait3A_257 = arith.constant 0 : i32
        %dma_wait3A_258 = arith.constant 0 : i32
        %dma_wait3A_259 = tpu.memref_slice %arg6[%dma_wait3A_248, %dma_wait3A_257, %dma_wait3A_258] : memref<4x2x128xi32, #tpu.memory_space<vmem>> -> memref<1x2x128xi32, #tpu.memory_space<vmem>>
        %dma_wait3A_260 = tpu.memref_squeeze %dma_wait3A_259 : memref<1x2x128xi32, #tpu.memory_space<vmem>> -> memref<2x128xi32, #tpu.memory_space<vmem>>
        %dma_wait3A_261 = arith.constant 0 : i32
        %dma_wait3A_262 = arith.constant 0 : i32
        %dma_wait3A_263 = tpu.memref_slice %arg3[%add3A_247, %dma_wait3A_261, %dma_wait3A_262] : memref<2560x2x128xi32, #tpu.memory_space<hbm>> -> memref<1x2x128xi32, #tpu.memory_space<hbm>>
        %dma_wait3A_264 = tpu.memref_squeeze %dma_wait3A_263 : memref<1x2x128xi32, #tpu.memory_space<hbm>> -> memref<2x128xi32, #tpu.memory_space<hbm>>
        tpu.wait_dma2 semaphore(%arg14 : memref<!tpu.dma_semaphore, #tpu.memory_space<semaphore_mem>>) src(%dma_wait3A_264 : memref<2x128xi32, #tpu.memory_space<hbm>>) dst(%dma_wait3A_260 : memref<2x128xi32, #tpu.memory_space<vmem>>)
        %dma_start3A_265 = arith.constant 1 : i32
        %dma_start3A_266 = arith.constant 0 : i32
        %dma_start3A_267 = arith.constant 0 : i32
        %dma_start3A_268 = tpu.memref_slice %arg6[%dma_start3A_265, %dma_start3A_266, %dma_start3A_267] : memref<4x2x128xi32, #tpu.memory_space<vmem>> -> memref<1x1x128xi32, #tpu.memory_space<vmem>>
        %dma_start3A_269 = tpu.memref_squeeze %dma_start3A_268 : memref<1x1x128xi32, #tpu.memory_space<vmem>> -> memref<128xi32, #tpu.memory_space<vmem>>
        %dma_start3A_270 = arith.constant 0 : i32
        %dma_start3A_271 = arith.constant 0 : i32
        %dma_start3A_272 = tpu.memref_slice %arg2[%dma_start3A_270, %dma_start3A_271] : memref<10240x128xf32, #tpu.memory_space<hbm>> -> memref<10240x128xf32, #tpu.memory_space<hbm>>
        tpu.enqueue_indirect_dma source(%dma_start3A_272 : memref<10240x128xf32, #tpu.memory_space<hbm>>) target(%arg8 : memref<128x128xf32, #tpu.memory_space<vmem>>) offsets(%dma_start3A_269 : memref<128xi32, #tpu.memory_space<vmem>>) semaphore(%arg10 : memref<!tpu.dma_semaphore, #tpu.memory_space<semaphore_mem>>)
      } else {
      }
      %add3A_105 = arith.constant 2 : i32
      %add3A_106 = arith.addi %add3A_96, %add3A_105 : i32
      %lt3A_107 = arith.constant 80 : i32
      %lt3A_108 = arith.cmpi slt, %add3A_106, %lt3A_107 : i32
      %convert_element_type3A_109 = arith.extui %lt3A_108 : i1 to i32
      %cond3A_110 = arith.constant 0 : i32
      %cond3A_111 = arith.cmpi ne, %convert_element_type3A_109, %cond3A_110 : i32
      scf.if %cond3A_111 {
        %add3A_245 = arith.addi %mul3A_2, %add3A_96 : i32
        %add3A_246 = arith.constant 2 : i32
        %add3A_247 = arith.addi %add3A_245, %add3A_246 : i32
        %dma_start3A_248 = arith.constant 2 : i32
        %dma_start3A_249 = arith.constant 0 : i32
        %dma_start3A_250 = arith.constant 0 : i32
        %dma_start3A_251 = tpu.memref_slice %arg6[%dma_start3A_248, %dma_start3A_249, %dma_start3A_250] : memref<4x2x128xi32, #tpu.memory_space<vmem>> -> memref<1x2x128xi32, #tpu.memory_space<vmem>>
        %dma_start3A_252 = tpu.memref_squeeze %dma_start3A_251 : memref<1x2x128xi32, #tpu.memory_space<vmem>> -> memref<2x128xi32, #tpu.memory_space<vmem>>
        %dma_start3A_253 = arith.constant 0 : i32
        %dma_start3A_254 = arith.constant 0 : i32
        %dma_start3A_255 = tpu.memref_slice %arg3[%add3A_247, %dma_start3A_253, %dma_start3A_254] : memref<2560x2x128xi32, #tpu.memory_space<hbm>> -> memref<1x2x128xi32, #tpu.memory_space<hbm>>
        %dma_start3A_256 = tpu.memref_squeeze %dma_start3A_255 : memref<1x2x128xi32, #tpu.memory_space<hbm>> -> memref<2x128xi32, #tpu.memory_space<hbm>>
        %dma_start3A_257 = arith.constant 0 : i32
        %dma_start3A_258 = arith.constant 0 : i32
        %dma_start3A_259 = tpu.memref_slice %arg6[%dma_start3A_248, %dma_start3A_257, %dma_start3A_258] : memref<4x2x128xi32, #tpu.memory_space<vmem>> -> memref<1x2x128xi32, #tpu.memory_space<vmem>>
        %dma_start3A_260 = tpu.memref_squeeze %dma_start3A_259 : memref<1x2x128xi32, #tpu.memory_space<vmem>> -> memref<2x128xi32, #tpu.memory_space<vmem>>
        %dma_start3A_261 = arith.constant 0 : i32
        %dma_start3A_262 = arith.constant 0 : i32
        %dma_start3A_263 = tpu.memref_slice %arg3[%add3A_247, %dma_start3A_261, %dma_start3A_262] : memref<2560x2x128xi32, #tpu.memory_space<hbm>> -> memref<1x2x128xi32, #tpu.memory_space<hbm>>
        %dma_start3A_264 = tpu.memref_squeeze %dma_start3A_263 : memref<1x2x128xi32, #tpu.memory_space<hbm>> -> memref<2x128xi32, #tpu.memory_space<hbm>>
        tpu.enqueue_dma source(%dma_start3A_264 : memref<2x128xi32, #tpu.memory_space<hbm>>) target(%dma_start3A_260 : memref<2x128xi32, #tpu.memory_space<vmem>>) target_semaphore(%arg15 : memref<!tpu.dma_semaphore, #tpu.memory_space<semaphore_mem>>)
      } else {
      }
      %dma_wait3A_112 = arith.constant 0 : i32
      %dma_wait3A_113 = arith.constant 0 : i32
      %dma_wait3A_114 = arith.constant 0 : i32
      %dma_wait3A_115 = tpu.memref_slice %arg6[%dma_wait3A_112, %dma_wait3A_113, %dma_wait3A_114] : memref<4x2x128xi32, #tpu.memory_space<vmem>> -> memref<1x1x128xi32, #tpu.memory_space<vmem>>
      %dma_wait3A_116 = tpu.memref_squeeze %dma_wait3A_115 : memref<1x1x128xi32, #tpu.memory_space<vmem>> -> memref<128xi32, #tpu.memory_space<vmem>>
      %dma_wait3A_117 = arith.constant 0 : i32
      %dma_wait3A_118 = arith.constant 0 : i32
      %dma_wait3A_119 = tpu.memref_slice %arg2[%dma_wait3A_117, %dma_wait3A_118] : memref<10240x128xf32, #tpu.memory_space<hbm>> -> memref<10240x128xf32, #tpu.memory_space<hbm>>
      tpu.wait_indirect_dma semaphore(%arg9 : memref<!tpu.dma_semaphore, #tpu.memory_space<semaphore_mem>>) src(%dma_wait3A_119 : memref<10240x128xf32, #tpu.memory_space<hbm>>) dst(%arg7 : memref<128x128xf32, #tpu.memory_space<vmem>>)
      %dma_start3A_120 = arith.constant 0 : i32
      %dma_start3A_121 = arith.constant 1 : i32
      %dma_start3A_122 = arith.constant 0 : i32
      %dma_start3A_123 = tpu.memref_slice %arg6[%dma_start3A_120, %dma_start3A_121, %dma_start3A_122] : memref<4x2x128xi32, #tpu.memory_space<vmem>> -> memref<1x1x128xi32, #tpu.memory_space<vmem>>
      %dma_start3A_124 = tpu.memref_squeeze %dma_start3A_123 : memref<1x1x128xi32, #tpu.memory_space<vmem>> -> memref<128xi32, #tpu.memory_space<vmem>>
      %dma_start3A_125 = arith.constant 0 : i32
      %dma_start3A_126 = arith.constant 0 : i32
      %dma_start3A_127 = tpu.memref_slice %arg17[%dma_start3A_125, %dma_start3A_126] : memref<10240x128xf32, #tpu.memory_space<vmem_shared>> -> memref<10240x128xf32, #tpu.memory_space<vmem_shared>>
      tpu.enqueue_indirect_dma source(%arg7 : memref<128x128xf32, #tpu.memory_space<vmem>>) target(%dma_start3A_127 : memref<10240x128xf32, #tpu.memory_space<vmem_shared>>) offsets(%dma_start3A_124 : memref<128xi32, #tpu.memory_space<vmem>>) semaphore(%arg11 : memref<!tpu.dma_semaphore, #tpu.memory_space<semaphore_mem>>) {add = true}
      %mul3A_128 = arith.constant 4 : i32
      %mul3A_129 = arith.muli %mul3A_128, %scan3A_92 : i32
      %add3A_130 = arith.constant 1 : i32
      %add3A_131 = arith.addi %mul3A_129, %add3A_130 : i32
      %ge3A_132 = arith.constant 1 : i32
      %ge3A_133 = arith.cmpi sge, %add3A_131, %ge3A_132 : i32
      %convert_element_type3A_134 = arith.extui %ge3A_133 : i1 to i32
      %cond3A_135 = arith.constant 0 : i32
      %cond3A_136 = arith.cmpi ne, %convert_element_type3A_134, %cond3A_135 : i32
      scf.if %cond3A_136 {
        %dma_wait3A_245 = arith.constant 1 : i32
        %dma_wait3A_246 = arith.constant 1 : i32
        %dma_wait3A_247 = arith.constant 0 : i32
        %dma_wait3A_248 = tpu.memref_slice %arg6[%dma_wait3A_245, %dma_wait3A_246, %dma_wait3A_247] : memref<4x2x128xi32, #tpu.memory_space<vmem>> -> memref<1x1x128xi32, #tpu.memory_space<vmem>>
        %dma_wait3A_249 = tpu.memref_squeeze %dma_wait3A_248 : memref<1x1x128xi32, #tpu.memory_space<vmem>> -> memref<128xi32, #tpu.memory_space<vmem>>
        %dma_wait3A_250 = arith.constant 0 : i32
        %dma_wait3A_251 = arith.constant 0 : i32
        %dma_wait3A_252 = tpu.memref_slice %arg17[%dma_wait3A_250, %dma_wait3A_251] : memref<10240x128xf32, #tpu.memory_space<vmem_shared>> -> memref<10240x128xf32, #tpu.memory_space<vmem_shared>>
        tpu.wait_indirect_dma semaphore(%arg11 : memref<!tpu.dma_semaphore, #tpu.memory_space<semaphore_mem>>) src(%arg7 : memref<128x128xf32, #tpu.memory_space<vmem>>) dst(%dma_wait3A_252 : memref<10240x128xf32, #tpu.memory_space<vmem_shared>>)
      } else {
      }
      %add3A_137 = arith.constant 1 : i32
      %add3A_138 = arith.addi %add3A_131, %add3A_137 : i32
      %lt3A_139 = arith.constant 80 : i32
      %lt3A_140 = arith.cmpi slt, %add3A_138, %lt3A_139 : i32
      %convert_element_type3A_141 = arith.extui %lt3A_140 : i1 to i32
      %cond3A_142 = arith.constant 0 : i32
      %cond3A_143 = arith.cmpi ne, %convert_element_type3A_141, %cond3A_142 : i32
      scf.if %cond3A_143 {
        %add3A_245 = arith.addi %mul3A_2, %add3A_131 : i32
        %add3A_246 = arith.constant 1 : i32
        %add3A_247 = arith.addi %add3A_245, %add3A_246 : i32
        %dma_wait3A_248 = arith.constant 2 : i32
        %dma_wait3A_249 = arith.constant 0 : i32
        %dma_wait3A_250 = arith.constant 0 : i32
        %dma_wait3A_251 = tpu.memref_slice %arg6[%dma_wait3A_248, %dma_wait3A_249, %dma_wait3A_250] : memref<4x2x128xi32, #tpu.memory_space<vmem>> -> memref<1x2x128xi32, #tpu.memory_space<vmem>>
        %dma_wait3A_252 = tpu.memref_squeeze %dma_wait3A_251 : memref<1x2x128xi32, #tpu.memory_space<vmem>> -> memref<2x128xi32, #tpu.memory_space<vmem>>
        %dma_wait3A_253 = arith.constant 0 : i32
        %dma_wait3A_254 = arith.constant 0 : i32
        %dma_wait3A_255 = tpu.memref_slice %arg3[%add3A_247, %dma_wait3A_253, %dma_wait3A_254] : memref<2560x2x128xi32, #tpu.memory_space<hbm>> -> memref<1x2x128xi32, #tpu.memory_space<hbm>>
        %dma_wait3A_256 = tpu.memref_squeeze %dma_wait3A_255 : memref<1x2x128xi32, #tpu.memory_space<hbm>> -> memref<2x128xi32, #tpu.memory_space<hbm>>
        %dma_wait3A_257 = arith.constant 0 : i32
        %dma_wait3A_258 = arith.constant 0 : i32
        %dma_wait3A_259 = tpu.memref_slice %arg6[%dma_wait3A_248, %dma_wait3A_257, %dma_wait3A_258] : memref<4x2x128xi32, #tpu.memory_space<vmem>> -> memref<1x2x128xi32, #tpu.memory_space<vmem>>
        %dma_wait3A_260 = tpu.memref_squeeze %dma_wait3A_259 : memref<1x2x128xi32, #tpu.memory_space<vmem>> -> memref<2x128xi32, #tpu.memory_space<vmem>>
        %dma_wait3A_261 = arith.constant 0 : i32
        %dma_wait3A_262 = arith.constant 0 : i32
        %dma_wait3A_263 = tpu.memref_slice %arg3[%add3A_247, %dma_wait3A_261, %dma_wait3A_262] : memref<2560x2x128xi32, #tpu.memory_space<hbm>> -> memref<1x2x128xi32, #tpu.memory_space<hbm>>
        %dma_wait3A_264 = tpu.memref_squeeze %dma_wait3A_263 : memref<1x2x128xi32, #tpu.memory_space<hbm>> -> memref<2x128xi32, #tpu.memory_space<hbm>>
        tpu.wait_dma2 semaphore(%arg15 : memref<!tpu.dma_semaphore, #tpu.memory_space<semaphore_mem>>) src(%dma_wait3A_264 : memref<2x128xi32, #tpu.memory_space<hbm>>) dst(%dma_wait3A_260 : memref<2x128xi32, #tpu.memory_space<vmem>>)
        %dma_start3A_265 = arith.constant 2 : i32
        %dma_start3A_266 = arith.constant 0 : i32
        %dma_start3A_267 = arith.constant 0 : i32
        %dma_start3A_268 = tpu.memref_slice %arg6[%dma_start3A_265, %dma_start3A_266, %dma_start3A_267] : memref<4x2x128xi32, #tpu.memory_space<vmem>> -> memref<1x1x128xi32, #tpu.memory_space<vmem>>
        %dma_start3A_269 = tpu.memref_squeeze %dma_start3A_268 : memref<1x1x128xi32, #tpu.memory_space<vmem>> -> memref<128xi32, #tpu.memory_space<vmem>>
        %dma_start3A_270 = arith.constant 0 : i32
        %dma_start3A_271 = arith.constant 0 : i32
        %dma_start3A_272 = tpu.memref_slice %arg2[%dma_start3A_270, %dma_start3A_271] : memref<10240x128xf32, #tpu.memory_space<hbm>> -> memref<10240x128xf32, #tpu.memory_space<hbm>>
        tpu.enqueue_indirect_dma source(%dma_start3A_272 : memref<10240x128xf32, #tpu.memory_space<hbm>>) target(%arg7 : memref<128x128xf32, #tpu.memory_space<vmem>>) offsets(%dma_start3A_269 : memref<128xi32, #tpu.memory_space<vmem>>) semaphore(%arg9 : memref<!tpu.dma_semaphore, #tpu.memory_space<semaphore_mem>>)
      } else {
      }
      %add3A_144 = arith.constant 2 : i32
      %add3A_145 = arith.addi %add3A_131, %add3A_144 : i32
      %lt3A_146 = arith.constant 80 : i32
      %lt3A_147 = arith.cmpi slt, %add3A_145, %lt3A_146 : i32
      %convert_element_type3A_148 = arith.extui %lt3A_147 : i1 to i32
      %cond3A_149 = arith.constant 0 : i32
      %cond3A_150 = arith.cmpi ne, %convert_element_type3A_148, %cond3A_149 : i32
      scf.if %cond3A_150 {
        %add3A_245 = arith.addi %mul3A_2, %add3A_131 : i32
        %add3A_246 = arith.constant 2 : i32
        %add3A_247 = arith.addi %add3A_245, %add3A_246 : i32
        %dma_start3A_248 = arith.constant 3 : i32
        %dma_start3A_249 = arith.constant 0 : i32
        %dma_start3A_250 = arith.constant 0 : i32
        %dma_start3A_251 = tpu.memref_slice %arg6[%dma_start3A_248, %dma_start3A_249, %dma_start3A_250] : memref<4x2x128xi32, #tpu.memory_space<vmem>> -> memref<1x2x128xi32, #tpu.memory_space<vmem>>
        %dma_start3A_252 = tpu.memref_squeeze %dma_start3A_251 : memref<1x2x128xi32, #tpu.memory_space<vmem>> -> memref<2x128xi32, #tpu.memory_space<vmem>>
        %dma_start3A_253 = arith.constant 0 : i32
        %dma_start3A_254 = arith.constant 0 : i32
        %dma_start3A_255 = tpu.memref_slice %arg3[%add3A_247, %dma_start3A_253, %dma_start3A_254] : memref<2560x2x128xi32, #tpu.memory_space<hbm>> -> memref<1x2x128xi32, #tpu.memory_space<hbm>>
        %dma_start3A_256 = tpu.memref_squeeze %dma_start3A_255 : memref<1x2x128xi32, #tpu.memory_space<hbm>> -> memref<2x128xi32, #tpu.memory_space<hbm>>
        %dma_start3A_257 = arith.constant 0 : i32
        %dma_start3A_258 = arith.constant 0 : i32
        %dma_start3A_259 = tpu.memref_slice %arg6[%dma_start3A_248, %dma_start3A_257, %dma_start3A_258] : memref<4x2x128xi32, #tpu.memory_space<vmem>> -> memref<1x2x128xi32, #tpu.memory_space<vmem>>
        %dma_start3A_260 = tpu.memref_squeeze %dma_start3A_259 : memref<1x2x128xi32, #tpu.memory_space<vmem>> -> memref<2x128xi32, #tpu.memory_space<vmem>>
        %dma_start3A_261 = arith.constant 0 : i32
        %dma_start3A_262 = arith.constant 0 : i32
        %dma_start3A_263 = tpu.memref_slice %arg3[%add3A_247, %dma_start3A_261, %dma_start3A_262] : memref<2560x2x128xi32, #tpu.memory_space<hbm>> -> memref<1x2x128xi32, #tpu.memory_space<hbm>>
        %dma_start3A_264 = tpu.memref_squeeze %dma_start3A_263 : memref<1x2x128xi32, #tpu.memory_space<hbm>> -> memref<2x128xi32, #tpu.memory_space<hbm>>
        tpu.enqueue_dma source(%dma_start3A_264 : memref<2x128xi32, #tpu.memory_space<hbm>>) target(%dma_start3A_260 : memref<2x128xi32, #tpu.memory_space<vmem>>) target_semaphore(%arg16 : memref<!tpu.dma_semaphore, #tpu.memory_space<semaphore_mem>>)
      } else {
      }
      %dma_wait3A_151 = arith.constant 1 : i32
      %dma_wait3A_152 = arith.constant 0 : i32
      %dma_wait3A_153 = arith.constant 0 : i32
      %dma_wait3A_154 = tpu.memref_slice %arg6[%dma_wait3A_151, %dma_wait3A_152, %dma_wait3A_153] : memref<4x2x128xi32, #tpu.memory_space<vmem>> -> memref<1x1x128xi32, #tpu.memory_space<vmem>>
      %dma_wait3A_155 = tpu.memref_squeeze %dma_wait3A_154 : memref<1x1x128xi32, #tpu.memory_space<vmem>> -> memref<128xi32, #tpu.memory_space<vmem>>
      %dma_wait3A_156 = arith.constant 0 : i32
      %dma_wait3A_157 = arith.constant 0 : i32
      %dma_wait3A_158 = tpu.memref_slice %arg2[%dma_wait3A_156, %dma_wait3A_157] : memref<10240x128xf32, #tpu.memory_space<hbm>> -> memref<10240x128xf32, #tpu.memory_space<hbm>>
      tpu.wait_indirect_dma semaphore(%arg10 : memref<!tpu.dma_semaphore, #tpu.memory_space<semaphore_mem>>) src(%dma_wait3A_158 : memref<10240x128xf32, #tpu.memory_space<hbm>>) dst(%arg8 : memref<128x128xf32, #tpu.memory_space<vmem>>)
      %dma_start3A_159 = arith.constant 1 : i32
      %dma_start3A_160 = arith.constant 1 : i32
      %dma_start3A_161 = arith.constant 0 : i32
      %dma_start3A_162 = tpu.memref_slice %arg6[%dma_start3A_159, %dma_start3A_160, %dma_start3A_161] : memref<4x2x128xi32, #tpu.memory_space<vmem>> -> memref<1x1x128xi32, #tpu.memory_space<vmem>>
      %dma_start3A_163 = tpu.memref_squeeze %dma_start3A_162 : memref<1x1x128xi32, #tpu.memory_space<vmem>> -> memref<128xi32, #tpu.memory_space<vmem>>
      %dma_start3A_164 = arith.constant 0 : i32
      %dma_start3A_165 = arith.constant 0 : i32
      %dma_start3A_166 = tpu.memref_slice %arg17[%dma_start3A_164, %dma_start3A_165] : memref<10240x128xf32, #tpu.memory_space<vmem_shared>> -> memref<10240x128xf32, #tpu.memory_space<vmem_shared>>
      tpu.enqueue_indirect_dma source(%arg8 : memref<128x128xf32, #tpu.memory_space<vmem>>) target(%dma_start3A_166 : memref<10240x128xf32, #tpu.memory_space<vmem_shared>>) offsets(%dma_start3A_163 : memref<128xi32, #tpu.memory_space<vmem>>) semaphore(%arg12 : memref<!tpu.dma_semaphore, #tpu.memory_space<semaphore_mem>>) {add = true}
      %mul3A_167 = arith.constant 4 : i32
      %mul3A_168 = arith.muli %mul3A_167, %scan3A_92 : i32
      %add3A_169 = arith.constant 2 : i32
      %add3A_170 = arith.addi %mul3A_168, %add3A_169 : i32
      %ge3A_171 = arith.constant 1 : i32
      %ge3A_172 = arith.cmpi sge, %add3A_170, %ge3A_171 : i32
      %convert_element_type3A_173 = arith.extui %ge3A_172 : i1 to i32
      %cond3A_174 = arith.constant 0 : i32
      %cond3A_175 = arith.cmpi ne, %convert_element_type3A_173, %cond3A_174 : i32
      scf.if %cond3A_175 {
        %dma_wait3A_245 = arith.constant 2 : i32
        %dma_wait3A_246 = arith.constant 1 : i32
        %dma_wait3A_247 = arith.constant 0 : i32
        %dma_wait3A_248 = tpu.memref_slice %arg6[%dma_wait3A_245, %dma_wait3A_246, %dma_wait3A_247] : memref<4x2x128xi32, #tpu.memory_space<vmem>> -> memref<1x1x128xi32, #tpu.memory_space<vmem>>
        %dma_wait3A_249 = tpu.memref_squeeze %dma_wait3A_248 : memref<1x1x128xi32, #tpu.memory_space<vmem>> -> memref<128xi32, #tpu.memory_space<vmem>>
        %dma_wait3A_250 = arith.constant 0 : i32
        %dma_wait3A_251 = arith.constant 0 : i32
        %dma_wait3A_252 = tpu.memref_slice %arg17[%dma_wait3A_250, %dma_wait3A_251] : memref<10240x128xf32, #tpu.memory_space<vmem_shared>> -> memref<10240x128xf32, #tpu.memory_space<vmem_shared>>
        tpu.wait_indirect_dma semaphore(%arg12 : memref<!tpu.dma_semaphore, #tpu.memory_space<semaphore_mem>>) src(%arg8 : memref<128x128xf32, #tpu.memory_space<vmem>>) dst(%dma_wait3A_252 : memref<10240x128xf32, #tpu.memory_space<vmem_shared>>)
      } else {
      }
      %add3A_176 = arith.constant 1 : i32
      %add3A_177 = arith.addi %add3A_170, %add3A_176 : i32
      %lt3A_178 = arith.constant 80 : i32
      %lt3A_179 = arith.cmpi slt, %add3A_177, %lt3A_178 : i32
      %convert_element_type3A_180 = arith.extui %lt3A_179 : i1 to i32
      %cond3A_181 = arith.constant 0 : i32
      %cond3A_182 = arith.cmpi ne, %convert_element_type3A_180, %cond3A_181 : i32
      scf.if %cond3A_182 {
        %add3A_245 = arith.addi %mul3A_2, %add3A_170 : i32
        %add3A_246 = arith.constant 1 : i32
        %add3A_247 = arith.addi %add3A_245, %add3A_246 : i32
        %dma_wait3A_248 = arith.constant 3 : i32
        %dma_wait3A_249 = arith.constant 0 : i32
        %dma_wait3A_250 = arith.constant 0 : i32
        %dma_wait3A_251 = tpu.memref_slice %arg6[%dma_wait3A_248, %dma_wait3A_249, %dma_wait3A_250] : memref<4x2x128xi32, #tpu.memory_space<vmem>> -> memref<1x2x128xi32, #tpu.memory_space<vmem>>
        %dma_wait3A_252 = tpu.memref_squeeze %dma_wait3A_251 : memref<1x2x128xi32, #tpu.memory_space<vmem>> -> memref<2x128xi32, #tpu.memory_space<vmem>>
        %dma_wait3A_253 = arith.constant 0 : i32
        %dma_wait3A_254 = arith.constant 0 : i32
        %dma_wait3A_255 = tpu.memref_slice %arg3[%add3A_247, %dma_wait3A_253, %dma_wait3A_254] : memref<2560x2x128xi32, #tpu.memory_space<hbm>> -> memref<1x2x128xi32, #tpu.memory_space<hbm>>
        %dma_wait3A_256 = tpu.memref_squeeze %dma_wait3A_255 : memref<1x2x128xi32, #tpu.memory_space<hbm>> -> memref<2x128xi32, #tpu.memory_space<hbm>>
        %dma_wait3A_257 = arith.constant 0 : i32
        %dma_wait3A_258 = arith.constant 0 : i32
        %dma_wait3A_259 = tpu.memref_slice %arg6[%dma_wait3A_248, %dma_wait3A_257, %dma_wait3A_258] : memref<4x2x128xi32, #tpu.memory_space<vmem>> -> memref<1x2x128xi32, #tpu.memory_space<vmem>>
        %dma_wait3A_260 = tpu.memref_squeeze %dma_wait3A_259 : memref<1x2x128xi32, #tpu.memory_space<vmem>> -> memref<2x128xi32, #tpu.memory_space<vmem>>
        %dma_wait3A_261 = arith.constant 0 : i32
        %dma_wait3A_262 = arith.constant 0 : i32
        %dma_wait3A_263 = tpu.memref_slice %arg3[%add3A_247, %dma_wait3A_261, %dma_wait3A_262] : memref<2560x2x128xi32, #tpu.memory_space<hbm>> -> memref<1x2x128xi32, #tpu.memory_space<hbm>>
        %dma_wait3A_264 = tpu.memref_squeeze %dma_wait3A_263 : memref<1x2x128xi32, #tpu.memory_space<hbm>> -> memref<2x128xi32, #tpu.memory_space<hbm>>
        tpu.wait_dma2 semaphore(%arg16 : memref<!tpu.dma_semaphore, #tpu.memory_space<semaphore_mem>>) src(%dma_wait3A_264 : memref<2x128xi32, #tpu.memory_space<hbm>>) dst(%dma_wait3A_260 : memref<2x128xi32, #tpu.memory_space<vmem>>)
        %dma_start3A_265 = arith.constant 3 : i32
        %dma_start3A_266 = arith.constant 0 : i32
        %dma_start3A_267 = arith.constant 0 : i32
        %dma_start3A_268 = tpu.memref_slice %arg6[%dma_start3A_265, %dma_start3A_266, %dma_start3A_267] : memref<4x2x128xi32, #tpu.memory_space<vmem>> -> memref<1x1x128xi32, #tpu.memory_space<vmem>>
        %dma_start3A_269 = tpu.memref_squeeze %dma_start3A_268 : memref<1x1x128xi32, #tpu.memory_space<vmem>> -> memref<128xi32, #tpu.memory_space<vmem>>
        %dma_start3A_270 = arith.constant 0 : i32
        %dma_start3A_271 = arith.constant 0 : i32
        %dma_start3A_272 = tpu.memref_slice %arg2[%dma_start3A_270, %dma_start3A_271] : memref<10240x128xf32, #tpu.memory_space<hbm>> -> memref<10240x128xf32, #tpu.memory_space<hbm>>
        tpu.enqueue_indirect_dma source(%dma_start3A_272 : memref<10240x128xf32, #tpu.memory_space<hbm>>) target(%arg8 : memref<128x128xf32, #tpu.memory_space<vmem>>) offsets(%dma_start3A_269 : memref<128xi32, #tpu.memory_space<vmem>>) semaphore(%arg10 : memref<!tpu.dma_semaphore, #tpu.memory_space<semaphore_mem>>)
      } else {
      }
      %add3A_183 = arith.constant 2 : i32
      %add3A_184 = arith.addi %add3A_170, %add3A_183 : i32
      %lt3A_185 = arith.constant 80 : i32
      %lt3A_186 = arith.cmpi slt, %add3A_184, %lt3A_185 : i32
      %convert_element_type3A_187 = arith.extui %lt3A_186 : i1 to i32
      %cond3A_188 = arith.constant 0 : i32
      %cond3A_189 = arith.cmpi ne, %convert_element_type3A_187, %cond3A_188 : i32
      scf.if %cond3A_189 {
        %add3A_245 = arith.addi %mul3A_2, %add3A_170 : i32
        %add3A_246 = arith.constant 2 : i32
        %add3A_247 = arith.addi %add3A_245, %add3A_246 : i32
        %dma_start3A_248 = arith.constant 0 : i32
        %dma_start3A_249 = arith.constant 0 : i32
        %dma_start3A_250 = arith.constant 0 : i32
        %dma_start3A_251 = tpu.memref_slice %arg6[%dma_start3A_248, %dma_start3A_249, %dma_start3A_250] : memref<4x2x128xi32, #tpu.memory_space<vmem>> -> memref<1x2x128xi32, #tpu.memory_space<vmem>>
        %dma_start3A_252 = tpu.memref_squeeze %dma_start3A_251 : memref<1x2x128xi32, #tpu.memory_space<vmem>> -> memref<2x128xi32, #tpu.memory_space<vmem>>
        %dma_start3A_253 = arith.constant 0 : i32
        %dma_start3A_254 = arith.constant 0 : i32
        %dma_start3A_255 = tpu.memref_slice %arg3[%add3A_247, %dma_start3A_253, %dma_start3A_254] : memref<2560x2x128xi32, #tpu.memory_space<hbm>> -> memref<1x2x128xi32, #tpu.memory_space<hbm>>
        %dma_start3A_256 = tpu.memref_squeeze %dma_start3A_255 : memref<1x2x128xi32, #tpu.memory_space<hbm>> -> memref<2x128xi32, #tpu.memory_space<hbm>>
        %dma_start3A_257 = arith.constant 0 : i32
        %dma_start3A_258 = arith.constant 0 : i32
        %dma_start3A_259 = tpu.memref_slice %arg6[%dma_start3A_248, %dma_start3A_257, %dma_start3A_258] : memref<4x2x128xi32, #tpu.memory_space<vmem>> -> memref<1x2x128xi32, #tpu.memory_space<vmem>>
        %dma_start3A_260 = tpu.memref_squeeze %dma_start3A_259 : memref<1x2x128xi32, #tpu.memory_space<vmem>> -> memref<2x128xi32, #tpu.memory_space<vmem>>
        %dma_start3A_261 = arith.constant 0 : i32
        %dma_start3A_262 = arith.constant 0 : i32
        %dma_start3A_263 = tpu.memref_slice %arg3[%add3A_247, %dma_start3A_261, %dma_start3A_262] : memref<2560x2x128xi32, #tpu.memory_space<hbm>> -> memref<1x2x128xi32, #tpu.memory_space<hbm>>
        %dma_start3A_264 = tpu.memref_squeeze %dma_start3A_263 : memref<1x2x128xi32, #tpu.memory_space<hbm>> -> memref<2x128xi32, #tpu.memory_space<hbm>>
        tpu.enqueue_dma source(%dma_start3A_264 : memref<2x128xi32, #tpu.memory_space<hbm>>) target(%dma_start3A_260 : memref<2x128xi32, #tpu.memory_space<vmem>>) target_semaphore(%arg13 : memref<!tpu.dma_semaphore, #tpu.memory_space<semaphore_mem>>)
      } else {
      }
      %dma_wait3A_190 = arith.constant 2 : i32
      %dma_wait3A_191 = arith.constant 0 : i32
      %dma_wait3A_192 = arith.constant 0 : i32
      %dma_wait3A_193 = tpu.memref_slice %arg6[%dma_wait3A_190, %dma_wait3A_191, %dma_wait3A_192] : memref<4x2x128xi32, #tpu.memory_space<vmem>> -> memref<1x1x128xi32, #tpu.memory_space<vmem>>
      %dma_wait3A_194 = tpu.memref_squeeze %dma_wait3A_193 : memref<1x1x128xi32, #tpu.memory_space<vmem>> -> memref<128xi32, #tpu.memory_space<vmem>>
      %dma_wait3A_195 = arith.constant 0 : i32
      %dma_wait3A_196 = arith.constant 0 : i32
      %dma_wait3A_197 = tpu.memref_slice %arg2[%dma_wait3A_195, %dma_wait3A_196] : memref<10240x128xf32, #tpu.memory_space<hbm>> -> memref<10240x128xf32, #tpu.memory_space<hbm>>
      tpu.wait_indirect_dma semaphore(%arg9 : memref<!tpu.dma_semaphore, #tpu.memory_space<semaphore_mem>>) src(%dma_wait3A_197 : memref<10240x128xf32, #tpu.memory_space<hbm>>) dst(%arg7 : memref<128x128xf32, #tpu.memory_space<vmem>>)
      %dma_start3A_198 = arith.constant 2 : i32
      %dma_start3A_199 = arith.constant 1 : i32
      %dma_start3A_200 = arith.constant 0 : i32
      %dma_start3A_201 = tpu.memref_slice %arg6[%dma_start3A_198, %dma_start3A_199, %dma_start3A_200] : memref<4x2x128xi32, #tpu.memory_space<vmem>> -> memref<1x1x128xi32, #tpu.memory_space<vmem>>
      %dma_start3A_202 = tpu.memref_squeeze %dma_start3A_201 : memref<1x1x128xi32, #tpu.memory_space<vmem>> -> memref<128xi32, #tpu.memory_space<vmem>>
      %dma_start3A_203 = arith.constant 0 : i32
      %dma_start3A_204 = arith.constant 0 : i32
      %dma_start3A_205 = tpu.memref_slice %arg17[%dma_start3A_203, %dma_start3A_204] : memref<10240x128xf32, #tpu.memory_space<vmem_shared>> -> memref<10240x128xf32, #tpu.memory_space<vmem_shared>>
      tpu.enqueue_indirect_dma source(%arg7 : memref<128x128xf32, #tpu.memory_space<vmem>>) target(%dma_start3A_205 : memref<10240x128xf32, #tpu.memory_space<vmem_shared>>) offsets(%dma_start3A_202 : memref<128xi32, #tpu.memory_space<vmem>>) semaphore(%arg11 : memref<!tpu.dma_semaphore, #tpu.memory_space<semaphore_mem>>) {add = true}
      %mul3A_206 = arith.constant 4 : i32
      %mul3A_207 = arith.muli %mul3A_206, %scan3A_92 : i32
      %add3A_208 = arith.constant 3 : i32
      %add3A_209 = arith.addi %mul3A_207, %add3A_208 : i32
      %ge3A_210 = arith.constant 1 : i32
      %ge3A_211 = arith.cmpi sge, %add3A_209, %ge3A_210 : i32
      %convert_element_type3A_212 = arith.extui %ge3A_211 : i1 to i32
      %cond3A_213 = arith.constant 0 : i32
      %cond3A_214 = arith.cmpi ne, %convert_element_type3A_212, %cond3A_213 : i32
      scf.if %cond3A_214 {
        %dma_wait3A_245 = arith.constant 3 : i32
        %dma_wait3A_246 = arith.constant 1 : i32
        %dma_wait3A_247 = arith.constant 0 : i32
        %dma_wait3A_248 = tpu.memref_slice %arg6[%dma_wait3A_245, %dma_wait3A_246, %dma_wait3A_247] : memref<4x2x128xi32, #tpu.memory_space<vmem>> -> memref<1x1x128xi32, #tpu.memory_space<vmem>>
        %dma_wait3A_249 = tpu.memref_squeeze %dma_wait3A_248 : memref<1x1x128xi32, #tpu.memory_space<vmem>> -> memref<128xi32, #tpu.memory_space<vmem>>
        %dma_wait3A_250 = arith.constant 0 : i32
        %dma_wait3A_251 = arith.constant 0 : i32
        %dma_wait3A_252 = tpu.memref_slice %arg17[%dma_wait3A_250, %dma_wait3A_251] : memref<10240x128xf32, #tpu.memory_space<vmem_shared>> -> memref<10240x128xf32, #tpu.memory_space<vmem_shared>>
        tpu.wait_indirect_dma semaphore(%arg11 : memref<!tpu.dma_semaphore, #tpu.memory_space<semaphore_mem>>) src(%arg7 : memref<128x128xf32, #tpu.memory_space<vmem>>) dst(%dma_wait3A_252 : memref<10240x128xf32, #tpu.memory_space<vmem_shared>>)
      } else {
      }
      %add3A_215 = arith.constant 1 : i32
      %add3A_216 = arith.addi %add3A_209, %add3A_215 : i32
      %lt3A_217 = arith.constant 80 : i32
      %lt3A_218 = arith.cmpi slt, %add3A_216, %lt3A_217 : i32
      %convert_element_type3A_219 = arith.extui %lt3A_218 : i1 to i32
      %cond3A_220 = arith.constant 0 : i32
      %cond3A_221 = arith.cmpi ne, %convert_element_type3A_219, %cond3A_220 : i32
      scf.if %cond3A_221 {
        %add3A_245 = arith.addi %mul3A_2, %add3A_209 : i32
        %add3A_246 = arith.constant 1 : i32
        %add3A_247 = arith.addi %add3A_245, %add3A_246 : i32
        %dma_wait3A_248 = arith.constant 0 : i32
        %dma_wait3A_249 = arith.constant 0 : i32
        %dma_wait3A_250 = arith.constant 0 : i32
        %dma_wait3A_251 = tpu.memref_slice %arg6[%dma_wait3A_248, %dma_wait3A_249, %dma_wait3A_250] : memref<4x2x128xi32, #tpu.memory_space<vmem>> -> memref<1x2x128xi32, #tpu.memory_space<vmem>>
        %dma_wait3A_252 = tpu.memref_squeeze %dma_wait3A_251 : memref<1x2x128xi32, #tpu.memory_space<vmem>> -> memref<2x128xi32, #tpu.memory_space<vmem>>
        %dma_wait3A_253 = arith.constant 0 : i32
        %dma_wait3A_254 = arith.constant 0 : i32
        %dma_wait3A_255 = tpu.memref_slice %arg3[%add3A_247, %dma_wait3A_253, %dma_wait3A_254] : memref<2560x2x128xi32, #tpu.memory_space<hbm>> -> memref<1x2x128xi32, #tpu.memory_space<hbm>>
        %dma_wait3A_256 = tpu.memref_squeeze %dma_wait3A_255 : memref<1x2x128xi32, #tpu.memory_space<hbm>> -> memref<2x128xi32, #tpu.memory_space<hbm>>
        %dma_wait3A_257 = arith.constant 0 : i32
        %dma_wait3A_258 = arith.constant 0 : i32
        %dma_wait3A_259 = tpu.memref_slice %arg6[%dma_wait3A_248, %dma_wait3A_257, %dma_wait3A_258] : memref<4x2x128xi32, #tpu.memory_space<vmem>> -> memref<1x2x128xi32, #tpu.memory_space<vmem>>
        %dma_wait3A_260 = tpu.memref_squeeze %dma_wait3A_259 : memref<1x2x128xi32, #tpu.memory_space<vmem>> -> memref<2x128xi32, #tpu.memory_space<vmem>>
        %dma_wait3A_261 = arith.constant 0 : i32
        %dma_wait3A_262 = arith.constant 0 : i32
        %dma_wait3A_263 = tpu.memref_slice %arg3[%add3A_247, %dma_wait3A_261, %dma_wait3A_262] : memref<2560x2x128xi32, #tpu.memory_space<hbm>> -> memref<1x2x128xi32, #tpu.memory_space<hbm>>
        %dma_wait3A_264 = tpu.memref_squeeze %dma_wait3A_263 : memref<1x2x128xi32, #tpu.memory_space<hbm>> -> memref<2x128xi32, #tpu.memory_space<hbm>>
        tpu.wait_dma2 semaphore(%arg13 : memref<!tpu.dma_semaphore, #tpu.memory_space<semaphore_mem>>) src(%dma_wait3A_264 : memref<2x128xi32, #tpu.memory_space<hbm>>) dst(%dma_wait3A_260 : memref<2x128xi32, #tpu.memory_space<vmem>>)
        %dma_start3A_265 = arith.constant 0 : i32
        %dma_start3A_266 = arith.constant 0 : i32
        %dma_start3A_267 = arith.constant 0 : i32
        %dma_start3A_268 = tpu.memref_slice %arg6[%dma_start3A_265, %dma_start3A_266, %dma_start3A_267] : memref<4x2x128xi32, #tpu.memory_space<vmem>> -> memref<1x1x128xi32, #tpu.memory_space<vmem>>
        %dma_start3A_269 = tpu.memref_squeeze %dma_start3A_268 : memref<1x1x128xi32, #tpu.memory_space<vmem>> -> memref<128xi32, #tpu.memory_space<vmem>>
        %dma_start3A_270 = arith.constant 0 : i32
        %dma_start3A_271 = arith.constant 0 : i32
        %dma_start3A_272 = tpu.memref_slice %arg2[%dma_start3A_270, %dma_start3A_271] : memref<10240x128xf32, #tpu.memory_space<hbm>> -> memref<10240x128xf32, #tpu.memory_space<hbm>>
        tpu.enqueue_indirect_dma source(%dma_start3A_272 : memref<10240x128xf32, #tpu.memory_space<hbm>>) target(%arg7 : memref<128x128xf32, #tpu.memory_space<vmem>>) offsets(%dma_start3A_269 : memref<128xi32, #tpu.memory_space<vmem>>) semaphore(%arg9 : memref<!tpu.dma_semaphore, #tpu.memory_space<semaphore_mem>>)
      } else {
      }
      %add3A_222 = arith.constant 2 : i32
      %add3A_223 = arith.addi %add3A_209, %add3A_222 : i32
      %lt3A_224 = arith.constant 80 : i32
      %lt3A_225 = arith.cmpi slt, %add3A_223, %lt3A_224 : i32
      %convert_element_type3A_226 = arith.extui %lt3A_225 : i1 to i32
      %cond3A_227 = arith.constant 0 : i32
      %cond3A_228 = arith.cmpi ne, %convert_element_type3A_226, %cond3A_227 : i32
      scf.if %cond3A_228 {
        %add3A_245 = arith.addi %mul3A_2, %add3A_209 : i32
        %add3A_246 = arith.constant 2 : i32
        %add3A_247 = arith.addi %add3A_245, %add3A_246 : i32
        %dma_start3A_248 = arith.constant 1 : i32
        %dma_start3A_249 = arith.constant 0 : i32
        %dma_start3A_250 = arith.constant 0 : i32
        %dma_start3A_251 = tpu.memref_slice %arg6[%dma_start3A_248, %dma_start3A_249, %dma_start3A_250] : memref<4x2x128xi32, #tpu.memory_space<vmem>> -> memref<1x2x128xi32, #tpu.memory_space<vmem>>
        %dma_start3A_252 = tpu.memref_squeeze %dma_start3A_251 : memref<1x2x128xi32, #tpu.memory_space<vmem>> -> memref<2x128xi32, #tpu.memory_space<vmem>>
        %dma_start3A_253 = arith.constant 0 : i32
        %dma_start3A_254 = arith.constant 0 : i32
        %dma_start3A_255 = tpu.memref_slice %arg3[%add3A_247, %dma_start3A_253, %dma_start3A_254] : memref<2560x2x128xi32, #tpu.memory_space<hbm>> -> memref<1x2x128xi32, #tpu.memory_space<hbm>>
        %dma_start3A_256 = tpu.memref_squeeze %dma_start3A_255 : memref<1x2x128xi32, #tpu.memory_space<hbm>> -> memref<2x128xi32, #tpu.memory_space<hbm>>
        %dma_start3A_257 = arith.constant 0 : i32
        %dma_start3A_258 = arith.constant 0 : i32
        %dma_start3A_259 = tpu.memref_slice %arg6[%dma_start3A_248, %dma_start3A_257, %dma_start3A_258] : memref<4x2x128xi32, #tpu.memory_space<vmem>> -> memref<1x2x128xi32, #tpu.memory_space<vmem>>
        %dma_start3A_260 = tpu.memref_squeeze %dma_start3A_259 : memref<1x2x128xi32, #tpu.memory_space<vmem>> -> memref<2x128xi32, #tpu.memory_space<vmem>>
        %dma_start3A_261 = arith.constant 0 : i32
        %dma_start3A_262 = arith.constant 0 : i32
        %dma_start3A_263 = tpu.memref_slice %arg3[%add3A_247, %dma_start3A_261, %dma_start3A_262] : memref<2560x2x128xi32, #tpu.memory_space<hbm>> -> memref<1x2x128xi32, #tpu.memory_space<hbm>>
        %dma_start3A_264 = tpu.memref_squeeze %dma_start3A_263 : memref<1x2x128xi32, #tpu.memory_space<hbm>> -> memref<2x128xi32, #tpu.memory_space<hbm>>
        tpu.enqueue_dma source(%dma_start3A_264 : memref<2x128xi32, #tpu.memory_space<hbm>>) target(%dma_start3A_260 : memref<2x128xi32, #tpu.memory_space<vmem>>) target_semaphore(%arg14 : memref<!tpu.dma_semaphore, #tpu.memory_space<semaphore_mem>>)
      } else {
      }
      %dma_wait3A_229 = arith.constant 3 : i32
      %dma_wait3A_230 = arith.constant 0 : i32
      %dma_wait3A_231 = arith.constant 0 : i32
      %dma_wait3A_232 = tpu.memref_slice %arg6[%dma_wait3A_229, %dma_wait3A_230, %dma_wait3A_231] : memref<4x2x128xi32, #tpu.memory_space<vmem>> -> memref<1x1x128xi32, #tpu.memory_space<vmem>>
      %dma_wait3A_233 = tpu.memref_squeeze %dma_wait3A_232 : memref<1x1x128xi32, #tpu.memory_space<vmem>> -> memref<128xi32, #tpu.memory_space<vmem>>
      %dma_wait3A_234 = arith.constant 0 : i32
      %dma_wait3A_235 = arith.constant 0 : i32
      %dma_wait3A_236 = tpu.memref_slice %arg2[%dma_wait3A_234, %dma_wait3A_235] : memref<10240x128xf32, #tpu.memory_space<hbm>> -> memref<10240x128xf32, #tpu.memory_space<hbm>>
      tpu.wait_indirect_dma semaphore(%arg10 : memref<!tpu.dma_semaphore, #tpu.memory_space<semaphore_mem>>) src(%dma_wait3A_236 : memref<10240x128xf32, #tpu.memory_space<hbm>>) dst(%arg8 : memref<128x128xf32, #tpu.memory_space<vmem>>)
      %dma_start3A_237 = arith.constant 3 : i32
      %dma_start3A_238 = arith.constant 1 : i32
      %dma_start3A_239 = arith.constant 0 : i32
      %dma_start3A_240 = tpu.memref_slice %arg6[%dma_start3A_237, %dma_start3A_238, %dma_start3A_239] : memref<4x2x128xi32, #tpu.memory_space<vmem>> -> memref<1x1x128xi32, #tpu.memory_space<vmem>>
      %dma_start3A_241 = tpu.memref_squeeze %dma_start3A_240 : memref<1x1x128xi32, #tpu.memory_space<vmem>> -> memref<128xi32, #tpu.memory_space<vmem>>
      %dma_start3A_242 = arith.constant 0 : i32
      %dma_start3A_243 = arith.constant 0 : i32
      %dma_start3A_244 = tpu.memref_slice %arg17[%dma_start3A_242, %dma_start3A_243] : memref<10240x128xf32, #tpu.memory_space<vmem_shared>> -> memref<10240x128xf32, #tpu.memory_space<vmem_shared>>
      tpu.enqueue_indirect_dma source(%arg8 : memref<128x128xf32, #tpu.memory_space<vmem>>) target(%dma_start3A_244 : memref<10240x128xf32, #tpu.memory_space<vmem_shared>>) offsets(%dma_start3A_241 : memref<128xi32, #tpu.memory_space<vmem>>) semaphore(%arg12 : memref<!tpu.dma_semaphore, #tpu.memory_space<semaphore_mem>>) {add = true}
    }
    %scan3A_78 = arith.constant 20 : i32
    %dma_wait3A_79 = arith.constant 0 : i32
    %dma_wait3A_80 = arith.constant 1 : i32
    %dma_wait3A_81 = arith.constant 0 : i32
    %dma_wait3A_82 = tpu.memref_slice %arg6[%dma_wait3A_79, %dma_wait3A_80, %dma_wait3A_81] : memref<4x2x128xi32, #tpu.memory_space<vmem>> -> memref<1x1x128xi32, #tpu.memory_space<vmem>>
    %dma_wait3A_83 = tpu.memref_squeeze %dma_wait3A_82 : memref<1x1x128xi32, #tpu.memory_space<vmem>> -> memref<128xi32, #tpu.memory_space<vmem>>
    %dma_wait3A_84 = arith.constant 0 : i32
    %dma_wait3A_85 = arith.constant 0 : i32
    %dma_wait3A_86 = tpu.memref_slice %arg17[%dma_wait3A_84, %dma_wait3A_85] : memref<10240x128xf32, #tpu.memory_space<vmem_shared>> -> memref<10240x128xf32, #tpu.memory_space<vmem_shared>>
    tpu.wait_indirect_dma semaphore(%arg12 : memref<!tpu.dma_semaphore, #tpu.memory_space<semaphore_mem>>) src(%arg8 : memref<128x128xf32, #tpu.memory_space<vmem>>) dst(%dma_wait3A_86 : memref<10240x128xf32, #tpu.memory_space<vmem_shared>>)
    %barrier3A_87 = arith.constant 0 : index
    tpu.barrier barrier_id(%barrier3A_87)
    %mul3A_88 = arith.constant 10240 : i32
    %mul3A_89 = arith.muli %arg0, %mul3A_88 : i32
    %add3A_90 = arith.addi %mul3A_89, %mul3A_4 : i32
    "tpu.region"() ({
      %run_scoped3A = tpu.sem_alloc : memref<!tpu.dma_semaphore, #tpu.memory_space<semaphore_mem>>
      %dma_start3A_92 = arith.constant 0 : i32
      %dma_start3A_93 = tpu.memref_slice %arg5[%add3A_90, %dma_start3A_92] : memref<20480x128xf32, #tpu.memory_space<hbm>> -> memref<640x128xf32, #tpu.memory_space<hbm>>
      %dma_start3A_94 = arith.constant 0 : i32
      %dma_start3A_95 = tpu.memref_slice %arg17[%mul3A_4, %dma_start3A_94] : memref<10240x128xf32, #tpu.memory_space<vmem_shared>> -> memref<640x128xf32, #tpu.memory_space<vmem_shared>>
      tpu.enqueue_dma source(%dma_start3A_95 : memref<640x128xf32, #tpu.memory_space<vmem_shared>>) target(%dma_start3A_93 : memref<640x128xf32, #tpu.memory_space<hbm>>) target_semaphore(%run_scoped3A : memref<!tpu.dma_semaphore, #tpu.memory_space<semaphore_mem>>)
      %dma_wait3A_96 = arith.constant 0 : i32
      %dma_wait3A_97 = tpu.memref_slice %arg5[%add3A_90, %dma_wait3A_96] : memref<20480x128xf32, #tpu.memory_space<hbm>> -> memref<640x128xf32, #tpu.memory_space<hbm>>
      %dma_wait3A_98 = arith.constant 0 : i32
      %dma_wait3A_99 = tpu.memref_slice %arg17[%mul3A_4, %dma_wait3A_98] : memref<10240x128xf32, #tpu.memory_space<vmem_shared>> -> memref<640x128xf32, #tpu.memory_space<vmem_shared>>
      tpu.wait_dma2 semaphore(%run_scoped3A : memref<!tpu.dma_semaphore, #tpu.memory_space<semaphore_mem>>) src(%dma_wait3A_99 : memref<640x128xf32, #tpu.memory_space<vmem_shared>>) dst(%dma_wait3A_97 : memref<640x128xf32, #tpu.memory_space<hbm>>)
      tpu.yield
    }) : () -> ()
    %barrier3A_91 = arith.constant 0 : index
    tpu.barrier barrier_id(%barrier3A_91)
    return
  }
}

#map = affine_map<(d0, d1) -> (0, 0, 0)>
#map1 = affine_map<(d0, d1) -> (0, 0)>
module attributes {stable_mosaic.version = 14 : i64} {
  func.func @_deg_kernel(%arg0: i32, %arg1: i32, %arg2: memref<2560x2x128xi32, #tpu.memory_space<hbm>>, %arg3: memref<128x128xf32, #tpu.memory_space<hbm>>, %arg4: memref<128x128xf32, #tpu.memory_space<hbm>>, %arg5: memref<20480x128xf32, #tpu.memory_space<hbm>>, %arg6: memref<2x2x128xi32, #tpu.memory_space<vmem>>, %arg7: memref<128x128xf32, #tpu.memory_space<vmem>>, %arg8: memref<128x128xf32, #tpu.memory_space<vmem>>, %arg9: memref<!tpu.dma_semaphore, #tpu.memory_space<semaphore_mem>>, %arg10: memref<!tpu.dma_semaphore, #tpu.memory_space<semaphore_mem>>, %arg11: memref<10240x128xf32, #tpu.memory_space<vmem_shared>>) attributes {dimension_semantics = [#tpu.dimension_semantics<core_parallel>, #tpu.dimension_semantics<subcore_parallel>], iteration_bounds = array<i64: 2, 16>, scalar_prefetch = 0 : i64, scratch_operands = 6 : i64, tpu.core_type = #tpu.core_type<sc_vector_subcore>, window_params = [{transform_indices = #map}, {transform_indices = #map1}, {transform_indices = #map1}, {transform_indices = #map1}]} {
    %mul3A = arith.constant 16 : i32
    %mul3A_0 = arith.muli %arg0, %mul3A : i32
    %add3A = arith.addi %mul3A_0, %arg1 : i32
    %mul3A_1 = arith.constant 80 : i32
    %mul3A_2 = arith.muli %add3A, %mul3A_1 : i32
    "tpu.region"() ({
      %run_scoped3A = tpu.sem_alloc : memref<!tpu.dma_semaphore, #tpu.memory_space<semaphore_mem>>
      tpu.enqueue_dma source(%arg3 : memref<128x128xf32, #tpu.memory_space<hbm>>) target(%arg7 : memref<128x128xf32, #tpu.memory_space<vmem>>) target_semaphore(%run_scoped3A : memref<!tpu.dma_semaphore, #tpu.memory_space<semaphore_mem>>)
      tpu.wait_dma2 semaphore(%run_scoped3A : memref<!tpu.dma_semaphore, #tpu.memory_space<semaphore_mem>>) src(%arg3 : memref<128x128xf32, #tpu.memory_space<hbm>>) dst(%arg7 : memref<128x128xf32, #tpu.memory_space<vmem>>)
      tpu.yield
    }) : () -> ()
    "tpu.region"() ({
      %run_scoped3A = tpu.sem_alloc : memref<!tpu.dma_semaphore, #tpu.memory_space<semaphore_mem>>
      tpu.enqueue_dma source(%arg4 : memref<128x128xf32, #tpu.memory_space<hbm>>) target(%arg8 : memref<128x128xf32, #tpu.memory_space<vmem>>) target_semaphore(%run_scoped3A : memref<!tpu.dma_semaphore, #tpu.memory_space<semaphore_mem>>)
      tpu.wait_dma2 semaphore(%run_scoped3A : memref<!tpu.dma_semaphore, #tpu.memory_space<semaphore_mem>>) src(%arg4 : memref<128x128xf32, #tpu.memory_space<hbm>>) dst(%arg8 : memref<128x128xf32, #tpu.memory_space<vmem>>)
      tpu.yield
    }) : () -> ()
    %mul3A_3 = arith.constant 640 : i32
    %mul3A_4 = arith.muli %arg1, %mul3A_3 : i32
    %add3A_5 = arith.constant 0 : i32
    %add3A_6 = arith.addi %mul3A_4, %add3A_5 : i32
    "tpu.region"() ({
      %run_scoped3A = tpu.sem_alloc : memref<!tpu.dma_semaphore, #tpu.memory_space<semaphore_mem>>
      %dma_start3A_41 = arith.constant 0 : i32
      %dma_start3A_42 = tpu.memref_slice %arg11[%add3A_6, %dma_start3A_41] : memref<10240x128xf32, #tpu.memory_space<vmem_shared>> -> memref<128x128xf32, #tpu.memory_space<vmem_shared>>
      %dma_start3A_43 = arith.constant 0 : i32
      %dma_start3A_44 = tpu.memref_slice %arg11[%add3A_6, %dma_start3A_43] : memref<10240x128xf32, #tpu.memory_space<vmem_shared>> -> memref<128x128xf32, #tpu.memory_space<vmem_shared>>
      tpu.enqueue_dma source(%arg8 : memref<128x128xf32, #tpu.memory_space<vmem>>) target(%dma_start3A_44 : memref<128x128xf32, #tpu.memory_space<vmem_shared>>) target_semaphore(%run_scoped3A : memref<!tpu.dma_semaphore, #tpu.memory_space<semaphore_mem>>)
      %dma_wait3A = arith.constant 0 : i32
      %dma_wait3A_45 = tpu.memref_slice %arg11[%add3A_6, %dma_wait3A] : memref<10240x128xf32, #tpu.memory_space<vmem_shared>> -> memref<128x128xf32, #tpu.memory_space<vmem_shared>>
      %dma_wait3A_46 = arith.constant 0 : i32
      %dma_wait3A_47 = tpu.memref_slice %arg11[%add3A_6, %dma_wait3A_46] : memref<10240x128xf32, #tpu.memory_space<vmem_shared>> -> memref<128x128xf32, #tpu.memory_space<vmem_shared>>
      tpu.wait_dma2 semaphore(%run_scoped3A : memref<!tpu.dma_semaphore, #tpu.memory_space<semaphore_mem>>) src(%arg8 : memref<128x128xf32, #tpu.memory_space<vmem>>) dst(%dma_wait3A_47 : memref<128x128xf32, #tpu.memory_space<vmem_shared>>)
      tpu.yield
    }) : () -> ()
    %add3A_7 = arith.constant 128 : i32
    %add3A_8 = arith.addi %mul3A_4, %add3A_7 : i32
    "tpu.region"() ({
      %run_scoped3A = tpu.sem_alloc : memref<!tpu.dma_semaphore, #tpu.memory_space<semaphore_mem>>
      %dma_start3A_41 = arith.constant 0 : i32
      %dma_start3A_42 = tpu.memref_slice %arg11[%add3A_8, %dma_start3A_41] : memref<10240x128xf32, #tpu.memory_space<vmem_shared>> -> memref<128x128xf32, #tpu.memory_space<vmem_shared>>
      %dma_start3A_43 = arith.constant 0 : i32
      %dma_start3A_44 = tpu.memref_slice %arg11[%add3A_8, %dma_start3A_43] : memref<10240x128xf32, #tpu.memory_space<vmem_shared>> -> memref<128x128xf32, #tpu.memory_space<vmem_shared>>
      tpu.enqueue_dma source(%arg8 : memref<128x128xf32, #tpu.memory_space<vmem>>) target(%dma_start3A_44 : memref<128x128xf32, #tpu.memory_space<vmem_shared>>) target_semaphore(%run_scoped3A : memref<!tpu.dma_semaphore, #tpu.memory_space<semaphore_mem>>)
      %dma_wait3A = arith.constant 0 : i32
      %dma_wait3A_45 = tpu.memref_slice %arg11[%add3A_8, %dma_wait3A] : memref<10240x128xf32, #tpu.memory_space<vmem_shared>> -> memref<128x128xf32, #tpu.memory_space<vmem_shared>>
      %dma_wait3A_46 = arith.constant 0 : i32
      %dma_wait3A_47 = tpu.memref_slice %arg11[%add3A_8, %dma_wait3A_46] : memref<10240x128xf32, #tpu.memory_space<vmem_shared>> -> memref<128x128xf32, #tpu.memory_space<vmem_shared>>
      tpu.wait_dma2 semaphore(%run_scoped3A : memref<!tpu.dma_semaphore, #tpu.memory_space<semaphore_mem>>) src(%arg8 : memref<128x128xf32, #tpu.memory_space<vmem>>) dst(%dma_wait3A_47 : memref<128x128xf32, #tpu.memory_space<vmem_shared>>)
      tpu.yield
    }) : () -> ()
    %add3A_9 = arith.constant 256 : i32
    %add3A_10 = arith.addi %mul3A_4, %add3A_9 : i32
    "tpu.region"() ({
      %run_scoped3A = tpu.sem_alloc : memref<!tpu.dma_semaphore, #tpu.memory_space<semaphore_mem>>
      %dma_start3A_41 = arith.constant 0 : i32
      %dma_start3A_42 = tpu.memref_slice %arg11[%add3A_10, %dma_start3A_41] : memref<10240x128xf32, #tpu.memory_space<vmem_shared>> -> memref<128x128xf32, #tpu.memory_space<vmem_shared>>
      %dma_start3A_43 = arith.constant 0 : i32
      %dma_start3A_44 = tpu.memref_slice %arg11[%add3A_10, %dma_start3A_43] : memref<10240x128xf32, #tpu.memory_space<vmem_shared>> -> memref<128x128xf32, #tpu.memory_space<vmem_shared>>
      tpu.enqueue_dma source(%arg8 : memref<128x128xf32, #tpu.memory_space<vmem>>) target(%dma_start3A_44 : memref<128x128xf32, #tpu.memory_space<vmem_shared>>) target_semaphore(%run_scoped3A : memref<!tpu.dma_semaphore, #tpu.memory_space<semaphore_mem>>)
      %dma_wait3A = arith.constant 0 : i32
      %dma_wait3A_45 = tpu.memref_slice %arg11[%add3A_10, %dma_wait3A] : memref<10240x128xf32, #tpu.memory_space<vmem_shared>> -> memref<128x128xf32, #tpu.memory_space<vmem_shared>>
      %dma_wait3A_46 = arith.constant 0 : i32
      %dma_wait3A_47 = tpu.memref_slice %arg11[%add3A_10, %dma_wait3A_46] : memref<10240x128xf32, #tpu.memory_space<vmem_shared>> -> memref<128x128xf32, #tpu.memory_space<vmem_shared>>
      tpu.wait_dma2 semaphore(%run_scoped3A : memref<!tpu.dma_semaphore, #tpu.memory_space<semaphore_mem>>) src(%arg8 : memref<128x128xf32, #tpu.memory_space<vmem>>) dst(%dma_wait3A_47 : memref<128x128xf32, #tpu.memory_space<vmem_shared>>)
      tpu.yield
    }) : () -> ()
    %add3A_11 = arith.constant 384 : i32
    %add3A_12 = arith.addi %mul3A_4, %add3A_11 : i32
    "tpu.region"() ({
      %run_scoped3A = tpu.sem_alloc : memref<!tpu.dma_semaphore, #tpu.memory_space<semaphore_mem>>
      %dma_start3A_41 = arith.constant 0 : i32
      %dma_start3A_42 = tpu.memref_slice %arg11[%add3A_12, %dma_start3A_41] : memref<10240x128xf32, #tpu.memory_space<vmem_shared>> -> memref<128x128xf32, #tpu.memory_space<vmem_shared>>
      %dma_start3A_43 = arith.constant 0 : i32
      %dma_start3A_44 = tpu.memref_slice %arg11[%add3A_12, %dma_start3A_43] : memref<10240x128xf32, #tpu.memory_space<vmem_shared>> -> memref<128x128xf32, #tpu.memory_space<vmem_shared>>
      tpu.enqueue_dma source(%arg8 : memref<128x128xf32, #tpu.memory_space<vmem>>) target(%dma_start3A_44 : memref<128x128xf32, #tpu.memory_space<vmem_shared>>) target_semaphore(%run_scoped3A : memref<!tpu.dma_semaphore, #tpu.memory_space<semaphore_mem>>)
      %dma_wait3A = arith.constant 0 : i32
      %dma_wait3A_45 = tpu.memref_slice %arg11[%add3A_12, %dma_wait3A] : memref<10240x128xf32, #tpu.memory_space<vmem_shared>> -> memref<128x128xf32, #tpu.memory_space<vmem_shared>>
      %dma_wait3A_46 = arith.constant 0 : i32
      %dma_wait3A_47 = tpu.memref_slice %arg11[%add3A_12, %dma_wait3A_46] : memref<10240x128xf32, #tpu.memory_space<vmem_shared>> -> memref<128x128xf32, #tpu.memory_space<vmem_shared>>
      tpu.wait_dma2 semaphore(%run_scoped3A : memref<!tpu.dma_semaphore, #tpu.memory_space<semaphore_mem>>) src(%arg8 : memref<128x128xf32, #tpu.memory_space<vmem>>) dst(%dma_wait3A_47 : memref<128x128xf32, #tpu.memory_space<vmem_shared>>)
      tpu.yield
    }) : () -> ()
    %add3A_13 = arith.constant 512 : i32
    %add3A_14 = arith.addi %mul3A_4, %add3A_13 : i32
    "tpu.region"() ({
      %run_scoped3A = tpu.sem_alloc : memref<!tpu.dma_semaphore, #tpu.memory_space<semaphore_mem>>
      %dma_start3A_41 = arith.constant 0 : i32
      %dma_start3A_42 = tpu.memref_slice %arg11[%add3A_14, %dma_start3A_41] : memref<10240x128xf32, #tpu.memory_space<vmem_shared>> -> memref<128x128xf32, #tpu.memory_space<vmem_shared>>
      %dma_start3A_43 = arith.constant 0 : i32
      %dma_start3A_44 = tpu.memref_slice %arg11[%add3A_14, %dma_start3A_43] : memref<10240x128xf32, #tpu.memory_space<vmem_shared>> -> memref<128x128xf32, #tpu.memory_space<vmem_shared>>
      tpu.enqueue_dma source(%arg8 : memref<128x128xf32, #tpu.memory_space<vmem>>) target(%dma_start3A_44 : memref<128x128xf32, #tpu.memory_space<vmem_shared>>) target_semaphore(%run_scoped3A : memref<!tpu.dma_semaphore, #tpu.memory_space<semaphore_mem>>)
      %dma_wait3A = arith.constant 0 : i32
      %dma_wait3A_45 = tpu.memref_slice %arg11[%add3A_14, %dma_wait3A] : memref<10240x128xf32, #tpu.memory_space<vmem_shared>> -> memref<128x128xf32, #tpu.memory_space<vmem_shared>>
      %dma_wait3A_46 = arith.constant 0 : i32
      %dma_wait3A_47 = tpu.memref_slice %arg11[%add3A_14, %dma_wait3A_46] : memref<10240x128xf32, #tpu.memory_space<vmem_shared>> -> memref<128x128xf32, #tpu.memory_space<vmem_shared>>
      tpu.wait_dma2 semaphore(%run_scoped3A : memref<!tpu.dma_semaphore, #tpu.memory_space<semaphore_mem>>) src(%arg8 : memref<128x128xf32, #tpu.memory_space<vmem>>) dst(%dma_wait3A_47 : memref<128x128xf32, #tpu.memory_space<vmem_shared>>)
      tpu.yield
    }) : () -> ()
    %barrier3A = arith.constant 0 : index
    tpu.barrier barrier_id(%barrier3A)
    %dma_start3A = arith.constant 0 : i32
    %dma_start3A_15 = arith.constant 0 : i32
    %dma_start3A_16 = arith.constant 0 : i32
    %dma_start3A_17 = tpu.memref_slice %arg6[%dma_start3A, %dma_start3A_15, %dma_start3A_16] : memref<2x2x128xi32, #tpu.memory_space<vmem>> -> memref<1x2x128xi32, #tpu.memory_space<vmem>>
    %dma_start3A_18 = tpu.memref_squeeze %dma_start3A_17 : memref<1x2x128xi32, #tpu.memory_space<vmem>> -> memref<2x128xi32, #tpu.memory_space<vmem>>
    %dma_start3A_19 = arith.constant 0 : i32
    %dma_start3A_20 = arith.constant 0 : i32
    %dma_start3A_21 = tpu.memref_slice %arg2[%mul3A_2, %dma_start3A_19, %dma_start3A_20] : memref<2560x2x128xi32, #tpu.memory_space<hbm>> -> memref<1x2x128xi32, #tpu.memory_space<hbm>>
    %dma_start3A_22 = tpu.memref_squeeze %dma_start3A_21 : memref<1x2x128xi32, #tpu.memory_space<hbm>> -> memref<2x128xi32, #tpu.memory_space<hbm>>
    %dma_start3A_23 = arith.constant 0 : i32
    %dma_start3A_24 = arith.constant 0 : i32
    %dma_start3A_25 = tpu.memref_slice %arg6[%dma_start3A, %dma_start3A_23, %dma_start3A_24] : memref<2x2x128xi32, #tpu.memory_space<vmem>> -> memref<1x2x128xi32, #tpu.memory_space<vmem>>
    %dma_start3A_26 = tpu.memref_squeeze %dma_start3A_25 : memref<1x2x128xi32, #tpu.memory_space<vmem>> -> memref<2x128xi32, #tpu.memory_space<vmem>>
    %dma_start3A_27 = arith.constant 0 : i32
    %dma_start3A_28 = arith.constant 0 : i32
    %dma_start3A_29 = tpu.memref_slice %arg2[%mul3A_2, %dma_start3A_27, %dma_start3A_28] : memref<2560x2x128xi32, #tpu.memory_space<hbm>> -> memref<1x2x128xi32, #tpu.memory_space<hbm>>
    %dma_start3A_30 = tpu.memref_squeeze %dma_start3A_29 : memref<1x2x128xi32, #tpu.memory_space<hbm>> -> memref<2x128xi32, #tpu.memory_space<hbm>>
    tpu.enqueue_dma source(%dma_start3A_30 : memref<2x128xi32, #tpu.memory_space<hbm>>) target(%dma_start3A_26 : memref<2x128xi32, #tpu.memory_space<vmem>>) target_semaphore(%arg9 : memref<!tpu.dma_semaphore, #tpu.memory_space<semaphore_mem>>)
    %scan3A = arith.constant 0 : i32
    %scan3A_31 = arith.constant 0 : i32
    %scan3A_32 = arith.constant 40 : i32
    %scan3A_33 = arith.addi %scan3A_31, %scan3A_32 : i32
    %scan3A_34 = arith.constant 1 : i32
    scf.for %scan3A_41 = %scan3A_31 to %scan3A_33 step %scan3A_34  : i32 {
      %mul3A_42 = arith.constant 2 : i32
      %mul3A_43 = arith.muli %mul3A_42, %scan3A_41 : i32
      %add3A_44 = arith.constant 0 : i32
      %add3A_45 = arith.addi %mul3A_43, %add3A_44 : i32
      %add3A_46 = arith.addi %mul3A_2, %add3A_45 : i32
      %dma_wait3A = arith.constant 0 : i32
      %dma_wait3A_47 = arith.constant 0 : i32
      %dma_wait3A_48 = arith.constant 0 : i32
      %dma_wait3A_49 = tpu.memref_slice %arg6[%dma_wait3A, %dma_wait3A_47, %dma_wait3A_48] : memref<2x2x128xi32, #tpu.memory_space<vmem>> -> memref<1x2x128xi32, #tpu.memory_space<vmem>>
      %dma_wait3A_50 = tpu.memref_squeeze %dma_wait3A_49 : memref<1x2x128xi32, #tpu.memory_space<vmem>> -> memref<2x128xi32, #tpu.memory_space<vmem>>
      %dma_wait3A_51 = arith.constant 0 : i32
      %dma_wait3A_52 = arith.constant 0 : i32
      %dma_wait3A_53 = tpu.memref_slice %arg2[%add3A_46, %dma_wait3A_51, %dma_wait3A_52] : memref<2560x2x128xi32, #tpu.memory_space<hbm>> -> memref<1x2x128xi32, #tpu.memory_space<hbm>>
      %dma_wait3A_54 = tpu.memref_squeeze %dma_wait3A_53 : memref<1x2x128xi32, #tpu.memory_space<hbm>> -> memref<2x128xi32, #tpu.memory_space<hbm>>
      %dma_wait3A_55 = arith.constant 0 : i32
      %dma_wait3A_56 = arith.constant 0 : i32
      %dma_wait3A_57 = tpu.memref_slice %arg6[%dma_wait3A, %dma_wait3A_55, %dma_wait3A_56] : memref<2x2x128xi32, #tpu.memory_space<vmem>> -> memref<1x2x128xi32, #tpu.memory_space<vmem>>
      %dma_wait3A_58 = tpu.memref_squeeze %dma_wait3A_57 : memref<1x2x128xi32, #tpu.memory_space<vmem>> -> memref<2x128xi32, #tpu.memory_space<vmem>>
      %dma_wait3A_59 = arith.constant 0 : i32
      %dma_wait3A_60 = arith.constant 0 : i32
      %dma_wait3A_61 = tpu.memref_slice %arg2[%add3A_46, %dma_wait3A_59, %dma_wait3A_60] : memref<2560x2x128xi32, #tpu.memory_space<hbm>> -> memref<1x2x128xi32, #tpu.memory_space<hbm>>
      %dma_wait3A_62 = tpu.memref_squeeze %dma_wait3A_61 : memref<1x2x128xi32, #tpu.memory_space<hbm>> -> memref<2x128xi32, #tpu.memory_space<hbm>>
      tpu.wait_dma2 semaphore(%arg9 : memref<!tpu.dma_semaphore, #tpu.memory_space<semaphore_mem>>) src(%dma_wait3A_62 : memref<2x128xi32, #tpu.memory_space<hbm>>) dst(%dma_wait3A_58 : memref<2x128xi32, #tpu.memory_space<vmem>>)
      %add3A_63 = arith.constant 1 : i32
      %add3A_64 = arith.addi %add3A_45, %add3A_63 : i32
      %lt3A = arith.constant 80 : i32
      %lt3A_65 = arith.cmpi slt, %add3A_64, %lt3A : i32
      %convert_element_type3A = arith.extui %lt3A_65 : i1 to i32
      %cond3A = arith.constant 0 : i32
      %cond3A_66 = arith.cmpi ne, %convert_element_type3A, %cond3A : i32
      scf.if %cond3A_66 {
        %add3A_99 = arith.addi %mul3A_2, %add3A_45 : i32
        %add3A_100 = arith.constant 1 : i32
        %add3A_101 = arith.addi %add3A_99, %add3A_100 : i32
        %dma_start3A_102 = arith.constant 1 : i32
        %dma_start3A_103 = arith.constant 0 : i32
        %dma_start3A_104 = arith.constant 0 : i32
        %dma_start3A_105 = tpu.memref_slice %arg6[%dma_start3A_102, %dma_start3A_103, %dma_start3A_104] : memref<2x2x128xi32, #tpu.memory_space<vmem>> -> memref<1x2x128xi32, #tpu.memory_space<vmem>>
        %dma_start3A_106 = tpu.memref_squeeze %dma_start3A_105 : memref<1x2x128xi32, #tpu.memory_space<vmem>> -> memref<2x128xi32, #tpu.memory_space<vmem>>
        %dma_start3A_107 = arith.constant 0 : i32
        %dma_start3A_108 = arith.constant 0 : i32
        %dma_start3A_109 = tpu.memref_slice %arg2[%add3A_101, %dma_start3A_107, %dma_start3A_108] : memref<2560x2x128xi32, #tpu.memory_space<hbm>> -> memref<1x2x128xi32, #tpu.memory_space<hbm>>
        %dma_start3A_110 = tpu.memref_squeeze %dma_start3A_109 : memref<1x2x128xi32, #tpu.memory_space<hbm>> -> memref<2x128xi32, #tpu.memory_space<hbm>>
        %dma_start3A_111 = arith.constant 0 : i32
        %dma_start3A_112 = arith.constant 0 : i32
        %dma_start3A_113 = tpu.memref_slice %arg6[%dma_start3A_102, %dma_start3A_111, %dma_start3A_112] : memref<2x2x128xi32, #tpu.memory_space<vmem>> -> memref<1x2x128xi32, #tpu.memory_space<vmem>>
        %dma_start3A_114 = tpu.memref_squeeze %dma_start3A_113 : memref<1x2x128xi32, #tpu.memory_space<vmem>> -> memref<2x128xi32, #tpu.memory_space<vmem>>
        %dma_start3A_115 = arith.constant 0 : i32
        %dma_start3A_116 = arith.constant 0 : i32
        %dma_start3A_117 = tpu.memref_slice %arg2[%add3A_101, %dma_start3A_115, %dma_start3A_116] : memref<2560x2x128xi32, #tpu.memory_space<hbm>> -> memref<1x2x128xi32, #tpu.memory_space<hbm>>
        %dma_start3A_118 = tpu.memref_squeeze %dma_start3A_117 : memref<1x2x128xi32, #tpu.memory_space<hbm>> -> memref<2x128xi32, #tpu.memory_space<hbm>>
        tpu.enqueue_dma source(%dma_start3A_118 : memref<2x128xi32, #tpu.memory_space<hbm>>) target(%dma_start3A_114 : memref<2x128xi32, #tpu.memory_space<vmem>>) target_semaphore(%arg10 : memref<!tpu.dma_semaphore, #tpu.memory_space<semaphore_mem>>)
      } else {
      }
      %run_scoped3A = arith.constant 0 : i32
      %run_scoped3A_67 = arith.constant 1 : i32
      "tpu.region"() ({
        %run_scoped3A_99 = tpu.sem_alloc : memref<!tpu.dma_semaphore, #tpu.memory_space<semaphore_mem>>
        %dma_start3A_100 = arith.constant 0 : i32
        %dma_start3A_101 = tpu.memref_slice %arg6[%run_scoped3A, %run_scoped3A_67, %dma_start3A_100] : memref<2x2x128xi32, #tpu.memory_space<vmem>> -> memref<1x1x128xi32, #tpu.memory_space<vmem>>
        %dma_start3A_102 = tpu.memref_squeeze %dma_start3A_101 : memref<1x1x128xi32, #tpu.memory_space<vmem>> -> memref<128xi32, #tpu.memory_space<vmem>>
        %dma_start3A_103 = arith.constant 0 : i32
        %dma_start3A_104 = arith.constant 0 : i32
        %dma_start3A_105 = tpu.memref_slice %arg11[%dma_start3A_103, %dma_start3A_104] : memref<10240x128xf32, #tpu.memory_space<vmem_shared>> -> memref<10240x128xf32, #tpu.memory_space<vmem_shared>>
        tpu.enqueue_indirect_dma source(%arg7 : memref<128x128xf32, #tpu.memory_space<vmem>>) target(%dma_start3A_105 : memref<10240x128xf32, #tpu.memory_space<vmem_shared>>) offsets(%dma_start3A_102 : memref<128xi32, #tpu.memory_space<vmem>>) semaphore(%run_scoped3A_99 : memref<!tpu.dma_semaphore, #tpu.memory_space<semaphore_mem>>) {add = true}
        %dma_wait3A_106 = arith.constant 0 : i32
        %dma_wait3A_107 = tpu.memref_slice %arg6[%run_scoped3A, %run_scoped3A_67, %dma_wait3A_106] : memref<2x2x128xi32, #tpu.memory_space<vmem>> -> memref<1x1x128xi32, #tpu.memory_space<vmem>>
        %dma_wait3A_108 = tpu.memref_squeeze %dma_wait3A_107 : memref<1x1x128xi32, #tpu.memory_space<vmem>> -> memref<128xi32, #tpu.memory_space<vmem>>
        %dma_wait3A_109 = arith.constant 0 : i32
        %dma_wait3A_110 = arith.constant 0 : i32
        %dma_wait3A_111 = tpu.memref_slice %arg11[%dma_wait3A_109, %dma_wait3A_110] : memref<10240x128xf32, #tpu.memory_space<vmem_shared>> -> memref<10240x128xf32, #tpu.memory_space<vmem_shared>>
        tpu.wait_indirect_dma semaphore(%run_scoped3A_99 : memref<!tpu.dma_semaphore, #tpu.memory_space<semaphore_mem>>) src(%arg7 : memref<128x128xf32, #tpu.memory_space<vmem>>) dst(%dma_wait3A_111 : memref<10240x128xf32, #tpu.memory_space<vmem_shared>>)
        tpu.yield
      }) : () -> ()
      %mul3A_68 = arith.constant 2 : i32
      %mul3A_69 = arith.muli %mul3A_68, %scan3A_41 : i32
      %add3A_70 = arith.constant 1 : i32
      %add3A_71 = arith.addi %mul3A_69, %add3A_70 : i32
      %add3A_72 = arith.addi %mul3A_2, %add3A_71 : i32
      %dma_wait3A_73 = arith.constant 1 : i32
      %dma_wait3A_74 = arith.constant 0 : i32
      %dma_wait3A_75 = arith.constant 0 : i32
      %dma_wait3A_76 = tpu.memref_slice %arg6[%dma_wait3A_73, %dma_wait3A_74, %dma_wait3A_75] : memref<2x2x128xi32, #tpu.memory_space<vmem>> -> memref<1x2x128xi32, #tpu.memory_space<vmem>>
      %dma_wait3A_77 = tpu.memref_squeeze %dma_wait3A_76 : memref<1x2x128xi32, #tpu.memory_space<vmem>> -> memref<2x128xi32, #tpu.memory_space<vmem>>
      %dma_wait3A_78 = arith.constant 0 : i32
      %dma_wait3A_79 = arith.constant 0 : i32
      %dma_wait3A_80 = tpu.memref_slice %arg2[%add3A_72, %dma_wait3A_78, %dma_wait3A_79] : memref<2560x2x128xi32, #tpu.memory_space<hbm>> -> memref<1x2x128xi32, #tpu.memory_space<hbm>>
      %dma_wait3A_81 = tpu.memref_squeeze %dma_wait3A_80 : memref<1x2x128xi32, #tpu.memory_space<hbm>> -> memref<2x128xi32, #tpu.memory_space<hbm>>
      %dma_wait3A_82 = arith.constant 0 : i32
      %dma_wait3A_83 = arith.constant 0 : i32
      %dma_wait3A_84 = tpu.memref_slice %arg6[%dma_wait3A_73, %dma_wait3A_82, %dma_wait3A_83] : memref<2x2x128xi32, #tpu.memory_space<vmem>> -> memref<1x2x128xi32, #tpu.memory_space<vmem>>
      %dma_wait3A_85 = tpu.memref_squeeze %dma_wait3A_84 : memref<1x2x128xi32, #tpu.memory_space<vmem>> -> memref<2x128xi32, #tpu.memory_space<vmem>>
      %dma_wait3A_86 = arith.constant 0 : i32
      %dma_wait3A_87 = arith.constant 0 : i32
      %dma_wait3A_88 = tpu.memref_slice %arg2[%add3A_72, %dma_wait3A_86, %dma_wait3A_87] : memref<2560x2x128xi32, #tpu.memory_space<hbm>> -> memref<1x2x128xi32, #tpu.memory_space<hbm>>
      %dma_wait3A_89 = tpu.memref_squeeze %dma_wait3A_88 : memref<1x2x128xi32, #tpu.memory_space<hbm>> -> memref<2x128xi32, #tpu.memory_space<hbm>>
      tpu.wait_dma2 semaphore(%arg10 : memref<!tpu.dma_semaphore, #tpu.memory_space<semaphore_mem>>) src(%dma_wait3A_89 : memref<2x128xi32, #tpu.memory_space<hbm>>) dst(%dma_wait3A_85 : memref<2x128xi32, #tpu.memory_space<vmem>>)
      %add3A_90 = arith.constant 1 : i32
      %add3A_91 = arith.addi %add3A_71, %add3A_90 : i32
      %lt3A_92 = arith.constant 80 : i32
      %lt3A_93 = arith.cmpi slt, %add3A_91, %lt3A_92 : i32
      %convert_element_type3A_94 = arith.extui %lt3A_93 : i1 to i32
      %cond3A_95 = arith.constant 0 : i32
      %cond3A_96 = arith.cmpi ne, %convert_element_type3A_94, %cond3A_95 : i32
      scf.if %cond3A_96 {
        %add3A_99 = arith.addi %mul3A_2, %add3A_71 : i32
        %add3A_100 = arith.constant 1 : i32
        %add3A_101 = arith.addi %add3A_99, %add3A_100 : i32
        %dma_start3A_102 = arith.constant 0 : i32
        %dma_start3A_103 = arith.constant 0 : i32
        %dma_start3A_104 = arith.constant 0 : i32
        %dma_start3A_105 = tpu.memref_slice %arg6[%dma_start3A_102, %dma_start3A_103, %dma_start3A_104] : memref<2x2x128xi32, #tpu.memory_space<vmem>> -> memref<1x2x128xi32, #tpu.memory_space<vmem>>
        %dma_start3A_106 = tpu.memref_squeeze %dma_start3A_105 : memref<1x2x128xi32, #tpu.memory_space<vmem>> -> memref<2x128xi32, #tpu.memory_space<vmem>>
        %dma_start3A_107 = arith.constant 0 : i32
        %dma_start3A_108 = arith.constant 0 : i32
        %dma_start3A_109 = tpu.memref_slice %arg2[%add3A_101, %dma_start3A_107, %dma_start3A_108] : memref<2560x2x128xi32, #tpu.memory_space<hbm>> -> memref<1x2x128xi32, #tpu.memory_space<hbm>>
        %dma_start3A_110 = tpu.memref_squeeze %dma_start3A_109 : memref<1x2x128xi32, #tpu.memory_space<hbm>> -> memref<2x128xi32, #tpu.memory_space<hbm>>
        %dma_start3A_111 = arith.constant 0 : i32
        %dma_start3A_112 = arith.constant 0 : i32
        %dma_start3A_113 = tpu.memref_slice %arg6[%dma_start3A_102, %dma_start3A_111, %dma_start3A_112] : memref<2x2x128xi32, #tpu.memory_space<vmem>> -> memref<1x2x128xi32, #tpu.memory_space<vmem>>
        %dma_start3A_114 = tpu.memref_squeeze %dma_start3A_113 : memref<1x2x128xi32, #tpu.memory_space<vmem>> -> memref<2x128xi32, #tpu.memory_space<vmem>>
        %dma_start3A_115 = arith.constant 0 : i32
        %dma_start3A_116 = arith.constant 0 : i32
        %dma_start3A_117 = tpu.memref_slice %arg2[%add3A_101, %dma_start3A_115, %dma_start3A_116] : memref<2560x2x128xi32, #tpu.memory_space<hbm>> -> memref<1x2x128xi32, #tpu.memory_space<hbm>>
        %dma_start3A_118 = tpu.memref_squeeze %dma_start3A_117 : memref<1x2x128xi32, #tpu.memory_space<hbm>> -> memref<2x128xi32, #tpu.memory_space<hbm>>
        tpu.enqueue_dma source(%dma_start3A_118 : memref<2x128xi32, #tpu.memory_space<hbm>>) target(%dma_start3A_114 : memref<2x128xi32, #tpu.memory_space<vmem>>) target_semaphore(%arg9 : memref<!tpu.dma_semaphore, #tpu.memory_space<semaphore_mem>>)
      } else {
      }
      %run_scoped3A_97 = arith.constant 1 : i32
      %run_scoped3A_98 = arith.constant 1 : i32
      "tpu.region"() ({
        %run_scoped3A_99 = tpu.sem_alloc : memref<!tpu.dma_semaphore, #tpu.memory_space<semaphore_mem>>
        %dma_start3A_100 = arith.constant 0 : i32
        %dma_start3A_101 = tpu.memref_slice %arg6[%run_scoped3A_97, %run_scoped3A_98, %dma_start3A_100] : memref<2x2x128xi32, #tpu.memory_space<vmem>> -> memref<1x1x128xi32, #tpu.memory_space<vmem>>
        %dma_start3A_102 = tpu.memref_squeeze %dma_start3A_101 : memref<1x1x128xi32, #tpu.memory_space<vmem>> -> memref<128xi32, #tpu.memory_space<vmem>>
        %dma_start3A_103 = arith.constant 0 : i32
        %dma_start3A_104 = arith.constant 0 : i32
        %dma_start3A_105 = tpu.memref_slice %arg11[%dma_start3A_103, %dma_start3A_104] : memref<10240x128xf32, #tpu.memory_space<vmem_shared>> -> memref<10240x128xf32, #tpu.memory_space<vmem_shared>>
        tpu.enqueue_indirect_dma source(%arg7 : memref<128x128xf32, #tpu.memory_space<vmem>>) target(%dma_start3A_105 : memref<10240x128xf32, #tpu.memory_space<vmem_shared>>) offsets(%dma_start3A_102 : memref<128xi32, #tpu.memory_space<vmem>>) semaphore(%run_scoped3A_99 : memref<!tpu.dma_semaphore, #tpu.memory_space<semaphore_mem>>) {add = true}
        %dma_wait3A_106 = arith.constant 0 : i32
        %dma_wait3A_107 = tpu.memref_slice %arg6[%run_scoped3A_97, %run_scoped3A_98, %dma_wait3A_106] : memref<2x2x128xi32, #tpu.memory_space<vmem>> -> memref<1x1x128xi32, #tpu.memory_space<vmem>>
        %dma_wait3A_108 = tpu.memref_squeeze %dma_wait3A_107 : memref<1x1x128xi32, #tpu.memory_space<vmem>> -> memref<128xi32, #tpu.memory_space<vmem>>
        %dma_wait3A_109 = arith.constant 0 : i32
        %dma_wait3A_110 = arith.constant 0 : i32
        %dma_wait3A_111 = tpu.memref_slice %arg11[%dma_wait3A_109, %dma_wait3A_110] : memref<10240x128xf32, #tpu.memory_space<vmem_shared>> -> memref<10240x128xf32, #tpu.memory_space<vmem_shared>>
        tpu.wait_indirect_dma semaphore(%run_scoped3A_99 : memref<!tpu.dma_semaphore, #tpu.memory_space<semaphore_mem>>) src(%arg7 : memref<128x128xf32, #tpu.memory_space<vmem>>) dst(%dma_wait3A_111 : memref<10240x128xf32, #tpu.memory_space<vmem_shared>>)
        tpu.yield
      }) : () -> ()
    }
    %scan3A_35 = arith.constant 40 : i32
    %barrier3A_36 = arith.constant 0 : index
    tpu.barrier barrier_id(%barrier3A_36)
    %mul3A_37 = arith.constant 10240 : i32
    %mul3A_38 = arith.muli %arg0, %mul3A_37 : i32
    %add3A_39 = arith.addi %mul3A_38, %mul3A_4 : i32
    "tpu.region"() ({
      %run_scoped3A = tpu.sem_alloc : memref<!tpu.dma_semaphore, #tpu.memory_space<semaphore_mem>>
      %dma_start3A_41 = arith.constant 0 : i32
      %dma_start3A_42 = tpu.memref_slice %arg5[%add3A_39, %dma_start3A_41] : memref<20480x128xf32, #tpu.memory_space<hbm>> -> memref<640x128xf32, #tpu.memory_space<hbm>>
      %dma_start3A_43 = arith.constant 0 : i32
      %dma_start3A_44 = tpu.memref_slice %arg11[%mul3A_4, %dma_start3A_43] : memref<10240x128xf32, #tpu.memory_space<vmem_shared>> -> memref<640x128xf32, #tpu.memory_space<vmem_shared>>
      tpu.enqueue_dma source(%dma_start3A_44 : memref<640x128xf32, #tpu.memory_space<vmem_shared>>) target(%dma_start3A_42 : memref<640x128xf32, #tpu.memory_space<hbm>>) target_semaphore(%run_scoped3A : memref<!tpu.dma_semaphore, #tpu.memory_space<semaphore_mem>>)
      %dma_wait3A = arith.constant 0 : i32
      %dma_wait3A_45 = tpu.memref_slice %arg5[%add3A_39, %dma_wait3A] : memref<20480x128xf32, #tpu.memory_space<hbm>> -> memref<640x128xf32, #tpu.memory_space<hbm>>
      %dma_wait3A_46 = arith.constant 0 : i32
      %dma_wait3A_47 = tpu.memref_slice %arg11[%mul3A_4, %dma_wait3A_46] : memref<10240x128xf32, #tpu.memory_space<vmem_shared>> -> memref<640x128xf32, #tpu.memory_space<vmem_shared>>
      tpu.wait_dma2 semaphore(%run_scoped3A : memref<!tpu.dma_semaphore, #tpu.memory_space<semaphore_mem>>) src(%dma_wait3A_47 : memref<640x128xf32, #tpu.memory_space<vmem_shared>>) dst(%dma_wait3A_45 : memref<640x128xf32, #tpu.memory_space<hbm>>)
      tpu.yield
    }) : () -> ()
    %barrier3A_40 = arith.constant 0 : index
    tpu.barrier barrier_id(%barrier3A_40)
    return
  }
}

#map = affine_map<(d0, d1) -> (0, 0)>
#map1 = affine_map<(d0, d1) -> (0, 0, 0)>
module attributes {stable_mosaic.version = 14 : i64} {
  func.func @_segsum_kernel(%arg0: i32, %arg1: i32, %arg2: memref<10240x128xf32, #tpu.memory_space<hbm>>, %arg3: memref<2560x2x128xi32, #tpu.memory_space<hbm>>, %arg4: memref<128x128xf32, #tpu.memory_space<hbm>>, %arg5: memref<20480x128xf32, #tpu.memory_space<hbm>>, %arg6: memref<4x2x128xi32, #tpu.memory_space<vmem>>, %arg7: memref<128x128xf32, #tpu.memory_space<vmem>>, %arg8: memref<128x128xf32, #tpu.memory_space<vmem>>, %arg9: memref<!tpu.dma_semaphore, #tpu.memory_space<semaphore_mem>>, %arg10: memref<!tpu.dma_semaphore, #tpu.memory_space<semaphore_mem>>, %arg11: memref<!tpu.dma_semaphore, #tpu.memory_space<semaphore_mem>>, %arg12: memref<!tpu.dma_semaphore, #tpu.memory_space<semaphore_mem>>, %arg13: memref<!tpu.dma_semaphore, #tpu.memory_space<semaphore_mem>>, %arg14: memref<!tpu.dma_semaphore, #tpu.memory_space<semaphore_mem>>, %arg15: memref<!tpu.dma_semaphore, #tpu.memory_space<semaphore_mem>>, %arg16: memref<!tpu.dma_semaphore, #tpu.memory_space<semaphore_mem>>, %arg17: memref<10240x128xf32, #tpu.memory_space<vmem_shared>>) attributes {dimension_semantics = [#tpu.dimension_semantics<core_parallel>, #tpu.dimension_semantics<subcore_parallel>], iteration_bounds = array<i64: 2, 16>, scalar_prefetch = 0 : i64, scratch_operands = 12 : i64, tpu.core_type = #tpu.core_type<sc_vector_subcore>, window_params = [{transform_indices = #map}, {transform_indices = #map1}, {transform_indices = #map}, {transform_indices = #map}]} {
    %mul3A = arith.constant 16 : i32
    %mul3A_0 = arith.muli %arg0, %mul3A : i32
    %add3A = arith.addi %mul3A_0, %arg1 : i32
    %mul3A_1 = arith.constant 80 : i32
    %mul3A_2 = arith.muli %add3A, %mul3A_1 : i32
    "tpu.region"() ({
      %run_scoped3A = tpu.sem_alloc : memref<!tpu.dma_semaphore, #tpu.memory_space<semaphore_mem>>
      tpu.enqueue_dma source(%arg4 : memref<128x128xf32, #tpu.memory_space<hbm>>) target(%arg7 : memref<128x128xf32, #tpu.memory_space<vmem>>) target_semaphore(%run_scoped3A : memref<!tpu.dma_semaphore, #tpu.memory_space<semaphore_mem>>)
      tpu.wait_dma2 semaphore(%run_scoped3A : memref<!tpu.dma_semaphore, #tpu.memory_space<semaphore_mem>>) src(%arg4 : memref<128x128xf32, #tpu.memory_space<hbm>>) dst(%arg7 : memref<128x128xf32, #tpu.memory_space<vmem>>)
      tpu.yield
    }) : () -> ()
    %mul3A_3 = arith.constant 640 : i32
    %mul3A_4 = arith.muli %arg1, %mul3A_3 : i32
    %add3A_5 = arith.constant 0 : i32
    %add3A_6 = arith.addi %mul3A_4, %add3A_5 : i32
    "tpu.region"() ({
      %run_scoped3A = tpu.sem_alloc : memref<!tpu.dma_semaphore, #tpu.memory_space<semaphore_mem>>
      %dma_start3A_92 = arith.constant 0 : i32
      %dma_start3A_93 = tpu.memref_slice %arg17[%add3A_6, %dma_start3A_92] : memref<10240x128xf32, #tpu.memory_space<vmem_shared>> -> memref<128x128xf32, #tpu.memory_space<vmem_shared>>
      %dma_start3A_94 = arith.constant 0 : i32
      %dma_start3A_95 = tpu.memref_slice %arg17[%add3A_6, %dma_start3A_94] : memref<10240x128xf32, #tpu.memory_space<vmem_shared>> -> memref<128x128xf32, #tpu.memory_space<vmem_shared>>
      tpu.enqueue_dma source(%arg7 : memref<128x128xf32, #tpu.memory_space<vmem>>) target(%dma_start3A_95 : memref<128x128xf32, #tpu.memory_space<vmem_shared>>) target_semaphore(%run_scoped3A : memref<!tpu.dma_semaphore, #tpu.memory_space<semaphore_mem>>)
      %dma_wait3A_96 = arith.constant 0 : i32
      %dma_wait3A_97 = tpu.memref_slice %arg17[%add3A_6, %dma_wait3A_96] : memref<10240x128xf32, #tpu.memory_space<vmem_shared>> -> memref<128x128xf32, #tpu.memory_space<vmem_shared>>
      %dma_wait3A_98 = arith.constant 0 : i32
      %dma_wait3A_99 = tpu.memref_slice %arg17[%add3A_6, %dma_wait3A_98] : memref<10240x128xf32, #tpu.memory_space<vmem_shared>> -> memref<128x128xf32, #tpu.memory_space<vmem_shared>>
      tpu.wait_dma2 semaphore(%run_scoped3A : memref<!tpu.dma_semaphore, #tpu.memory_space<semaphore_mem>>) src(%arg7 : memref<128x128xf32, #tpu.memory_space<vmem>>) dst(%dma_wait3A_99 : memref<128x128xf32, #tpu.memory_space<vmem_shared>>)
      tpu.yield
    }) : () -> ()
    %add3A_7 = arith.constant 128 : i32
    %add3A_8 = arith.addi %mul3A_4, %add3A_7 : i32
    "tpu.region"() ({
      %run_scoped3A = tpu.sem_alloc : memref<!tpu.dma_semaphore, #tpu.memory_space<semaphore_mem>>
      %dma_start3A_92 = arith.constant 0 : i32
      %dma_start3A_93 = tpu.memref_slice %arg17[%add3A_8, %dma_start3A_92] : memref<10240x128xf32, #tpu.memory_space<vmem_shared>> -> memref<128x128xf32, #tpu.memory_space<vmem_shared>>
      %dma_start3A_94 = arith.constant 0 : i32
      %dma_start3A_95 = tpu.memref_slice %arg17[%add3A_8, %dma_start3A_94] : memref<10240x128xf32, #tpu.memory_space<vmem_shared>> -> memref<128x128xf32, #tpu.memory_space<vmem_shared>>
      tpu.enqueue_dma source(%arg7 : memref<128x128xf32, #tpu.memory_space<vmem>>) target(%dma_start3A_95 : memref<128x128xf32, #tpu.memory_space<vmem_shared>>) target_semaphore(%run_scoped3A : memref<!tpu.dma_semaphore, #tpu.memory_space<semaphore_mem>>)
      %dma_wait3A_96 = arith.constant 0 : i32
      %dma_wait3A_97 = tpu.memref_slice %arg17[%add3A_8, %dma_wait3A_96] : memref<10240x128xf32, #tpu.memory_space<vmem_shared>> -> memref<128x128xf32, #tpu.memory_space<vmem_shared>>
      %dma_wait3A_98 = arith.constant 0 : i32
      %dma_wait3A_99 = tpu.memref_slice %arg17[%add3A_8, %dma_wait3A_98] : memref<10240x128xf32, #tpu.memory_space<vmem_shared>> -> memref<128x128xf32, #tpu.memory_space<vmem_shared>>
      tpu.wait_dma2 semaphore(%run_scoped3A : memref<!tpu.dma_semaphore, #tpu.memory_space<semaphore_mem>>) src(%arg7 : memref<128x128xf32, #tpu.memory_space<vmem>>) dst(%dma_wait3A_99 : memref<128x128xf32, #tpu.memory_space<vmem_shared>>)
      tpu.yield
    }) : () -> ()
    %add3A_9 = arith.constant 256 : i32
    %add3A_10 = arith.addi %mul3A_4, %add3A_9 : i32
    "tpu.region"() ({
      %run_scoped3A = tpu.sem_alloc : memref<!tpu.dma_semaphore, #tpu.memory_space<semaphore_mem>>
      %dma_start3A_92 = arith.constant 0 : i32
      %dma_start3A_93 = tpu.memref_slice %arg17[%add3A_10, %dma_start3A_92] : memref<10240x128xf32, #tpu.memory_space<vmem_shared>> -> memref<128x128xf32, #tpu.memory_space<vmem_shared>>
      %dma_start3A_94 = arith.constant 0 : i32
      %dma_start3A_95 = tpu.memref_slice %arg17[%add3A_10, %dma_start3A_94] : memref<10240x128xf32, #tpu.memory_space<vmem_shared>> -> memref<128x128xf32, #tpu.memory_space<vmem_shared>>
      tpu.enqueue_dma source(%arg7 : memref<128x128xf32, #tpu.memory_space<vmem>>) target(%dma_start3A_95 : memref<128x128xf32, #tpu.memory_space<vmem_shared>>) target_semaphore(%run_scoped3A : memref<!tpu.dma_semaphore, #tpu.memory_space<semaphore_mem>>)
      %dma_wait3A_96 = arith.constant 0 : i32
      %dma_wait3A_97 = tpu.memref_slice %arg17[%add3A_10, %dma_wait3A_96] : memref<10240x128xf32, #tpu.memory_space<vmem_shared>> -> memref<128x128xf32, #tpu.memory_space<vmem_shared>>
      %dma_wait3A_98 = arith.constant 0 : i32
      %dma_wait3A_99 = tpu.memref_slice %arg17[%add3A_10, %dma_wait3A_98] : memref<10240x128xf32, #tpu.memory_space<vmem_shared>> -> memref<128x128xf32, #tpu.memory_space<vmem_shared>>
      tpu.wait_dma2 semaphore(%run_scoped3A : memref<!tpu.dma_semaphore, #tpu.memory_space<semaphore_mem>>) src(%arg7 : memref<128x128xf32, #tpu.memory_space<vmem>>) dst(%dma_wait3A_99 : memref<128x128xf32, #tpu.memory_space<vmem_shared>>)
      tpu.yield
    }) : () -> ()
    %add3A_11 = arith.constant 384 : i32
    %add3A_12 = arith.addi %mul3A_4, %add3A_11 : i32
    "tpu.region"() ({
      %run_scoped3A = tpu.sem_alloc : memref<!tpu.dma_semaphore, #tpu.memory_space<semaphore_mem>>
      %dma_start3A_92 = arith.constant 0 : i32
      %dma_start3A_93 = tpu.memref_slice %arg17[%add3A_12, %dma_start3A_92] : memref<10240x128xf32, #tpu.memory_space<vmem_shared>> -> memref<128x128xf32, #tpu.memory_space<vmem_shared>>
      %dma_start3A_94 = arith.constant 0 : i32
      %dma_start3A_95 = tpu.memref_slice %arg17[%add3A_12, %dma_start3A_94] : memref<10240x128xf32, #tpu.memory_space<vmem_shared>> -> memref<128x128xf32, #tpu.memory_space<vmem_shared>>
      tpu.enqueue_dma source(%arg7 : memref<128x128xf32, #tpu.memory_space<vmem>>) target(%dma_start3A_95 : memref<128x128xf32, #tpu.memory_space<vmem_shared>>) target_semaphore(%run_scoped3A : memref<!tpu.dma_semaphore, #tpu.memory_space<semaphore_mem>>)
      %dma_wait3A_96 = arith.constant 0 : i32
      %dma_wait3A_97 = tpu.memref_slice %arg17[%add3A_12, %dma_wait3A_96] : memref<10240x128xf32, #tpu.memory_space<vmem_shared>> -> memref<128x128xf32, #tpu.memory_space<vmem_shared>>
      %dma_wait3A_98 = arith.constant 0 : i32
      %dma_wait3A_99 = tpu.memref_slice %arg17[%add3A_12, %dma_wait3A_98] : memref<10240x128xf32, #tpu.memory_space<vmem_shared>> -> memref<128x128xf32, #tpu.memory_space<vmem_shared>>
      tpu.wait_dma2 semaphore(%run_scoped3A : memref<!tpu.dma_semaphore, #tpu.memory_space<semaphore_mem>>) src(%arg7 : memref<128x128xf32, #tpu.memory_space<vmem>>) dst(%dma_wait3A_99 : memref<128x128xf32, #tpu.memory_space<vmem_shared>>)
      tpu.yield
    }) : () -> ()
    %add3A_13 = arith.constant 512 : i32
    %add3A_14 = arith.addi %mul3A_4, %add3A_13 : i32
    "tpu.region"() ({
      %run_scoped3A = tpu.sem_alloc : memref<!tpu.dma_semaphore, #tpu.memory_space<semaphore_mem>>
      %dma_start3A_92 = arith.constant 0 : i32
      %dma_start3A_93 = tpu.memref_slice %arg17[%add3A_14, %dma_start3A_92] : memref<10240x128xf32, #tpu.memory_space<vmem_shared>> -> memref<128x128xf32, #tpu.memory_space<vmem_shared>>
      %dma_start3A_94 = arith.constant 0 : i32
      %dma_start3A_95 = tpu.memref_slice %arg17[%add3A_14, %dma_start3A_94] : memref<10240x128xf32, #tpu.memory_space<vmem_shared>> -> memref<128x128xf32, #tpu.memory_space<vmem_shared>>
      tpu.enqueue_dma source(%arg7 : memref<128x128xf32, #tpu.memory_space<vmem>>) target(%dma_start3A_95 : memref<128x128xf32, #tpu.memory_space<vmem_shared>>) target_semaphore(%run_scoped3A : memref<!tpu.dma_semaphore, #tpu.memory_space<semaphore_mem>>)
      %dma_wait3A_96 = arith.constant 0 : i32
      %dma_wait3A_97 = tpu.memref_slice %arg17[%add3A_14, %dma_wait3A_96] : memref<10240x128xf32, #tpu.memory_space<vmem_shared>> -> memref<128x128xf32, #tpu.memory_space<vmem_shared>>
      %dma_wait3A_98 = arith.constant 0 : i32
      %dma_wait3A_99 = tpu.memref_slice %arg17[%add3A_14, %dma_wait3A_98] : memref<10240x128xf32, #tpu.memory_space<vmem_shared>> -> memref<128x128xf32, #tpu.memory_space<vmem_shared>>
      tpu.wait_dma2 semaphore(%run_scoped3A : memref<!tpu.dma_semaphore, #tpu.memory_space<semaphore_mem>>) src(%arg7 : memref<128x128xf32, #tpu.memory_space<vmem>>) dst(%dma_wait3A_99 : memref<128x128xf32, #tpu.memory_space<vmem_shared>>)
      tpu.yield
    }) : () -> ()
    %barrier3A = arith.constant 0 : index
    tpu.barrier barrier_id(%barrier3A)
    %dma_start3A = arith.constant 0 : i32
    %dma_start3A_15 = arith.constant 0 : i32
    %dma_start3A_16 = arith.constant 0 : i32
    %dma_start3A_17 = tpu.memref_slice %arg6[%dma_start3A, %dma_start3A_15, %dma_start3A_16] : memref<4x2x128xi32, #tpu.memory_space<vmem>> -> memref<1x2x128xi32, #tpu.memory_space<vmem>>
    %dma_start3A_18 = tpu.memref_squeeze %dma_start3A_17 : memref<1x2x128xi32, #tpu.memory_space<vmem>> -> memref<2x128xi32, #tpu.memory_space<vmem>>
    %dma_start3A_19 = arith.constant 0 : i32
    %dma_start3A_20 = arith.constant 0 : i32
    %dma_start3A_21 = tpu.memref_slice %arg3[%mul3A_2, %dma_start3A_19, %dma_start3A_20] : memref<2560x2x128xi32, #tpu.memory_space<hbm>> -> memref<1x2x128xi32, #tpu.memory_space<hbm>>
    %dma_start3A_22 = tpu.memref_squeeze %dma_start3A_21 : memref<1x2x128xi32, #tpu.memory_space<hbm>> -> memref<2x128xi32, #tpu.memory_space<hbm>>
    %dma_start3A_23 = arith.constant 0 : i32
    %dma_start3A_24 = arith.constant 0 : i32
    %dma_start3A_25 = tpu.memref_slice %arg6[%dma_start3A, %dma_start3A_23, %dma_start3A_24] : memref<4x2x128xi32, #tpu.memory_space<vmem>> -> memref<1x2x128xi32, #tpu.memory_space<vmem>>
    %dma_start3A_26 = tpu.memref_squeeze %dma_start3A_25 : memref<1x2x128xi32, #tpu.memory_space<vmem>> -> memref<2x128xi32, #tpu.memory_space<vmem>>
    %dma_start3A_27 = arith.constant 0 : i32
    %dma_start3A_28 = arith.constant 0 : i32
    %dma_start3A_29 = tpu.memref_slice %arg3[%mul3A_2, %dma_start3A_27, %dma_start3A_28] : memref<2560x2x128xi32, #tpu.memory_space<hbm>> -> memref<1x2x128xi32, #tpu.memory_space<hbm>>
    %dma_start3A_30 = tpu.memref_squeeze %dma_start3A_29 : memref<1x2x128xi32, #tpu.memory_space<hbm>> -> memref<2x128xi32, #tpu.memory_space<hbm>>
    tpu.enqueue_dma source(%dma_start3A_30 : memref<2x128xi32, #tpu.memory_space<hbm>>) target(%dma_start3A_26 : memref<2x128xi32, #tpu.memory_space<vmem>>) target_semaphore(%arg13 : memref<!tpu.dma_semaphore, #tpu.memory_space<semaphore_mem>>)
    %add3A_31 = arith.constant 1 : i32
    %add3A_32 = arith.addi %mul3A_2, %add3A_31 : i32
    %dma_start3A_33 = arith.constant 1 : i32
    %dma_start3A_34 = arith.constant 0 : i32
    %dma_start3A_35 = arith.constant 0 : i32
    %dma_start3A_36 = tpu.memref_slice %arg6[%dma_start3A_33, %dma_start3A_34, %dma_start3A_35] : memref<4x2x128xi32, #tpu.memory_space<vmem>> -> memref<1x2x128xi32, #tpu.memory_space<vmem>>
    %dma_start3A_37 = tpu.memref_squeeze %dma_start3A_36 : memref<1x2x128xi32, #tpu.memory_space<vmem>> -> memref<2x128xi32, #tpu.memory_space<vmem>>
    %dma_start3A_38 = arith.constant 0 : i32
    %dma_start3A_39 = arith.constant 0 : i32
    %dma_start3A_40 = tpu.memref_slice %arg3[%add3A_32, %dma_start3A_38, %dma_start3A_39] : memref<2560x2x128xi32, #tpu.memory_space<hbm>> -> memref<1x2x128xi32, #tpu.memory_space<hbm>>
    %dma_start3A_41 = tpu.memref_squeeze %dma_start3A_40 : memref<1x2x128xi32, #tpu.memory_space<hbm>> -> memref<2x128xi32, #tpu.memory_space<hbm>>
    %dma_start3A_42 = arith.constant 0 : i32
    %dma_start3A_43 = arith.constant 0 : i32
    %dma_start3A_44 = tpu.memref_slice %arg6[%dma_start3A_33, %dma_start3A_42, %dma_start3A_43] : memref<4x2x128xi32, #tpu.memory_space<vmem>> -> memref<1x2x128xi32, #tpu.memory_space<vmem>>
    %dma_start3A_45 = tpu.memref_squeeze %dma_start3A_44 : memref<1x2x128xi32, #tpu.memory_space<vmem>> -> memref<2x128xi32, #tpu.memory_space<vmem>>
    %dma_start3A_46 = arith.constant 0 : i32
    %dma_start3A_47 = arith.constant 0 : i32
    %dma_start3A_48 = tpu.memref_slice %arg3[%add3A_32, %dma_start3A_46, %dma_start3A_47] : memref<2560x2x128xi32, #tpu.memory_space<hbm>> -> memref<1x2x128xi32, #tpu.memory_space<hbm>>
    %dma_start3A_49 = tpu.memref_squeeze %dma_start3A_48 : memref<1x2x128xi32, #tpu.memory_space<hbm>> -> memref<2x128xi32, #tpu.memory_space<hbm>>
    tpu.enqueue_dma source(%dma_start3A_49 : memref<2x128xi32, #tpu.memory_space<hbm>>) target(%dma_start3A_45 : memref<2x128xi32, #tpu.memory_space<vmem>>) target_semaphore(%arg14 : memref<!tpu.dma_semaphore, #tpu.memory_space<semaphore_mem>>)
    %dma_wait3A = arith.constant 0 : i32
    %dma_wait3A_50 = arith.constant 0 : i32
    %dma_wait3A_51 = arith.constant 0 : i32
    %dma_wait3A_52 = tpu.memref_slice %arg6[%dma_wait3A, %dma_wait3A_50, %dma_wait3A_51] : memref<4x2x128xi32, #tpu.memory_space<vmem>> -> memref<1x2x128xi32, #tpu.memory_space<vmem>>
    %dma_wait3A_53 = tpu.memref_squeeze %dma_wait3A_52 : memref<1x2x128xi32, #tpu.memory_space<vmem>> -> memref<2x128xi32, #tpu.memory_space<vmem>>
    %dma_wait3A_54 = arith.constant 0 : i32
    %dma_wait3A_55 = arith.constant 0 : i32
    %dma_wait3A_56 = tpu.memref_slice %arg3[%mul3A_2, %dma_wait3A_54, %dma_wait3A_55] : memref<2560x2x128xi32, #tpu.memory_space<hbm>> -> memref<1x2x128xi32, #tpu.memory_space<hbm>>
    %dma_wait3A_57 = tpu.memref_squeeze %dma_wait3A_56 : memref<1x2x128xi32, #tpu.memory_space<hbm>> -> memref<2x128xi32, #tpu.memory_space<hbm>>
    %dma_wait3A_58 = arith.constant 0 : i32
    %dma_wait3A_59 = arith.constant 0 : i32
    %dma_wait3A_60 = tpu.memref_slice %arg6[%dma_wait3A, %dma_wait3A_58, %dma_wait3A_59] : memref<4x2x128xi32, #tpu.memory_space<vmem>> -> memref<1x2x128xi32, #tpu.memory_space<vmem>>
    %dma_wait3A_61 = tpu.memref_squeeze %dma_wait3A_60 : memref<1x2x128xi32, #tpu.memory_space<vmem>> -> memref<2x128xi32, #tpu.memory_space<vmem>>
    %dma_wait3A_62 = arith.constant 0 : i32
    %dma_wait3A_63 = arith.constant 0 : i32
    %dma_wait3A_64 = tpu.memref_slice %arg3[%mul3A_2, %dma_wait3A_62, %dma_wait3A_63] : memref<2560x2x128xi32, #tpu.memory_space<hbm>> -> memref<1x2x128xi32, #tpu.memory_space<hbm>>
    %dma_wait3A_65 = tpu.memref_squeeze %dma_wait3A_64 : memref<1x2x128xi32, #tpu.memory_space<hbm>> -> memref<2x128xi32, #tpu.memory_space<hbm>>
    tpu.wait_dma2 semaphore(%arg13 : memref<!tpu.dma_semaphore, #tpu.memory_space<semaphore_mem>>) src(%dma_wait3A_65 : memref<2x128xi32, #tpu.memory_space<hbm>>) dst(%dma_wait3A_61 : memref<2x128xi32, #tpu.memory_space<vmem>>)
    %dma_start3A_66 = arith.constant 0 : i32
    %dma_start3A_67 = arith.constant 0 : i32
    %dma_start3A_68 = arith.constant 0 : i32
    %dma_start3A_69 = tpu.memref_slice %arg6[%dma_start3A_66, %dma_start3A_67, %dma_start3A_68] : memref<4x2x128xi32, #tpu.memory_space<vmem>> -> memref<1x1x128xi32, #tpu.memory_space<vmem>>
    %dma_start3A_70 = tpu.memref_squeeze %dma_start3A_69 : memref<1x1x128xi32, #tpu.memory_space<vmem>> -> memref<128xi32, #tpu.memory_space<vmem>>
    %dma_start3A_71 = arith.constant 0 : i32
    %dma_start3A_72 = arith.constant 0 : i32
    %dma_start3A_73 = tpu.memref_slice %arg2[%dma_start3A_71, %dma_start3A_72] : memref<10240x128xf32, #tpu.memory_space<hbm>> -> memref<10240x128xf32, #tpu.memory_space<hbm>>
    tpu.enqueue_indirect_dma source(%dma_start3A_73 : memref<10240x128xf32, #tpu.memory_space<hbm>>) target(%arg7 : memref<128x128xf32, #tpu.memory_space<vmem>>) offsets(%dma_start3A_70 : memref<128xi32, #tpu.memory_space<vmem>>) semaphore(%arg9 : memref<!tpu.dma_semaphore, #tpu.memory_space<semaphore_mem>>)
    %scan3A = arith.constant 0 : i32
    %scan3A_74 = arith.constant 0 : i32
    %scan3A_75 = arith.constant 20 : i32
    %scan3A_76 = arith.addi %scan3A_74, %scan3A_75 : i32
    %scan3A_77 = arith.constant 1 : i32
    scf.for %scan3A_92 = %scan3A_74 to %scan3A_76 step %scan3A_77  : i32 {
      %mul3A_93 = arith.constant 4 : i32
      %mul3A_94 = arith.muli %mul3A_93, %scan3A_92 : i32
      %add3A_95 = arith.constant 0 : i32
      %add3A_96 = arith.addi %mul3A_94, %add3A_95 : i32
      %ge3A = arith.constant 1 : i32
      %ge3A_97 = arith.cmpi sge, %add3A_96, %ge3A : i32
      %convert_element_type3A = arith.extui %ge3A_97 : i1 to i32
      %cond3A = arith.constant 0 : i32
      %cond3A_98 = arith.cmpi ne, %convert_element_type3A, %cond3A : i32
      scf.if %cond3A_98 {
        %dma_wait3A_245 = arith.constant 0 : i32
        %dma_wait3A_246 = arith.constant 1 : i32
        %dma_wait3A_247 = arith.constant 0 : i32
        %dma_wait3A_248 = tpu.memref_slice %arg6[%dma_wait3A_245, %dma_wait3A_246, %dma_wait3A_247] : memref<4x2x128xi32, #tpu.memory_space<vmem>> -> memref<1x1x128xi32, #tpu.memory_space<vmem>>
        %dma_wait3A_249 = tpu.memref_squeeze %dma_wait3A_248 : memref<1x1x128xi32, #tpu.memory_space<vmem>> -> memref<128xi32, #tpu.memory_space<vmem>>
        %dma_wait3A_250 = arith.constant 0 : i32
        %dma_wait3A_251 = arith.constant 0 : i32
        %dma_wait3A_252 = tpu.memref_slice %arg17[%dma_wait3A_250, %dma_wait3A_251] : memref<10240x128xf32, #tpu.memory_space<vmem_shared>> -> memref<10240x128xf32, #tpu.memory_space<vmem_shared>>
        tpu.wait_indirect_dma semaphore(%arg12 : memref<!tpu.dma_semaphore, #tpu.memory_space<semaphore_mem>>) src(%arg8 : memref<128x128xf32, #tpu.memory_space<vmem>>) dst(%dma_wait3A_252 : memref<10240x128xf32, #tpu.memory_space<vmem_shared>>)
      } else {
      }
      %add3A_99 = arith.constant 1 : i32
      %add3A_100 = arith.addi %add3A_96, %add3A_99 : i32
      %lt3A = arith.constant 80 : i32
      %lt3A_101 = arith.cmpi slt, %add3A_100, %lt3A : i32
      %convert_element_type3A_102 = arith.extui %lt3A_101 : i1 to i32
      %cond3A_103 = arith.constant 0 : i32
      %cond3A_104 = arith.cmpi ne, %convert_element_type3A_102, %cond3A_103 : i32
      scf.if %cond3A_104 {
        %add3A_245 = arith.addi %mul3A_2, %add3A_96 : i32
        %add3A_246 = arith.constant 1 : i32
        %add3A_247 = arith.addi %add3A_245, %add3A_246 : i32
        %dma_wait3A_248 = arith.constant 1 : i32
        %dma_wait3A_249 = arith.constant 0 : i32
        %dma_wait3A_250 = arith.constant 0 : i32
        %dma_wait3A_251 = tpu.memref_slice %arg6[%dma_wait3A_248, %dma_wait3A_249, %dma_wait3A_250] : memref<4x2x128xi32, #tpu.memory_space<vmem>> -> memref<1x2x128xi32, #tpu.memory_space<vmem>>
        %dma_wait3A_252 = tpu.memref_squeeze %dma_wait3A_251 : memref<1x2x128xi32, #tpu.memory_space<vmem>> -> memref<2x128xi32, #tpu.memory_space<vmem>>
        %dma_wait3A_253 = arith.constant 0 : i32
        %dma_wait3A_254 = arith.constant 0 : i32
        %dma_wait3A_255 = tpu.memref_slice %arg3[%add3A_247, %dma_wait3A_253, %dma_wait3A_254] : memref<2560x2x128xi32, #tpu.memory_space<hbm>> -> memref<1x2x128xi32, #tpu.memory_space<hbm>>
        %dma_wait3A_256 = tpu.memref_squeeze %dma_wait3A_255 : memref<1x2x128xi32, #tpu.memory_space<hbm>> -> memref<2x128xi32, #tpu.memory_space<hbm>>
        %dma_wait3A_257 = arith.constant 0 : i32
        %dma_wait3A_258 = arith.constant 0 : i32
        %dma_wait3A_259 = tpu.memref_slice %arg6[%dma_wait3A_248, %dma_wait3A_257, %dma_wait3A_258] : memref<4x2x128xi32, #tpu.memory_space<vmem>> -> memref<1x2x128xi32, #tpu.memory_space<vmem>>
        %dma_wait3A_260 = tpu.memref_squeeze %dma_wait3A_259 : memref<1x2x128xi32, #tpu.memory_space<vmem>> -> memref<2x128xi32, #tpu.memory_space<vmem>>
        %dma_wait3A_261 = arith.constant 0 : i32
        %dma_wait3A_262 = arith.constant 0 : i32
        %dma_wait3A_263 = tpu.memref_slice %arg3[%add3A_247, %dma_wait3A_261, %dma_wait3A_262] : memref<2560x2x128xi32, #tpu.memory_space<hbm>> -> memref<1x2x128xi32, #tpu.memory_space<hbm>>
        %dma_wait3A_264 = tpu.memref_squeeze %dma_wait3A_263 : memref<1x2x128xi32, #tpu.memory_space<hbm>> -> memref<2x128xi32, #tpu.memory_space<hbm>>
        tpu.wait_dma2 semaphore(%arg14 : memref<!tpu.dma_semaphore, #tpu.memory_space<semaphore_mem>>) src(%dma_wait3A_264 : memref<2x128xi32, #tpu.memory_space<hbm>>) dst(%dma_wait3A_260 : memref<2x128xi32, #tpu.memory_space<vmem>>)
        %dma_start3A_265 = arith.constant 1 : i32
        %dma_start3A_266 = arith.constant 0 : i32
        %dma_start3A_267 = arith.constant 0 : i32
        %dma_start3A_268 = tpu.memref_slice %arg6[%dma_start3A_265, %dma_start3A_266, %dma_start3A_267] : memref<4x2x128xi32, #tpu.memory_space<vmem>> -> memref<1x1x128xi32, #tpu.memory_space<vmem>>
        %dma_start3A_269 = tpu.memref_squeeze %dma_start3A_268 : memref<1x1x128xi32, #tpu.memory_space<vmem>> -> memref<128xi32, #tpu.memory_space<vmem>>
        %dma_start3A_270 = arith.constant 0 : i32
        %dma_start3A_271 = arith.constant 0 : i32
        %dma_start3A_272 = tpu.memref_slice %arg2[%dma_start3A_270, %dma_start3A_271] : memref<10240x128xf32, #tpu.memory_space<hbm>> -> memref<10240x128xf32, #tpu.memory_space<hbm>>
        tpu.enqueue_indirect_dma source(%dma_start3A_272 : memref<10240x128xf32, #tpu.memory_space<hbm>>) target(%arg8 : memref<128x128xf32, #tpu.memory_space<vmem>>) offsets(%dma_start3A_269 : memref<128xi32, #tpu.memory_space<vmem>>) semaphore(%arg10 : memref<!tpu.dma_semaphore, #tpu.memory_space<semaphore_mem>>)
      } else {
      }
      %add3A_105 = arith.constant 2 : i32
      %add3A_106 = arith.addi %add3A_96, %add3A_105 : i32
      %lt3A_107 = arith.constant 80 : i32
      %lt3A_108 = arith.cmpi slt, %add3A_106, %lt3A_107 : i32
      %convert_element_type3A_109 = arith.extui %lt3A_108 : i1 to i32
      %cond3A_110 = arith.constant 0 : i32
      %cond3A_111 = arith.cmpi ne, %convert_element_type3A_109, %cond3A_110 : i32
      scf.if %cond3A_111 {
        %add3A_245 = arith.addi %mul3A_2, %add3A_96 : i32
        %add3A_246 = arith.constant 2 : i32
        %add3A_247 = arith.addi %add3A_245, %add3A_246 : i32
        %dma_start3A_248 = arith.constant 2 : i32
        %dma_start3A_249 = arith.constant 0 : i32
        %dma_start3A_250 = arith.constant 0 : i32
        %dma_start3A_251 = tpu.memref_slice %arg6[%dma_start3A_248, %dma_start3A_249, %dma_start3A_250] : memref<4x2x128xi32, #tpu.memory_space<vmem>> -> memref<1x2x128xi32, #tpu.memory_space<vmem>>
        %dma_start3A_252 = tpu.memref_squeeze %dma_start3A_251 : memref<1x2x128xi32, #tpu.memory_space<vmem>> -> memref<2x128xi32, #tpu.memory_space<vmem>>
        %dma_start3A_253 = arith.constant 0 : i32
        %dma_start3A_254 = arith.constant 0 : i32
        %dma_start3A_255 = tpu.memref_slice %arg3[%add3A_247, %dma_start3A_253, %dma_start3A_254] : memref<2560x2x128xi32, #tpu.memory_space<hbm>> -> memref<1x2x128xi32, #tpu.memory_space<hbm>>
        %dma_start3A_256 = tpu.memref_squeeze %dma_start3A_255 : memref<1x2x128xi32, #tpu.memory_space<hbm>> -> memref<2x128xi32, #tpu.memory_space<hbm>>
        %dma_start3A_257 = arith.constant 0 : i32
        %dma_start3A_258 = arith.constant 0 : i32
        %dma_start3A_259 = tpu.memref_slice %arg6[%dma_start3A_248, %dma_start3A_257, %dma_start3A_258] : memref<4x2x128xi32, #tpu.memory_space<vmem>> -> memref<1x2x128xi32, #tpu.memory_space<vmem>>
        %dma_start3A_260 = tpu.memref_squeeze %dma_start3A_259 : memref<1x2x128xi32, #tpu.memory_space<vmem>> -> memref<2x128xi32, #tpu.memory_space<vmem>>
        %dma_start3A_261 = arith.constant 0 : i32
        %dma_start3A_262 = arith.constant 0 : i32
        %dma_start3A_263 = tpu.memref_slice %arg3[%add3A_247, %dma_start3A_261, %dma_start3A_262] : memref<2560x2x128xi32, #tpu.memory_space<hbm>> -> memref<1x2x128xi32, #tpu.memory_space<hbm>>
        %dma_start3A_264 = tpu.memref_squeeze %dma_start3A_263 : memref<1x2x128xi32, #tpu.memory_space<hbm>> -> memref<2x128xi32, #tpu.memory_space<hbm>>
        tpu.enqueue_dma source(%dma_start3A_264 : memref<2x128xi32, #tpu.memory_space<hbm>>) target(%dma_start3A_260 : memref<2x128xi32, #tpu.memory_space<vmem>>) target_semaphore(%arg15 : memref<!tpu.dma_semaphore, #tpu.memory_space<semaphore_mem>>)
      } else {
      }
      %dma_wait3A_112 = arith.constant 0 : i32
      %dma_wait3A_113 = arith.constant 0 : i32
      %dma_wait3A_114 = arith.constant 0 : i32
      %dma_wait3A_115 = tpu.memref_slice %arg6[%dma_wait3A_112, %dma_wait3A_113, %dma_wait3A_114] : memref<4x2x128xi32, #tpu.memory_space<vmem>> -> memref<1x1x128xi32, #tpu.memory_space<vmem>>
      %dma_wait3A_116 = tpu.memref_squeeze %dma_wait3A_115 : memref<1x1x128xi32, #tpu.memory_space<vmem>> -> memref<128xi32, #tpu.memory_space<vmem>>
      %dma_wait3A_117 = arith.constant 0 : i32
      %dma_wait3A_118 = arith.constant 0 : i32
      %dma_wait3A_119 = tpu.memref_slice %arg2[%dma_wait3A_117, %dma_wait3A_118] : memref<10240x128xf32, #tpu.memory_space<hbm>> -> memref<10240x128xf32, #tpu.memory_space<hbm>>
      tpu.wait_indirect_dma semaphore(%arg9 : memref<!tpu.dma_semaphore, #tpu.memory_space<semaphore_mem>>) src(%dma_wait3A_119 : memref<10240x128xf32, #tpu.memory_space<hbm>>) dst(%arg7 : memref<128x128xf32, #tpu.memory_space<vmem>>)
      %dma_start3A_120 = arith.constant 0 : i32
      %dma_start3A_121 = arith.constant 1 : i32
      %dma_start3A_122 = arith.constant 0 : i32
      %dma_start3A_123 = tpu.memref_slice %arg6[%dma_start3A_120, %dma_start3A_121, %dma_start3A_122] : memref<4x2x128xi32, #tpu.memory_space<vmem>> -> memref<1x1x128xi32, #tpu.memory_space<vmem>>
      %dma_start3A_124 = tpu.memref_squeeze %dma_start3A_123 : memref<1x1x128xi32, #tpu.memory_space<vmem>> -> memref<128xi32, #tpu.memory_space<vmem>>
      %dma_start3A_125 = arith.constant 0 : i32
      %dma_start3A_126 = arith.constant 0 : i32
      %dma_start3A_127 = tpu.memref_slice %arg17[%dma_start3A_125, %dma_start3A_126] : memref<10240x128xf32, #tpu.memory_space<vmem_shared>> -> memref<10240x128xf32, #tpu.memory_space<vmem_shared>>
      tpu.enqueue_indirect_dma source(%arg7 : memref<128x128xf32, #tpu.memory_space<vmem>>) target(%dma_start3A_127 : memref<10240x128xf32, #tpu.memory_space<vmem_shared>>) offsets(%dma_start3A_124 : memref<128xi32, #tpu.memory_space<vmem>>) semaphore(%arg11 : memref<!tpu.dma_semaphore, #tpu.memory_space<semaphore_mem>>) {add = true}
      %mul3A_128 = arith.constant 4 : i32
      %mul3A_129 = arith.muli %mul3A_128, %scan3A_92 : i32
      %add3A_130 = arith.constant 1 : i32
      %add3A_131 = arith.addi %mul3A_129, %add3A_130 : i32
      %ge3A_132 = arith.constant 1 : i32
      %ge3A_133 = arith.cmpi sge, %add3A_131, %ge3A_132 : i32
      %convert_element_type3A_134 = arith.extui %ge3A_133 : i1 to i32
      %cond3A_135 = arith.constant 0 : i32
      %cond3A_136 = arith.cmpi ne, %convert_element_type3A_134, %cond3A_135 : i32
      scf.if %cond3A_136 {
        %dma_wait3A_245 = arith.constant 1 : i32
        %dma_wait3A_246 = arith.constant 1 : i32
        %dma_wait3A_247 = arith.constant 0 : i32
        %dma_wait3A_248 = tpu.memref_slice %arg6[%dma_wait3A_245, %dma_wait3A_246, %dma_wait3A_247] : memref<4x2x128xi32, #tpu.memory_space<vmem>> -> memref<1x1x128xi32, #tpu.memory_space<vmem>>
        %dma_wait3A_249 = tpu.memref_squeeze %dma_wait3A_248 : memref<1x1x128xi32, #tpu.memory_space<vmem>> -> memref<128xi32, #tpu.memory_space<vmem>>
        %dma_wait3A_250 = arith.constant 0 : i32
        %dma_wait3A_251 = arith.constant 0 : i32
        %dma_wait3A_252 = tpu.memref_slice %arg17[%dma_wait3A_250, %dma_wait3A_251] : memref<10240x128xf32, #tpu.memory_space<vmem_shared>> -> memref<10240x128xf32, #tpu.memory_space<vmem_shared>>
        tpu.wait_indirect_dma semaphore(%arg11 : memref<!tpu.dma_semaphore, #tpu.memory_space<semaphore_mem>>) src(%arg7 : memref<128x128xf32, #tpu.memory_space<vmem>>) dst(%dma_wait3A_252 : memref<10240x128xf32, #tpu.memory_space<vmem_shared>>)
      } else {
      }
      %add3A_137 = arith.constant 1 : i32
      %add3A_138 = arith.addi %add3A_131, %add3A_137 : i32
      %lt3A_139 = arith.constant 80 : i32
      %lt3A_140 = arith.cmpi slt, %add3A_138, %lt3A_139 : i32
      %convert_element_type3A_141 = arith.extui %lt3A_140 : i1 to i32
      %cond3A_142 = arith.constant 0 : i32
      %cond3A_143 = arith.cmpi ne, %convert_element_type3A_141, %cond3A_142 : i32
      scf.if %cond3A_143 {
        %add3A_245 = arith.addi %mul3A_2, %add3A_131 : i32
        %add3A_246 = arith.constant 1 : i32
        %add3A_247 = arith.addi %add3A_245, %add3A_246 : i32
        %dma_wait3A_248 = arith.constant 2 : i32
        %dma_wait3A_249 = arith.constant 0 : i32
        %dma_wait3A_250 = arith.constant 0 : i32
        %dma_wait3A_251 = tpu.memref_slice %arg6[%dma_wait3A_248, %dma_wait3A_249, %dma_wait3A_250] : memref<4x2x128xi32, #tpu.memory_space<vmem>> -> memref<1x2x128xi32, #tpu.memory_space<vmem>>
        %dma_wait3A_252 = tpu.memref_squeeze %dma_wait3A_251 : memref<1x2x128xi32, #tpu.memory_space<vmem>> -> memref<2x128xi32, #tpu.memory_space<vmem>>
        %dma_wait3A_253 = arith.constant 0 : i32
        %dma_wait3A_254 = arith.constant 0 : i32
        %dma_wait3A_255 = tpu.memref_slice %arg3[%add3A_247, %dma_wait3A_253, %dma_wait3A_254] : memref<2560x2x128xi32, #tpu.memory_space<hbm>> -> memref<1x2x128xi32, #tpu.memory_space<hbm>>
        %dma_wait3A_256 = tpu.memref_squeeze %dma_wait3A_255 : memref<1x2x128xi32, #tpu.memory_space<hbm>> -> memref<2x128xi32, #tpu.memory_space<hbm>>
        %dma_wait3A_257 = arith.constant 0 : i32
        %dma_wait3A_258 = arith.constant 0 : i32
        %dma_wait3A_259 = tpu.memref_slice %arg6[%dma_wait3A_248, %dma_wait3A_257, %dma_wait3A_258] : memref<4x2x128xi32, #tpu.memory_space<vmem>> -> memref<1x2x128xi32, #tpu.memory_space<vmem>>
        %dma_wait3A_260 = tpu.memref_squeeze %dma_wait3A_259 : memref<1x2x128xi32, #tpu.memory_space<vmem>> -> memref<2x128xi32, #tpu.memory_space<vmem>>
        %dma_wait3A_261 = arith.constant 0 : i32
        %dma_wait3A_262 = arith.constant 0 : i32
        %dma_wait3A_263 = tpu.memref_slice %arg3[%add3A_247, %dma_wait3A_261, %dma_wait3A_262] : memref<2560x2x128xi32, #tpu.memory_space<hbm>> -> memref<1x2x128xi32, #tpu.memory_space<hbm>>
        %dma_wait3A_264 = tpu.memref_squeeze %dma_wait3A_263 : memref<1x2x128xi32, #tpu.memory_space<hbm>> -> memref<2x128xi32, #tpu.memory_space<hbm>>
        tpu.wait_dma2 semaphore(%arg15 : memref<!tpu.dma_semaphore, #tpu.memory_space<semaphore_mem>>) src(%dma_wait3A_264 : memref<2x128xi32, #tpu.memory_space<hbm>>) dst(%dma_wait3A_260 : memref<2x128xi32, #tpu.memory_space<vmem>>)
        %dma_start3A_265 = arith.constant 2 : i32
        %dma_start3A_266 = arith.constant 0 : i32
        %dma_start3A_267 = arith.constant 0 : i32
        %dma_start3A_268 = tpu.memref_slice %arg6[%dma_start3A_265, %dma_start3A_266, %dma_start3A_267] : memref<4x2x128xi32, #tpu.memory_space<vmem>> -> memref<1x1x128xi32, #tpu.memory_space<vmem>>
        %dma_start3A_269 = tpu.memref_squeeze %dma_start3A_268 : memref<1x1x128xi32, #tpu.memory_space<vmem>> -> memref<128xi32, #tpu.memory_space<vmem>>
        %dma_start3A_270 = arith.constant 0 : i32
        %dma_start3A_271 = arith.constant 0 : i32
        %dma_start3A_272 = tpu.memref_slice %arg2[%dma_start3A_270, %dma_start3A_271] : memref<10240x128xf32, #tpu.memory_space<hbm>> -> memref<10240x128xf32, #tpu.memory_space<hbm>>
        tpu.enqueue_indirect_dma source(%dma_start3A_272 : memref<10240x128xf32, #tpu.memory_space<hbm>>) target(%arg7 : memref<128x128xf32, #tpu.memory_space<vmem>>) offsets(%dma_start3A_269 : memref<128xi32, #tpu.memory_space<vmem>>) semaphore(%arg9 : memref<!tpu.dma_semaphore, #tpu.memory_space<semaphore_mem>>)
      } else {
      }
      %add3A_144 = arith.constant 2 : i32
      %add3A_145 = arith.addi %add3A_131, %add3A_144 : i32
      %lt3A_146 = arith.constant 80 : i32
      %lt3A_147 = arith.cmpi slt, %add3A_145, %lt3A_146 : i32
      %convert_element_type3A_148 = arith.extui %lt3A_147 : i1 to i32
      %cond3A_149 = arith.constant 0 : i32
      %cond3A_150 = arith.cmpi ne, %convert_element_type3A_148, %cond3A_149 : i32
      scf.if %cond3A_150 {
        %add3A_245 = arith.addi %mul3A_2, %add3A_131 : i32
        %add3A_246 = arith.constant 2 : i32
        %add3A_247 = arith.addi %add3A_245, %add3A_246 : i32
        %dma_start3A_248 = arith.constant 3 : i32
        %dma_start3A_249 = arith.constant 0 : i32
        %dma_start3A_250 = arith.constant 0 : i32
        %dma_start3A_251 = tpu.memref_slice %arg6[%dma_start3A_248, %dma_start3A_249, %dma_start3A_250] : memref<4x2x128xi32, #tpu.memory_space<vmem>> -> memref<1x2x128xi32, #tpu.memory_space<vmem>>
        %dma_start3A_252 = tpu.memref_squeeze %dma_start3A_251 : memref<1x2x128xi32, #tpu.memory_space<vmem>> -> memref<2x128xi32, #tpu.memory_space<vmem>>
        %dma_start3A_253 = arith.constant 0 : i32
        %dma_start3A_254 = arith.constant 0 : i32
        %dma_start3A_255 = tpu.memref_slice %arg3[%add3A_247, %dma_start3A_253, %dma_start3A_254] : memref<2560x2x128xi32, #tpu.memory_space<hbm>> -> memref<1x2x128xi32, #tpu.memory_space<hbm>>
        %dma_start3A_256 = tpu.memref_squeeze %dma_start3A_255 : memref<1x2x128xi32, #tpu.memory_space<hbm>> -> memref<2x128xi32, #tpu.memory_space<hbm>>
        %dma_start3A_257 = arith.constant 0 : i32
        %dma_start3A_258 = arith.constant 0 : i32
        %dma_start3A_259 = tpu.memref_slice %arg6[%dma_start3A_248, %dma_start3A_257, %dma_start3A_258] : memref<4x2x128xi32, #tpu.memory_space<vmem>> -> memref<1x2x128xi32, #tpu.memory_space<vmem>>
        %dma_start3A_260 = tpu.memref_squeeze %dma_start3A_259 : memref<1x2x128xi32, #tpu.memory_space<vmem>> -> memref<2x128xi32, #tpu.memory_space<vmem>>
        %dma_start3A_261 = arith.constant 0 : i32
        %dma_start3A_262 = arith.constant 0 : i32
        %dma_start3A_263 = tpu.memref_slice %arg3[%add3A_247, %dma_start3A_261, %dma_start3A_262] : memref<2560x2x128xi32, #tpu.memory_space<hbm>> -> memref<1x2x128xi32, #tpu.memory_space<hbm>>
        %dma_start3A_264 = tpu.memref_squeeze %dma_start3A_263 : memref<1x2x128xi32, #tpu.memory_space<hbm>> -> memref<2x128xi32, #tpu.memory_space<hbm>>
        tpu.enqueue_dma source(%dma_start3A_264 : memref<2x128xi32, #tpu.memory_space<hbm>>) target(%dma_start3A_260 : memref<2x128xi32, #tpu.memory_space<vmem>>) target_semaphore(%arg16 : memref<!tpu.dma_semaphore, #tpu.memory_space<semaphore_mem>>)
      } else {
      }
      %dma_wait3A_151 = arith.constant 1 : i32
      %dma_wait3A_152 = arith.constant 0 : i32
      %dma_wait3A_153 = arith.constant 0 : i32
      %dma_wait3A_154 = tpu.memref_slice %arg6[%dma_wait3A_151, %dma_wait3A_152, %dma_wait3A_153] : memref<4x2x128xi32, #tpu.memory_space<vmem>> -> memref<1x1x128xi32, #tpu.memory_space<vmem>>
      %dma_wait3A_155 = tpu.memref_squeeze %dma_wait3A_154 : memref<1x1x128xi32, #tpu.memory_space<vmem>> -> memref<128xi32, #tpu.memory_space<vmem>>
      %dma_wait3A_156 = arith.constant 0 : i32
      %dma_wait3A_157 = arith.constant 0 : i32
      %dma_wait3A_158 = tpu.memref_slice %arg2[%dma_wait3A_156, %dma_wait3A_157] : memref<10240x128xf32, #tpu.memory_space<hbm>> -> memref<10240x128xf32, #tpu.memory_space<hbm>>
      tpu.wait_indirect_dma semaphore(%arg10 : memref<!tpu.dma_semaphore, #tpu.memory_space<semaphore_mem>>) src(%dma_wait3A_158 : memref<10240x128xf32, #tpu.memory_space<hbm>>) dst(%arg8 : memref<128x128xf32, #tpu.memory_space<vmem>>)
      %dma_start3A_159 = arith.constant 1 : i32
      %dma_start3A_160 = arith.constant 1 : i32
      %dma_start3A_161 = arith.constant 0 : i32
      %dma_start3A_162 = tpu.memref_slice %arg6[%dma_start3A_159, %dma_start3A_160, %dma_start3A_161] : memref<4x2x128xi32, #tpu.memory_space<vmem>> -> memref<1x1x128xi32, #tpu.memory_space<vmem>>
      %dma_start3A_163 = tpu.memref_squeeze %dma_start3A_162 : memref<1x1x128xi32, #tpu.memory_space<vmem>> -> memref<128xi32, #tpu.memory_space<vmem>>
      %dma_start3A_164 = arith.constant 0 : i32
      %dma_start3A_165 = arith.constant 0 : i32
      %dma_start3A_166 = tpu.memref_slice %arg17[%dma_start3A_164, %dma_start3A_165] : memref<10240x128xf32, #tpu.memory_space<vmem_shared>> -> memref<10240x128xf32, #tpu.memory_space<vmem_shared>>
      tpu.enqueue_indirect_dma source(%arg8 : memref<128x128xf32, #tpu.memory_space<vmem>>) target(%dma_start3A_166 : memref<10240x128xf32, #tpu.memory_space<vmem_shared>>) offsets(%dma_start3A_163 : memref<128xi32, #tpu.memory_space<vmem>>) semaphore(%arg12 : memref<!tpu.dma_semaphore, #tpu.memory_space<semaphore_mem>>) {add = true}
      %mul3A_167 = arith.constant 4 : i32
      %mul3A_168 = arith.muli %mul3A_167, %scan3A_92 : i32
      %add3A_169 = arith.constant 2 : i32
      %add3A_170 = arith.addi %mul3A_168, %add3A_169 : i32
      %ge3A_171 = arith.constant 1 : i32
      %ge3A_172 = arith.cmpi sge, %add3A_170, %ge3A_171 : i32
      %convert_element_type3A_173 = arith.extui %ge3A_172 : i1 to i32
      %cond3A_174 = arith.constant 0 : i32
      %cond3A_175 = arith.cmpi ne, %convert_element_type3A_173, %cond3A_174 : i32
      scf.if %cond3A_175 {
        %dma_wait3A_245 = arith.constant 2 : i32
        %dma_wait3A_246 = arith.constant 1 : i32
        %dma_wait3A_247 = arith.constant 0 : i32
        %dma_wait3A_248 = tpu.memref_slice %arg6[%dma_wait3A_245, %dma_wait3A_246, %dma_wait3A_247] : memref<4x2x128xi32, #tpu.memory_space<vmem>> -> memref<1x1x128xi32, #tpu.memory_space<vmem>>
        %dma_wait3A_249 = tpu.memref_squeeze %dma_wait3A_248 : memref<1x1x128xi32, #tpu.memory_space<vmem>> -> memref<128xi32, #tpu.memory_space<vmem>>
        %dma_wait3A_250 = arith.constant 0 : i32
        %dma_wait3A_251 = arith.constant 0 : i32
        %dma_wait3A_252 = tpu.memref_slice %arg17[%dma_wait3A_250, %dma_wait3A_251] : memref<10240x128xf32, #tpu.memory_space<vmem_shared>> -> memref<10240x128xf32, #tpu.memory_space<vmem_shared>>
        tpu.wait_indirect_dma semaphore(%arg12 : memref<!tpu.dma_semaphore, #tpu.memory_space<semaphore_mem>>) src(%arg8 : memref<128x128xf32, #tpu.memory_space<vmem>>) dst(%dma_wait3A_252 : memref<10240x128xf32, #tpu.memory_space<vmem_shared>>)
      } else {
      }
      %add3A_176 = arith.constant 1 : i32
      %add3A_177 = arith.addi %add3A_170, %add3A_176 : i32
      %lt3A_178 = arith.constant 80 : i32
      %lt3A_179 = arith.cmpi slt, %add3A_177, %lt3A_178 : i32
      %convert_element_type3A_180 = arith.extui %lt3A_179 : i1 to i32
      %cond3A_181 = arith.constant 0 : i32
      %cond3A_182 = arith.cmpi ne, %convert_element_type3A_180, %cond3A_181 : i32
      scf.if %cond3A_182 {
        %add3A_245 = arith.addi %mul3A_2, %add3A_170 : i32
        %add3A_246 = arith.constant 1 : i32
        %add3A_247 = arith.addi %add3A_245, %add3A_246 : i32
        %dma_wait3A_248 = arith.constant 3 : i32
        %dma_wait3A_249 = arith.constant 0 : i32
        %dma_wait3A_250 = arith.constant 0 : i32
        %dma_wait3A_251 = tpu.memref_slice %arg6[%dma_wait3A_248, %dma_wait3A_249, %dma_wait3A_250] : memref<4x2x128xi32, #tpu.memory_space<vmem>> -> memref<1x2x128xi32, #tpu.memory_space<vmem>>
        %dma_wait3A_252 = tpu.memref_squeeze %dma_wait3A_251 : memref<1x2x128xi32, #tpu.memory_space<vmem>> -> memref<2x128xi32, #tpu.memory_space<vmem>>
        %dma_wait3A_253 = arith.constant 0 : i32
        %dma_wait3A_254 = arith.constant 0 : i32
        %dma_wait3A_255 = tpu.memref_slice %arg3[%add3A_247, %dma_wait3A_253, %dma_wait3A_254] : memref<2560x2x128xi32, #tpu.memory_space<hbm>> -> memref<1x2x128xi32, #tpu.memory_space<hbm>>
        %dma_wait3A_256 = tpu.memref_squeeze %dma_wait3A_255 : memref<1x2x128xi32, #tpu.memory_space<hbm>> -> memref<2x128xi32, #tpu.memory_space<hbm>>
        %dma_wait3A_257 = arith.constant 0 : i32
        %dma_wait3A_258 = arith.constant 0 : i32
        %dma_wait3A_259 = tpu.memref_slice %arg6[%dma_wait3A_248, %dma_wait3A_257, %dma_wait3A_258] : memref<4x2x128xi32, #tpu.memory_space<vmem>> -> memref<1x2x128xi32, #tpu.memory_space<vmem>>
        %dma_wait3A_260 = tpu.memref_squeeze %dma_wait3A_259 : memref<1x2x128xi32, #tpu.memory_space<vmem>> -> memref<2x128xi32, #tpu.memory_space<vmem>>
        %dma_wait3A_261 = arith.constant 0 : i32
        %dma_wait3A_262 = arith.constant 0 : i32
        %dma_wait3A_263 = tpu.memref_slice %arg3[%add3A_247, %dma_wait3A_261, %dma_wait3A_262] : memref<2560x2x128xi32, #tpu.memory_space<hbm>> -> memref<1x2x128xi32, #tpu.memory_space<hbm>>
        %dma_wait3A_264 = tpu.memref_squeeze %dma_wait3A_263 : memref<1x2x128xi32, #tpu.memory_space<hbm>> -> memref<2x128xi32, #tpu.memory_space<hbm>>
        tpu.wait_dma2 semaphore(%arg16 : memref<!tpu.dma_semaphore, #tpu.memory_space<semaphore_mem>>) src(%dma_wait3A_264 : memref<2x128xi32, #tpu.memory_space<hbm>>) dst(%dma_wait3A_260 : memref<2x128xi32, #tpu.memory_space<vmem>>)
        %dma_start3A_265 = arith.constant 3 : i32
        %dma_start3A_266 = arith.constant 0 : i32
        %dma_start3A_267 = arith.constant 0 : i32
        %dma_start3A_268 = tpu.memref_slice %arg6[%dma_start3A_265, %dma_start3A_266, %dma_start3A_267] : memref<4x2x128xi32, #tpu.memory_space<vmem>> -> memref<1x1x128xi32, #tpu.memory_space<vmem>>
        %dma_start3A_269 = tpu.memref_squeeze %dma_start3A_268 : memref<1x1x128xi32, #tpu.memory_space<vmem>> -> memref<128xi32, #tpu.memory_space<vmem>>
        %dma_start3A_270 = arith.constant 0 : i32
        %dma_start3A_271 = arith.constant 0 : i32
        %dma_start3A_272 = tpu.memref_slice %arg2[%dma_start3A_270, %dma_start3A_271] : memref<10240x128xf32, #tpu.memory_space<hbm>> -> memref<10240x128xf32, #tpu.memory_space<hbm>>
        tpu.enqueue_indirect_dma source(%dma_start3A_272 : memref<10240x128xf32, #tpu.memory_space<hbm>>) target(%arg8 : memref<128x128xf32, #tpu.memory_space<vmem>>) offsets(%dma_start3A_269 : memref<128xi32, #tpu.memory_space<vmem>>) semaphore(%arg10 : memref<!tpu.dma_semaphore, #tpu.memory_space<semaphore_mem>>)
      } else {
      }
      %add3A_183 = arith.constant 2 : i32
      %add3A_184 = arith.addi %add3A_170, %add3A_183 : i32
      %lt3A_185 = arith.constant 80 : i32
      %lt3A_186 = arith.cmpi slt, %add3A_184, %lt3A_185 : i32
      %convert_element_type3A_187 = arith.extui %lt3A_186 : i1 to i32
      %cond3A_188 = arith.constant 0 : i32
      %cond3A_189 = arith.cmpi ne, %convert_element_type3A_187, %cond3A_188 : i32
      scf.if %cond3A_189 {
        %add3A_245 = arith.addi %mul3A_2, %add3A_170 : i32
        %add3A_246 = arith.constant 2 : i32
        %add3A_247 = arith.addi %add3A_245, %add3A_246 : i32
        %dma_start3A_248 = arith.constant 0 : i32
        %dma_start3A_249 = arith.constant 0 : i32
        %dma_start3A_250 = arith.constant 0 : i32
        %dma_start3A_251 = tpu.memref_slice %arg6[%dma_start3A_248, %dma_start3A_249, %dma_start3A_250] : memref<4x2x128xi32, #tpu.memory_space<vmem>> -> memref<1x2x128xi32, #tpu.memory_space<vmem>>
        %dma_start3A_252 = tpu.memref_squeeze %dma_start3A_251 : memref<1x2x128xi32, #tpu.memory_space<vmem>> -> memref<2x128xi32, #tpu.memory_space<vmem>>
        %dma_start3A_253 = arith.constant 0 : i32
        %dma_start3A_254 = arith.constant 0 : i32
        %dma_start3A_255 = tpu.memref_slice %arg3[%add3A_247, %dma_start3A_253, %dma_start3A_254] : memref<2560x2x128xi32, #tpu.memory_space<hbm>> -> memref<1x2x128xi32, #tpu.memory_space<hbm>>
        %dma_start3A_256 = tpu.memref_squeeze %dma_start3A_255 : memref<1x2x128xi32, #tpu.memory_space<hbm>> -> memref<2x128xi32, #tpu.memory_space<hbm>>
        %dma_start3A_257 = arith.constant 0 : i32
        %dma_start3A_258 = arith.constant 0 : i32
        %dma_start3A_259 = tpu.memref_slice %arg6[%dma_start3A_248, %dma_start3A_257, %dma_start3A_258] : memref<4x2x128xi32, #tpu.memory_space<vmem>> -> memref<1x2x128xi32, #tpu.memory_space<vmem>>
        %dma_start3A_260 = tpu.memref_squeeze %dma_start3A_259 : memref<1x2x128xi32, #tpu.memory_space<vmem>> -> memref<2x128xi32, #tpu.memory_space<vmem>>
        %dma_start3A_261 = arith.constant 0 : i32
        %dma_start3A_262 = arith.constant 0 : i32
        %dma_start3A_263 = tpu.memref_slice %arg3[%add3A_247, %dma_start3A_261, %dma_start3A_262] : memref<2560x2x128xi32, #tpu.memory_space<hbm>> -> memref<1x2x128xi32, #tpu.memory_space<hbm>>
        %dma_start3A_264 = tpu.memref_squeeze %dma_start3A_263 : memref<1x2x128xi32, #tpu.memory_space<hbm>> -> memref<2x128xi32, #tpu.memory_space<hbm>>
        tpu.enqueue_dma source(%dma_start3A_264 : memref<2x128xi32, #tpu.memory_space<hbm>>) target(%dma_start3A_260 : memref<2x128xi32, #tpu.memory_space<vmem>>) target_semaphore(%arg13 : memref<!tpu.dma_semaphore, #tpu.memory_space<semaphore_mem>>)
      } else {
      }
      %dma_wait3A_190 = arith.constant 2 : i32
      %dma_wait3A_191 = arith.constant 0 : i32
      %dma_wait3A_192 = arith.constant 0 : i32
      %dma_wait3A_193 = tpu.memref_slice %arg6[%dma_wait3A_190, %dma_wait3A_191, %dma_wait3A_192] : memref<4x2x128xi32, #tpu.memory_space<vmem>> -> memref<1x1x128xi32, #tpu.memory_space<vmem>>
      %dma_wait3A_194 = tpu.memref_squeeze %dma_wait3A_193 : memref<1x1x128xi32, #tpu.memory_space<vmem>> -> memref<128xi32, #tpu.memory_space<vmem>>
      %dma_wait3A_195 = arith.constant 0 : i32
      %dma_wait3A_196 = arith.constant 0 : i32
      %dma_wait3A_197 = tpu.memref_slice %arg2[%dma_wait3A_195, %dma_wait3A_196] : memref<10240x128xf32, #tpu.memory_space<hbm>> -> memref<10240x128xf32, #tpu.memory_space<hbm>>
      tpu.wait_indirect_dma semaphore(%arg9 : memref<!tpu.dma_semaphore, #tpu.memory_space<semaphore_mem>>) src(%dma_wait3A_197 : memref<10240x128xf32, #tpu.memory_space<hbm>>) dst(%arg7 : memref<128x128xf32, #tpu.memory_space<vmem>>)
      %dma_start3A_198 = arith.constant 2 : i32
      %dma_start3A_199 = arith.constant 1 : i32
      %dma_start3A_200 = arith.constant 0 : i32
      %dma_start3A_201 = tpu.memref_slice %arg6[%dma_start3A_198, %dma_start3A_199, %dma_start3A_200] : memref<4x2x128xi32, #tpu.memory_space<vmem>> -> memref<1x1x128xi32, #tpu.memory_space<vmem>>
      %dma_start3A_202 = tpu.memref_squeeze %dma_start3A_201 : memref<1x1x128xi32, #tpu.memory_space<vmem>> -> memref<128xi32, #tpu.memory_space<vmem>>
      %dma_start3A_203 = arith.constant 0 : i32
      %dma_start3A_204 = arith.constant 0 : i32
      %dma_start3A_205 = tpu.memref_slice %arg17[%dma_start3A_203, %dma_start3A_204] : memref<10240x128xf32, #tpu.memory_space<vmem_shared>> -> memref<10240x128xf32, #tpu.memory_space<vmem_shared>>
      tpu.enqueue_indirect_dma source(%arg7 : memref<128x128xf32, #tpu.memory_space<vmem>>) target(%dma_start3A_205 : memref<10240x128xf32, #tpu.memory_space<vmem_shared>>) offsets(%dma_start3A_202 : memref<128xi32, #tpu.memory_space<vmem>>) semaphore(%arg11 : memref<!tpu.dma_semaphore, #tpu.memory_space<semaphore_mem>>) {add = true}
      %mul3A_206 = arith.constant 4 : i32
      %mul3A_207 = arith.muli %mul3A_206, %scan3A_92 : i32
      %add3A_208 = arith.constant 3 : i32
      %add3A_209 = arith.addi %mul3A_207, %add3A_208 : i32
      %ge3A_210 = arith.constant 1 : i32
      %ge3A_211 = arith.cmpi sge, %add3A_209, %ge3A_210 : i32
      %convert_element_type3A_212 = arith.extui %ge3A_211 : i1 to i32
      %cond3A_213 = arith.constant 0 : i32
      %cond3A_214 = arith.cmpi ne, %convert_element_type3A_212, %cond3A_213 : i32
      scf.if %cond3A_214 {
        %dma_wait3A_245 = arith.constant 3 : i32
        %dma_wait3A_246 = arith.constant 1 : i32
        %dma_wait3A_247 = arith.constant 0 : i32
        %dma_wait3A_248 = tpu.memref_slice %arg6[%dma_wait3A_245, %dma_wait3A_246, %dma_wait3A_247] : memref<4x2x128xi32, #tpu.memory_space<vmem>> -> memref<1x1x128xi32, #tpu.memory_space<vmem>>
        %dma_wait3A_249 = tpu.memref_squeeze %dma_wait3A_248 : memref<1x1x128xi32, #tpu.memory_space<vmem>> -> memref<128xi32, #tpu.memory_space<vmem>>
        %dma_wait3A_250 = arith.constant 0 : i32
        %dma_wait3A_251 = arith.constant 0 : i32
        %dma_wait3A_252 = tpu.memref_slice %arg17[%dma_wait3A_250, %dma_wait3A_251] : memref<10240x128xf32, #tpu.memory_space<vmem_shared>> -> memref<10240x128xf32, #tpu.memory_space<vmem_shared>>
        tpu.wait_indirect_dma semaphore(%arg11 : memref<!tpu.dma_semaphore, #tpu.memory_space<semaphore_mem>>) src(%arg7 : memref<128x128xf32, #tpu.memory_space<vmem>>) dst(%dma_wait3A_252 : memref<10240x128xf32, #tpu.memory_space<vmem_shared>>)
      } else {
      }
      %add3A_215 = arith.constant 1 : i32
      %add3A_216 = arith.addi %add3A_209, %add3A_215 : i32
      %lt3A_217 = arith.constant 80 : i32
      %lt3A_218 = arith.cmpi slt, %add3A_216, %lt3A_217 : i32
      %convert_element_type3A_219 = arith.extui %lt3A_218 : i1 to i32
      %cond3A_220 = arith.constant 0 : i32
      %cond3A_221 = arith.cmpi ne, %convert_element_type3A_219, %cond3A_220 : i32
      scf.if %cond3A_221 {
        %add3A_245 = arith.addi %mul3A_2, %add3A_209 : i32
        %add3A_246 = arith.constant 1 : i32
        %add3A_247 = arith.addi %add3A_245, %add3A_246 : i32
        %dma_wait3A_248 = arith.constant 0 : i32
        %dma_wait3A_249 = arith.constant 0 : i32
        %dma_wait3A_250 = arith.constant 0 : i32
        %dma_wait3A_251 = tpu.memref_slice %arg6[%dma_wait3A_248, %dma_wait3A_249, %dma_wait3A_250] : memref<4x2x128xi32, #tpu.memory_space<vmem>> -> memref<1x2x128xi32, #tpu.memory_space<vmem>>
        %dma_wait3A_252 = tpu.memref_squeeze %dma_wait3A_251 : memref<1x2x128xi32, #tpu.memory_space<vmem>> -> memref<2x128xi32, #tpu.memory_space<vmem>>
        %dma_wait3A_253 = arith.constant 0 : i32
        %dma_wait3A_254 = arith.constant 0 : i32
        %dma_wait3A_255 = tpu.memref_slice %arg3[%add3A_247, %dma_wait3A_253, %dma_wait3A_254] : memref<2560x2x128xi32, #tpu.memory_space<hbm>> -> memref<1x2x128xi32, #tpu.memory_space<hbm>>
        %dma_wait3A_256 = tpu.memref_squeeze %dma_wait3A_255 : memref<1x2x128xi32, #tpu.memory_space<hbm>> -> memref<2x128xi32, #tpu.memory_space<hbm>>
        %dma_wait3A_257 = arith.constant 0 : i32
        %dma_wait3A_258 = arith.constant 0 : i32
        %dma_wait3A_259 = tpu.memref_slice %arg6[%dma_wait3A_248, %dma_wait3A_257, %dma_wait3A_258] : memref<4x2x128xi32, #tpu.memory_space<vmem>> -> memref<1x2x128xi32, #tpu.memory_space<vmem>>
        %dma_wait3A_260 = tpu.memref_squeeze %dma_wait3A_259 : memref<1x2x128xi32, #tpu.memory_space<vmem>> -> memref<2x128xi32, #tpu.memory_space<vmem>>
        %dma_wait3A_261 = arith.constant 0 : i32
        %dma_wait3A_262 = arith.constant 0 : i32
        %dma_wait3A_263 = tpu.memref_slice %arg3[%add3A_247, %dma_wait3A_261, %dma_wait3A_262] : memref<2560x2x128xi32, #tpu.memory_space<hbm>> -> memref<1x2x128xi32, #tpu.memory_space<hbm>>
        %dma_wait3A_264 = tpu.memref_squeeze %dma_wait3A_263 : memref<1x2x128xi32, #tpu.memory_space<hbm>> -> memref<2x128xi32, #tpu.memory_space<hbm>>
        tpu.wait_dma2 semaphore(%arg13 : memref<!tpu.dma_semaphore, #tpu.memory_space<semaphore_mem>>) src(%dma_wait3A_264 : memref<2x128xi32, #tpu.memory_space<hbm>>) dst(%dma_wait3A_260 : memref<2x128xi32, #tpu.memory_space<vmem>>)
        %dma_start3A_265 = arith.constant 0 : i32
        %dma_start3A_266 = arith.constant 0 : i32
        %dma_start3A_267 = arith.constant 0 : i32
        %dma_start3A_268 = tpu.memref_slice %arg6[%dma_start3A_265, %dma_start3A_266, %dma_start3A_267] : memref<4x2x128xi32, #tpu.memory_space<vmem>> -> memref<1x1x128xi32, #tpu.memory_space<vmem>>
        %dma_start3A_269 = tpu.memref_squeeze %dma_start3A_268 : memref<1x1x128xi32, #tpu.memory_space<vmem>> -> memref<128xi32, #tpu.memory_space<vmem>>
        %dma_start3A_270 = arith.constant 0 : i32
        %dma_start3A_271 = arith.constant 0 : i32
        %dma_start3A_272 = tpu.memref_slice %arg2[%dma_start3A_270, %dma_start3A_271] : memref<10240x128xf32, #tpu.memory_space<hbm>> -> memref<10240x128xf32, #tpu.memory_space<hbm>>
        tpu.enqueue_indirect_dma source(%dma_start3A_272 : memref<10240x128xf32, #tpu.memory_space<hbm>>) target(%arg7 : memref<128x128xf32, #tpu.memory_space<vmem>>) offsets(%dma_start3A_269 : memref<128xi32, #tpu.memory_space<vmem>>) semaphore(%arg9 : memref<!tpu.dma_semaphore, #tpu.memory_space<semaphore_mem>>)
      } else {
      }
      %add3A_222 = arith.constant 2 : i32
      %add3A_223 = arith.addi %add3A_209, %add3A_222 : i32
      %lt3A_224 = arith.constant 80 : i32
      %lt3A_225 = arith.cmpi slt, %add3A_223, %lt3A_224 : i32
      %convert_element_type3A_226 = arith.extui %lt3A_225 : i1 to i32
      %cond3A_227 = arith.constant 0 : i32
      %cond3A_228 = arith.cmpi ne, %convert_element_type3A_226, %cond3A_227 : i32
      scf.if %cond3A_228 {
        %add3A_245 = arith.addi %mul3A_2, %add3A_209 : i32
        %add3A_246 = arith.constant 2 : i32
        %add3A_247 = arith.addi %add3A_245, %add3A_246 : i32
        %dma_start3A_248 = arith.constant 1 : i32
        %dma_start3A_249 = arith.constant 0 : i32
        %dma_start3A_250 = arith.constant 0 : i32
        %dma_start3A_251 = tpu.memref_slice %arg6[%dma_start3A_248, %dma_start3A_249, %dma_start3A_250] : memref<4x2x128xi32, #tpu.memory_space<vmem>> -> memref<1x2x128xi32, #tpu.memory_space<vmem>>
        %dma_start3A_252 = tpu.memref_squeeze %dma_start3A_251 : memref<1x2x128xi32, #tpu.memory_space<vmem>> -> memref<2x128xi32, #tpu.memory_space<vmem>>
        %dma_start3A_253 = arith.constant 0 : i32
        %dma_start3A_254 = arith.constant 0 : i32
        %dma_start3A_255 = tpu.memref_slice %arg3[%add3A_247, %dma_start3A_253, %dma_start3A_254] : memref<2560x2x128xi32, #tpu.memory_space<hbm>> -> memref<1x2x128xi32, #tpu.memory_space<hbm>>
        %dma_start3A_256 = tpu.memref_squeeze %dma_start3A_255 : memref<1x2x128xi32, #tpu.memory_space<hbm>> -> memref<2x128xi32, #tpu.memory_space<hbm>>
        %dma_start3A_257 = arith.constant 0 : i32
        %dma_start3A_258 = arith.constant 0 : i32
        %dma_start3A_259 = tpu.memref_slice %arg6[%dma_start3A_248, %dma_start3A_257, %dma_start3A_258] : memref<4x2x128xi32, #tpu.memory_space<vmem>> -> memref<1x2x128xi32, #tpu.memory_space<vmem>>
        %dma_start3A_260 = tpu.memref_squeeze %dma_start3A_259 : memref<1x2x128xi32, #tpu.memory_space<vmem>> -> memref<2x128xi32, #tpu.memory_space<vmem>>
        %dma_start3A_261 = arith.constant 0 : i32
        %dma_start3A_262 = arith.constant 0 : i32
        %dma_start3A_263 = tpu.memref_slice %arg3[%add3A_247, %dma_start3A_261, %dma_start3A_262] : memref<2560x2x128xi32, #tpu.memory_space<hbm>> -> memref<1x2x128xi32, #tpu.memory_space<hbm>>
        %dma_start3A_264 = tpu.memref_squeeze %dma_start3A_263 : memref<1x2x128xi32, #tpu.memory_space<hbm>> -> memref<2x128xi32, #tpu.memory_space<hbm>>
        tpu.enqueue_dma source(%dma_start3A_264 : memref<2x128xi32, #tpu.memory_space<hbm>>) target(%dma_start3A_260 : memref<2x128xi32, #tpu.memory_space<vmem>>) target_semaphore(%arg14 : memref<!tpu.dma_semaphore, #tpu.memory_space<semaphore_mem>>)
      } else {
      }
      %dma_wait3A_229 = arith.constant 3 : i32
      %dma_wait3A_230 = arith.constant 0 : i32
      %dma_wait3A_231 = arith.constant 0 : i32
      %dma_wait3A_232 = tpu.memref_slice %arg6[%dma_wait3A_229, %dma_wait3A_230, %dma_wait3A_231] : memref<4x2x128xi32, #tpu.memory_space<vmem>> -> memref<1x1x128xi32, #tpu.memory_space<vmem>>
      %dma_wait3A_233 = tpu.memref_squeeze %dma_wait3A_232 : memref<1x1x128xi32, #tpu.memory_space<vmem>> -> memref<128xi32, #tpu.memory_space<vmem>>
      %dma_wait3A_234 = arith.constant 0 : i32
      %dma_wait3A_235 = arith.constant 0 : i32
      %dma_wait3A_236 = tpu.memref_slice %arg2[%dma_wait3A_234, %dma_wait3A_235] : memref<10240x128xf32, #tpu.memory_space<hbm>> -> memref<10240x128xf32, #tpu.memory_space<hbm>>
      tpu.wait_indirect_dma semaphore(%arg10 : memref<!tpu.dma_semaphore, #tpu.memory_space<semaphore_mem>>) src(%dma_wait3A_236 : memref<10240x128xf32, #tpu.memory_space<hbm>>) dst(%arg8 : memref<128x128xf32, #tpu.memory_space<vmem>>)
      %dma_start3A_237 = arith.constant 3 : i32
      %dma_start3A_238 = arith.constant 1 : i32
      %dma_start3A_239 = arith.constant 0 : i32
      %dma_start3A_240 = tpu.memref_slice %arg6[%dma_start3A_237, %dma_start3A_238, %dma_start3A_239] : memref<4x2x128xi32, #tpu.memory_space<vmem>> -> memref<1x1x128xi32, #tpu.memory_space<vmem>>
      %dma_start3A_241 = tpu.memref_squeeze %dma_start3A_240 : memref<1x1x128xi32, #tpu.memory_space<vmem>> -> memref<128xi32, #tpu.memory_space<vmem>>
      %dma_start3A_242 = arith.constant 0 : i32
      %dma_start3A_243 = arith.constant 0 : i32
      %dma_start3A_244 = tpu.memref_slice %arg17[%dma_start3A_242, %dma_start3A_243] : memref<10240x128xf32, #tpu.memory_space<vmem_shared>> -> memref<10240x128xf32, #tpu.memory_space<vmem_shared>>
      tpu.enqueue_indirect_dma source(%arg8 : memref<128x128xf32, #tpu.memory_space<vmem>>) target(%dma_start3A_244 : memref<10240x128xf32, #tpu.memory_space<vmem_shared>>) offsets(%dma_start3A_241 : memref<128xi32, #tpu.memory_space<vmem>>) semaphore(%arg12 : memref<!tpu.dma_semaphore, #tpu.memory_space<semaphore_mem>>) {add = true}
    }
    %scan3A_78 = arith.constant 20 : i32
    %dma_wait3A_79 = arith.constant 0 : i32
    %dma_wait3A_80 = arith.constant 1 : i32
    %dma_wait3A_81 = arith.constant 0 : i32
    %dma_wait3A_82 = tpu.memref_slice %arg6[%dma_wait3A_79, %dma_wait3A_80, %dma_wait3A_81] : memref<4x2x128xi32, #tpu.memory_space<vmem>> -> memref<1x1x128xi32, #tpu.memory_space<vmem>>
    %dma_wait3A_83 = tpu.memref_squeeze %dma_wait3A_82 : memref<1x1x128xi32, #tpu.memory_space<vmem>> -> memref<128xi32, #tpu.memory_space<vmem>>
    %dma_wait3A_84 = arith.constant 0 : i32
    %dma_wait3A_85 = arith.constant 0 : i32
    %dma_wait3A_86 = tpu.memref_slice %arg17[%dma_wait3A_84, %dma_wait3A_85] : memref<10240x128xf32, #tpu.memory_space<vmem_shared>> -> memref<10240x128xf32, #tpu.memory_space<vmem_shared>>
    tpu.wait_indirect_dma semaphore(%arg12 : memref<!tpu.dma_semaphore, #tpu.memory_space<semaphore_mem>>) src(%arg8 : memref<128x128xf32, #tpu.memory_space<vmem>>) dst(%dma_wait3A_86 : memref<10240x128xf32, #tpu.memory_space<vmem_shared>>)
    %barrier3A_87 = arith.constant 0 : index
    tpu.barrier barrier_id(%barrier3A_87)
    %mul3A_88 = arith.constant 10240 : i32
    %mul3A_89 = arith.muli %arg0, %mul3A_88 : i32
    %add3A_90 = arith.addi %mul3A_89, %mul3A_4 : i32
    "tpu.region"() ({
      %run_scoped3A = tpu.sem_alloc : memref<!tpu.dma_semaphore, #tpu.memory_space<semaphore_mem>>
      %dma_start3A_92 = arith.constant 0 : i32
      %dma_start3A_93 = tpu.memref_slice %arg5[%add3A_90, %dma_start3A_92] : memref<20480x128xf32, #tpu.memory_space<hbm>> -> memref<640x128xf32, #tpu.memory_space<hbm>>
      %dma_start3A_94 = arith.constant 0 : i32
      %dma_start3A_95 = tpu.memref_slice %arg17[%mul3A_4, %dma_start3A_94] : memref<10240x128xf32, #tpu.memory_space<vmem_shared>> -> memref<640x128xf32, #tpu.memory_space<vmem_shared>>
      tpu.enqueue_dma source(%dma_start3A_95 : memref<640x128xf32, #tpu.memory_space<vmem_shared>>) target(%dma_start3A_93 : memref<640x128xf32, #tpu.memory_space<hbm>>) target_semaphore(%run_scoped3A : memref<!tpu.dma_semaphore, #tpu.memory_space<semaphore_mem>>)
      %dma_wait3A_96 = arith.constant 0 : i32
      %dma_wait3A_97 = tpu.memref_slice %arg5[%add3A_90, %dma_wait3A_96] : memref<20480x128xf32, #tpu.memory_space<hbm>> -> memref<640x128xf32, #tpu.memory_space<hbm>>
      %dma_wait3A_98 = arith.constant 0 : i32
      %dma_wait3A_99 = tpu.memref_slice %arg17[%mul3A_4, %dma_wait3A_98] : memref<10240x128xf32, #tpu.memory_space<vmem_shared>> -> memref<640x128xf32, #tpu.memory_space<vmem_shared>>
      tpu.wait_dma2 semaphore(%run_scoped3A : memref<!tpu.dma_semaphore, #tpu.memory_space<semaphore_mem>>) src(%dma_wait3A_99 : memref<640x128xf32, #tpu.memory_space<vmem_shared>>) dst(%dma_wait3A_97 : memref<640x128xf32, #tpu.memory_space<hbm>>)
      tpu.yield
    }) : () -> ()
    %barrier3A_91 = arith.constant 0 : index
    tpu.barrier barrier_id(%barrier3A_91)
    return
  }
}

module attributes {stable_mosaic.version = 14 : i64} {
  func.func @_pre_body(%arg0: i32, %arg1: memref<1024xf32, #tpu.memory_space<vmem>>, %arg2: memref<1024xf32, #tpu.memory_space<vmem>>, %arg3: memref<1024x128xf32, #tpu.memory_space<vmem>>, %arg4: memref<128x128xf32, #tpu.memory_space<vmem>>, %arg5: memref<1024x128xf32, #tpu.memory_space<vmem>>, %arg6: memref<1024xf32, #tpu.memory_space<vmem>>) attributes {dimension_semantics = [#tpu.dimension_semantics<arbitrary>], iteration_bounds = array<i64: 10>, scalar_prefetch = 0 : i64, scratch_operands = 0 : i64, tpu.core_type = #tpu.core_type<tc>, window_params = [{transform_indices = @transform_0, window_bounds = array<i64: 1024>}, {transform_indices = @transform_1, window_bounds = array<i64: 1024>}, {transform_indices = @transform_2, window_bounds = array<i64: 1024, 128>}, {pipeline_mode = #tpu.pipeline_mode<synchronous>, transform_indices = @transform_3, window_bounds = array<i64: 128, 128>}, {transform_indices = @transform_4, window_bounds = array<i64: 1024, 128>}, {transform_indices = @transform_5, window_bounds = array<i64: 1024>}]} {
    %get3A = arith.constant 0 : index
    %get3A_0 = vector.load %arg1[%get3A] : memref<1024xf32, #tpu.memory_space<vmem>>, vector<1024xf32>
    %get3A_1 = arith.constant 0 : index
    %get3A_2 = vector.load %arg2[%get3A_1] : memref<1024xf32, #tpu.memory_space<vmem>>, vector<1024xf32>
    %add3A = arith.addf %get3A_0, %get3A_2 : vector<1024xf32>
    %add3A_3 = arith.constant 1.000000e+00 : f32
    %add3A_4 = vector.broadcast %add3A_3 : f32 to vector<1024xf32>
    %add3A_5 = arith.addf %add3A, %add3A_4 : vector<1024xf32>
    %rsqrt3A = math.rsqrt %add3A_5 : vector<1024xf32>
    %get3A_6 = arith.constant 0 : index
    %get3A_7 = arith.constant 0 : index
    %get3A_8 = vector.load %arg3[%get3A_6, %get3A_7] : memref<1024x128xf32, #tpu.memory_space<vmem>>, vector<1024x128xf32>
    %get3A_9 = arith.constant 0 : index
    %get3A_10 = arith.constant 0 : index
    %get3A_11 = vector.load %arg4[%get3A_9, %get3A_10] : memref<128x128xf32, #tpu.memory_space<vmem>>, vector<128x128xf32>
    %dot_general3A = arith.constant dense<0.000000e+00> : vector<1024x128xf32>
    %dot_general3A_12 = tpu.matmul %get3A_8, %get3A_11, %dot_general3A {dimension_numbers = #tpu.dot_dimension_numbers<[1], [0], [0], [1], [0, 0, 1, 1], [], []>, transpose_lhs_hint = false} : vector<1024x128xf32>, vector<128x128xf32>, vector<1024x128xf32> -> vector<1024x128xf32>
    %broadcast_in_dim3A = vector.shape_cast %rsqrt3A : vector<1024xf32> to vector<1024x1xf32>
    %mul3A = vector.broadcast %broadcast_in_dim3A : vector<1024x1xf32> to vector<1024x128xf32>
    %mul3A_13 = arith.mulf %dot_general3A_12, %mul3A : vector<1024x128xf32>
    %swap3A = arith.constant 0 : index
    %swap3A_14 = arith.constant 0 : index
    %swap3A_15 = vector.load %arg5[%swap3A, %swap3A_14] : memref<1024x128xf32, #tpu.memory_space<vmem>>, vector<1024x128xf32>
    tpu.vector_store %arg5[%swap3A, %swap3A_14], %mul3A_13 {strides = array<i32>} : memref<1024x128xf32, #tpu.memory_space<vmem>>, vector<1024x128xf32>,
    %swap3A_16 = arith.constant 0 : index
    %swap3A_17 = vector.load %arg6[%swap3A_16] : memref<1024xf32, #tpu.memory_space<vmem>>, vector<1024xf32>
    tpu.vector_store %arg6[%swap3A_16], %rsqrt3A {strides = array<i32>} : memref<1024xf32, #tpu.memory_space<vmem>>, vector<1024xf32>,
    return
  }
  func.func @transform_0(%arg0: i32) -> i32 {
    %c0_i32 = arith.constant 0 : i32
    return %arg0 : i32
  }
  func.func @transform_1(%arg0: i32) -> i32 {
    %c0_i32 = arith.constant 0 : i32
    return %arg0 : i32
  }
  func.func @transform_2(%arg0: i32) -> (i32, i32) {
    %c0_i32 = arith.constant 0 : i32
    %c0_i32_0 = arith.constant 0 : i32
    return %arg0, %c0_i32 : i32, i32
  }
  func.func @transform_3(%arg0: i32) -> (i32, i32) {
    %c0_i32 = arith.constant 0 : i32
    %c0_i32_0 = arith.constant 0 : i32
    %c0_i32_1 = arith.constant 0 : i32
    return %c0_i32, %c0_i32_0 : i32, i32
  }
  func.func @transform_4(%arg0: i32) -> (i32, i32) {
    %c0_i32 = arith.constant 0 : i32
    %c0_i32_0 = arith.constant 0 : i32
    return %arg0, %c0_i32 : i32, i32
  }
  func.func @transform_5(%arg0: i32) -> i32 {
    %c0_i32 = arith.constant 0 : i32
    return %arg0 : i32
  }
}

module attributes {stable_mosaic.version = 14 : i64} {
  func.func @_mid_body(%arg0: i32, %arg1: memref<1024x128xf32, #tpu.memory_space<vmem>>, %arg2: memref<1024x128xf32, #tpu.memory_space<vmem>>, %arg3: memref<1024x128xf32, #tpu.memory_space<vmem>>, %arg4: memref<1024xf32, #tpu.memory_space<vmem>>, %arg5: memref<128xf32, #tpu.memory_space<vmem>>, %arg6: memref<128x128xf32, #tpu.memory_space<vmem>>, %arg7: memref<1024x128xf32, #tpu.memory_space<vmem>>) attributes {dimension_semantics = [#tpu.dimension_semantics<arbitrary>], iteration_bounds = array<i64: 10>, scalar_prefetch = 0 : i64, scratch_operands = 0 : i64, tpu.core_type = #tpu.core_type<tc>, window_params = [{transform_indices = @transform_0, window_bounds = array<i64: 1024, 128>}, {transform_indices = @transform_1, window_bounds = array<i64: 1024, 128>}, {transform_indices = @transform_2, window_bounds = array<i64: 1024, 128>}, {transform_indices = @transform_3, window_bounds = array<i64: 1024>}, {pipeline_mode = #tpu.pipeline_mode<synchronous>, transform_indices = @transform_4, window_bounds = array<i64: 128>}, {pipeline_mode = #tpu.pipeline_mode<synchronous>, transform_indices = @transform_5, window_bounds = array<i64: 128, 128>}, {transform_indices = @transform_6, window_bounds = array<i64: 1024, 128>}]} {
    %get3A = arith.constant 0 : index
    %get3A_0 = vector.load %arg4[%get3A] : memref<1024xf32, #tpu.memory_space<vmem>>, vector<1024xf32>
    %get3A_1 = arith.constant 0 : index
    %get3A_2 = arith.constant 0 : index
    %get3A_3 = vector.load %arg1[%get3A_1, %get3A_2] : memref<1024x128xf32, #tpu.memory_space<vmem>>, vector<1024x128xf32>
    %get3A_4 = arith.constant 0 : index
    %get3A_5 = arith.constant 0 : index
    %get3A_6 = vector.load %arg2[%get3A_4, %get3A_5] : memref<1024x128xf32, #tpu.memory_space<vmem>>, vector<1024x128xf32>
    %add3A = arith.addf %get3A_3, %get3A_6 : vector<1024x128xf32>
    %get3A_7 = arith.constant 0 : index
    %get3A_8 = arith.constant 0 : index
    %get3A_9 = vector.load %arg3[%get3A_7, %get3A_8] : memref<1024x128xf32, #tpu.memory_space<vmem>>, vector<1024x128xf32>
    %add3A_10 = arith.addf %add3A, %get3A_9 : vector<1024x128xf32>
    %broadcast_in_dim3A = vector.shape_cast %get3A_0 : vector<1024xf32> to vector<1024x1xf32>
    %mul3A = vector.broadcast %broadcast_in_dim3A : vector<1024x1xf32> to vector<1024x128xf32>
    %mul3A_11 = arith.mulf %add3A_10, %mul3A : vector<1024x128xf32>
    %get3A_12 = arith.constant 0 : index
    %get3A_13 = vector.load %arg5[%get3A_12] : memref<128xf32, #tpu.memory_space<vmem>>, vector<128xf32>
    %broadcast_in_dim3A_14 = vector.shape_cast %get3A_13 : vector<128xf32> to vector<1x128xf32>
    %add3A_15 = vector.broadcast %broadcast_in_dim3A_14 : vector<1x128xf32> to vector<1024x128xf32>
    %add3A_16 = arith.addf %mul3A_11, %add3A_15 : vector<1024x128xf32>
    %max3A = arith.constant 0.000000e+00 : f32
    %max3A_17 = vector.broadcast %max3A : f32 to vector<1024x128xf32>
    %max3A_18 = arith.maximumf %add3A_16, %max3A_17 : vector<1024x128xf32>
    %get3A_19 = arith.constant 0 : index
    %get3A_20 = arith.constant 0 : index
    %get3A_21 = vector.load %arg6[%get3A_19, %get3A_20] : memref<128x128xf32, #tpu.memory_space<vmem>>, vector<128x128xf32>
    %dot_general3A = arith.constant dense<0.000000e+00> : vector<1024x128xf32>
    %dot_general3A_22 = tpu.matmul %max3A_18, %get3A_21, %dot_general3A {dimension_numbers = #tpu.dot_dimension_numbers<[1], [0], [0], [1], [0, 0, 1, 1], [], []>, transpose_lhs_hint = false} : vector<1024x128xf32>, vector<128x128xf32>, vector<1024x128xf32> -> vector<1024x128xf32>
    %broadcast_in_dim3A_23 = vector.shape_cast %get3A_0 : vector<1024xf32> to vector<1024x1xf32>
    %mul3A_24 = vector.broadcast %broadcast_in_dim3A_23 : vector<1024x1xf32> to vector<1024x128xf32>
    %mul3A_25 = arith.mulf %dot_general3A_22, %mul3A_24 : vector<1024x128xf32>
    %swap3A = arith.constant 0 : index
    %swap3A_26 = arith.constant 0 : index
    %swap3A_27 = vector.load %arg7[%swap3A, %swap3A_26] : memref<1024x128xf32, #tpu.memory_space<vmem>>, vector<1024x128xf32>
    tpu.vector_store %arg7[%swap3A, %swap3A_26], %mul3A_25 {strides = array<i32>} : memref<1024x128xf32, #tpu.memory_space<vmem>>, vector<1024x128xf32>,
    return
  }
  func.func @transform_0(%arg0: i32) -> (i32, i32) {
    %c0_i32 = arith.constant 0 : i32
    %c0_i32_0 = arith.constant 0 : i32
    return %arg0, %c0_i32 : i32, i32
  }
  func.func @transform_1(%arg0: i32) -> (i32, i32) {
    %c0_i32 = arith.constant 0 : i32
    %c0_i32_0 = arith.constant 0 : i32
    return %arg0, %c0_i32 : i32, i32
  }
  func.func @transform_2(%arg0: i32) -> (i32, i32) {
    %c0_i32 = arith.constant 0 : i32
    %c0_i32_0 = arith.constant 0 : i32
    return %arg0, %c0_i32 : i32, i32
  }
  func.func @transform_3(%arg0: i32) -> i32 {
    %c0_i32 = arith.constant 0 : i32
    return %arg0 : i32
  }
  func.func @transform_4(%arg0: i32) -> i32 {
    %c0_i32 = arith.constant 0 : i32
    %c0_i32_0 = arith.constant 0 : i32
    return %c0_i32 : i32
  }
  func.func @transform_5(%arg0: i32) -> (i32, i32) {
    %c0_i32 = arith.constant 0 : i32
    %c0_i32_0 = arith.constant 0 : i32
    %c0_i32_1 = arith.constant 0 : i32
    return %c0_i32, %c0_i32_0 : i32, i32
  }
  func.func @transform_6(%arg0: i32) -> (i32, i32) {
    %c0_i32 = arith.constant 0 : i32
    %c0_i32_0 = arith.constant 0 : i32
    return %arg0, %c0_i32 : i32, i32
  }
}

module attributes {stable_mosaic.version = 14 : i64} {
  func.func @_fin_body(%arg0: i32, %arg1: memref<1024x128xf32, #tpu.memory_space<vmem>>, %arg2: memref<1024x128xf32, #tpu.memory_space<vmem>>, %arg3: memref<1024x128xf32, #tpu.memory_space<vmem>>, %arg4: memref<1024xf32, #tpu.memory_space<vmem>>, %arg5: memref<128xf32, #tpu.memory_space<vmem>>, %arg6: memref<128x64xf32, #tpu.memory_space<vmem>>, %arg7: memref<64xf32, #tpu.memory_space<vmem>>, %arg8: memref<1024x64xf32, #tpu.memory_space<vmem>>) attributes {dimension_semantics = [#tpu.dimension_semantics<arbitrary>], iteration_bounds = array<i64: 10>, scalar_prefetch = 0 : i64, scratch_operands = 0 : i64, tpu.core_type = #tpu.core_type<tc>, window_params = [{transform_indices = @transform_0, window_bounds = array<i64: 1024, 128>}, {transform_indices = @transform_1, window_bounds = array<i64: 1024, 128>}, {transform_indices = @transform_2, window_bounds = array<i64: 1024, 128>}, {transform_indices = @transform_3, window_bounds = array<i64: 1024>}, {pipeline_mode = #tpu.pipeline_mode<synchronous>, transform_indices = @transform_4, window_bounds = array<i64: 128>}, {pipeline_mode = #tpu.pipeline_mode<synchronous>, transform_indices = @transform_5, window_bounds = array<i64: 128, 64>}, {pipeline_mode = #tpu.pipeline_mode<synchronous>, transform_indices = @transform_6, window_bounds = array<i64: 64>}, {transform_indices = @transform_7, window_bounds = array<i64: 1024, 64>}]} {
    %get3A = arith.constant 0 : index
    %get3A_0 = vector.load %arg4[%get3A] : memref<1024xf32, #tpu.memory_space<vmem>>, vector<1024xf32>
    %get3A_1 = arith.constant 0 : index
    %get3A_2 = arith.constant 0 : index
    %get3A_3 = vector.load %arg1[%get3A_1, %get3A_2] : memref<1024x128xf32, #tpu.memory_space<vmem>>, vector<1024x128xf32>
    %get3A_4 = arith.constant 0 : index
    %get3A_5 = arith.constant 0 : index
    %get3A_6 = vector.load %arg2[%get3A_4, %get3A_5] : memref<1024x128xf32, #tpu.memory_space<vmem>>, vector<1024x128xf32>
    %add3A = arith.addf %get3A_3, %get3A_6 : vector<1024x128xf32>
    %get3A_7 = arith.constant 0 : index
    %get3A_8 = arith.constant 0 : index
    %get3A_9 = vector.load %arg3[%get3A_7, %get3A_8] : memref<1024x128xf32, #tpu.memory_space<vmem>>, vector<1024x128xf32>
    %add3A_10 = arith.addf %add3A, %get3A_9 : vector<1024x128xf32>
    %broadcast_in_dim3A = vector.shape_cast %get3A_0 : vector<1024xf32> to vector<1024x1xf32>
    %mul3A = vector.broadcast %broadcast_in_dim3A : vector<1024x1xf32> to vector<1024x128xf32>
    %mul3A_11 = arith.mulf %add3A_10, %mul3A : vector<1024x128xf32>
    %get3A_12 = arith.constant 0 : index
    %get3A_13 = vector.load %arg5[%get3A_12] : memref<128xf32, #tpu.memory_space<vmem>>, vector<128xf32>
    %broadcast_in_dim3A_14 = vector.shape_cast %get3A_13 : vector<128xf32> to vector<1x128xf32>
    %add3A_15 = vector.broadcast %broadcast_in_dim3A_14 : vector<1x128xf32> to vector<1024x128xf32>
    %add3A_16 = arith.addf %mul3A_11, %add3A_15 : vector<1024x128xf32>
    %get3A_17 = arith.constant 0 : index
    %get3A_18 = arith.constant 0 : index
    %get3A_19 = vector.load %arg6[%get3A_17, %get3A_18] : memref<128x64xf32, #tpu.memory_space<vmem>>, vector<128x64xf32>
    %dot_general3A = arith.constant dense<0.000000e+00> : vector<1024x64xf32>
    %dot_general3A_20 = tpu.matmul %add3A_16, %get3A_19, %dot_general3A {dimension_numbers = #tpu.dot_dimension_numbers<[1], [0], [0], [1], [0, 0, 1, 1], [], []>, transpose_lhs_hint = false} : vector<1024x128xf32>, vector<128x64xf32>, vector<1024x64xf32> -> vector<1024x64xf32>
    %get3A_21 = arith.constant 0 : index
    %get3A_22 = vector.load %arg7[%get3A_21] : memref<64xf32, #tpu.memory_space<vmem>>, vector<64xf32>
    %broadcast_in_dim3A_23 = vector.shape_cast %get3A_22 : vector<64xf32> to vector<1x64xf32>
    %add3A_24 = vector.broadcast %broadcast_in_dim3A_23 : vector<1x64xf32> to vector<1024x64xf32>
    %add3A_25 = arith.addf %dot_general3A_20, %add3A_24 : vector<1024x64xf32>
    %swap3A = arith.constant 0 : index
    %swap3A_26 = arith.constant 0 : index
    %swap3A_27 = vector.load %arg8[%swap3A, %swap3A_26] : memref<1024x64xf32, #tpu.memory_space<vmem>>, vector<1024x64xf32>
    tpu.vector_store %arg8[%swap3A, %swap3A_26], %add3A_25 {strides = array<i32>} : memref<1024x64xf32, #tpu.memory_space<vmem>>, vector<1024x64xf32>,
    return
  }
  func.func @transform_0(%arg0: i32) -> (i32, i32) {
    %c0_i32 = arith.constant 0 : i32
    %c0_i32_0 = arith.constant 0 : i32
    return %arg0, %c0_i32 : i32, i32
  }
  func.func @transform_1(%arg0: i32) -> (i32, i32) {
    %c0_i32 = arith.constant 0 : i32
    %c0_i32_0 = arith.constant 0 : i32
    return %arg0, %c0_i32 : i32, i32
  }
  func.func @transform_2(%arg0: i32) -> (i32, i32) {
    %c0_i32 = arith.constant 0 : i32
    %c0_i32_0 = arith.constant 0 : i32
    return %arg0, %c0_i32 : i32, i32
  }
  func.func @transform_3(%arg0: i32) -> i32 {
    %c0_i32 = arith.constant 0 : i32
    return %arg0 : i32
  }
  func.func @transform_4(%arg0: i32) -> i32 {
    %c0_i32 = arith.constant 0 : i32
    %c0_i32_0 = arith.constant 0 : i32
    return %c0_i32 : i32
  }
  func.func @transform_5(%arg0: i32) -> (i32, i32) {
    %c0_i32 = arith.constant 0 : i32
    %c0_i32_0 = arith.constant 0 : i32
    %c0_i32_1 = arith.constant 0 : i32
    return %c0_i32, %c0_i32_0 : i32, i32
  }
  func.func @transform_6(%arg0: i32) -> i32 {
    %c0_i32 = arith.constant 0 : i32
    %c0_i32_0 = arith.constant 0 : i32
    return %c0_i32 : i32
  }
  func.func @transform_7(%arg0: i32) -> (i32, i32) {
    %c0_i32 = arith.constant 0 : i32
    %c0_i32_0 = arith.constant 0 : i32
    return %arg0, %c0_i32 : i32, i32
  }
}

</mosaic_0001>

<sc_bundles>
// kernel: kernel.11.cloned.1.call-start
scs
__scs_entry_jumppad:
0x0: {  	(pc) =	sbr.rel $0x88, $3  }
0x1: {  	(tag) =	ssettag $0x0;
	lr =	simm.s32 $0x1  }
0x2: {  	[smem:$0x3F99] =	sst lr;
	_ =	strace $0xD0000000  }
0x3: {  	_ = 	snop  }
0x4: {  	_ = 	snop  }
0x5: {  	_ = 	snop  }
0x6: {  	_ = 	snop  }
0x7: {  	_ = 	snop  }
__scs_overlays_trampoline_lowered:
0x8: {  	[smem:$0x3FA8] =	sst s0  }
0x9: {  	[smem:$0x3FA9] =	sst s1  }
0xa: {  	[smem:$0x3FAA] =	sst s2  }
0xb: {  	[smem:$0x3FAB] =	sst s3  }
0xc: {  	[smem:$0x3FAC] =	sst s4  }
0xd: {  	[smem:$0x3FAD] =	sst s5  }
0xe: {  	[smem:$0x3FAE] =	sst s6  }
0xf: {  	[smem:$0x3FAF] =	sst s7  }
0x10: {  	[smem:$0x3FB0] =	sst s8  }
0x11: {  	[smem:$0x3FB1] =	sst s9;
	s0 =	simm.s32 @!p0 $0x0  }
0x12: {  	s1 =	sld [smem:$0x3F97];
	s0 =	simm.s32 @p0 $0x1  }
0x13: {  	[smem:$0x3FB2] =	sst s0;
	s0 =	simm.s32 @!p1 $0x0  }
0x14: {  	s2 =	sld [smem:$0x3F96];
	s0 =	simm.s32 @p1 $0x1  }
0x15: {  	[smem:$0x3FB3] =	sst s0;
	s0 =	simm.s32 @!p2 $0x0  }
0x16: {  	s3 =	sld [smem:$0x3FDB];
	s0 =	simm.s32 @p2 $0x1  }
0x17: {  	s4 =	simm.s32 $0x1BF5;
	[smem:$0x3FB5] =	sst s0  }
0x18: {  	s0 =	sld [smem:$0x3F98];
	_ =	swait.ge [sflag:s4], $0x0  }
0x19: {  	s7 =	sld [smem:$0x3F99]  }
0x1a: {  	s8 =	sadd.s32 $0xFFFFE003, lr  }
0x1b: {  	s9 =	sadd.s32 $0xFFFFFEF7, lr;
	s5 =	simm.s32 $0xFFFFFFFF;
	p2 =	slt.u32 s8, $0xFFFFF086  }
0x1c: {  	p1 =	slt.u32 s9, $0xF7A;
	s5 =	simm.s32 @!p2 $0x0  }
0x1d: {  	s5 =	simm.s32 @p1 $0x1;
	p0 =	seq.s32 s7, s2  }
0x1e: {  	s7 =	smul.u32 @!p0 $0xF7A, s2;
	p2 =	seq.s32 @!p0 s5, $0x0  }
0x1f: {  	s9 =	smul.u32 $0xF7A, s1;
	s8 =	simm.s32 @!p0 $0x1BF5;
	p2 =	por !p2, p0  }
0x20: {  	[sflag:s8] =	ssyncset.s32 @!p0 $0xFFFFF086;
	s6 =	sadd.s32 @!p0 s3, s7;
	s7 =	simm.s32 @!p0 $0x108  }
0x21: {  	s3 =	sadd.s32 s3, s9;
	s6 =	sadd.s32 @!p0 $0x88, s6;
	s7 =	simm.s32 @p2 $0x1082  }
0x22: {  	[simem:s7], [sflag:s8] =	dma.local @!p0 [hbm:s6], $0xF7A  }
0x23: {  	s9 =	sor.u32 $0xD0000000, s2;
	s6 =	simm.s32 $0x108;
	_ =	swait.ge @!p0 [sflag:s8], $0x0  }
0x24: {  	s3 =	sadd.s32 $0x88, s3;
	s6 =	simm.s32 @!p1 $0x1082;
	[sflag:s4] =	ssyncset.s32 $0xFFFFF086  }
0x25: {  	[simem:s6], [sflag:s4] =	dma.local [hbm:s3], $0xF7A  }
0x26: {  	[smem:$0x3F99] =	sst s1;
	(tag) =	ssettag s2;
	_ =	strace s9  }
0x27: {  	s1 =	sld [smem:$0x3FA9]  }
0x28: {  	s2 =	sld [smem:$0x3FAA]  }
0x29: {  	s4 =	sld [smem:$0x3FAC]  }
0x2a: {  	p0 =	seq.s32 s5, $0x0;
	s5 =	sld [smem:$0x3FAD]  }
0x2b: {  	s6 =	sld [smem:$0x3FAE]  }
0x2c: {  	s7 =	sld [smem:$0x3FAF]  }
0x2d: {  	s3 =	simm.s32 $0x108;
	s8 =	sld [smem:$0x3FB0]  }
0x2e: {  	s3 =	simm.s32 @!p0 $0x1082;
	s9 =	sld [smem:$0x3FB1]  }
0x2f: {  	lr =	sadd.s32 s0, s3;
	s0 =	sld [smem:$0x3FA8]  }
0x30: {  	s3 =	sld [smem:$0x3FAB]  }
0x31: {  	[smem:$0x3FB4] =	sst s10  }
0x32: {  	s10 =	sld [smem:$0x3FB2];
	_ =	sdelay $0x3  }
0x33: {  	p0 =	seq.s32 s10, $0x1;
	s10 =	sld [smem:$0x3FB4];
	_ =	sdelay $0x3  }
0x34: {  	[smem:$0x3FB4] =	sst s10  }
0x35: {  	s10 =	sld [smem:$0x3FB3];
	_ =	sdelay $0x3  }
0x36: {  	p1 =	seq.s32 s10, $0x1;
	s10 =	sld [smem:$0x3FB4];
	_ =	sdelay $0x3  }
0x37: {  	[smem:$0x3FB4] =	sst s10  }
0x38: {  	s10 =	sld [smem:$0x3FB5]  }
0x39: {  	_ = 	snop;
	(pc) =	sbr.ind lr, $3  }
0x3a: {  	_ = 	snop  }
0x3b: {  	_ = 	snop  }
0x3c: {  	p2 =	seq.s32 s10, $0x1;
	s10 =	sld [smem:$0x3FB4]  }
0x3d: {  	_ =	shalt  }
0x3e: {  	_ =	shalt  }
0x3f: {  	_ =	shalt  }
0x40: {  	_ =	shalt  }
0x41: {  	_ =	shalt  }
0x42: {  	_ =	shalt  }
0x43: {  	_ =	shalt  }
0x44: {  	_ =	shalt  }
0x45: {  	_ =	shalt  }
0x46: {  	_ =	shalt  }
0x47: {  	_ =	shalt  }
0x48: {  	_ =	shalt  }
0x49: {  	_ =	shalt  }
0x4a: {  	_ =	shalt  }
0x4b: {  	_ =	shalt  }
0x4c: {  	_ =	shalt  }
0x4d: {  	_ =	shalt  }
0x4e: {  	_ =	shalt  }
0x4f: {  	_ =	shalt  }
0x50: {  	_ =	shalt  }
0x51: {  	_ =	shalt  }
0x52: {  	_ =	shalt  }
0x53: {  	_ =	shalt  }
0x54: {  	_ =	shalt  }
0x55: {  	_ =	shalt  }
0x56: {  	_ =	shalt  }
0x57: {  	_ =	shalt  }
0x58: {  	_ =	shalt  }
0x59: {  	_ =	shalt  }
0x5a: {  	_ =	shalt  }
0x5b: {  	_ =	shalt  }
0x5c: {  	_ =	shalt  }
0x5d: {  	_ =	shalt  }
0x5e: {  	_ =	shalt  }
0x5f: {  	_ =	shalt  }
0x60: {  	_ =	shalt  }
0x61: {  	_ =	shalt  }
0x62: {  	_ =	shalt  }
0x63: {  	_ =	shalt  }
0x64: {  	_ =	shalt  }
0x65: {  	_ =	shalt  }
0x66: {  	_ =	shalt  }
0x67: {  	_ =	shalt  }
0x68: {  	_ =	shalt  }
0x69: {  	_ =	shalt  }
0x6a: {  	_ =	shalt  }
0x6b: {  	_ =	shalt  }
0x6c: {  	_ =	shalt  }
0x6d: {  	_ =	shalt  }
0x6e: {  	_ =	shalt  }
0x6f: {  	_ =	shalt  }
0x70: {  	_ =	shalt  }
0x71: {  	_ =	shalt  }
0x72: {  	_ =	shalt  }
0x73: {  	_ =	shalt  }
0x74: {  	_ =	shalt  }
0x75: {  	_ =	shalt  }
0x76: {  	_ =	shalt  }
0x77: {  	_ =	shalt  }
0x78: {  	_ =	shalt  }
0x79: {  	_ =	shalt  }
0x7a: {  	_ =	shalt  }
0x7b: {  	_ =	shalt  }
0x7c: {  	_ =	shalt  }
0x7d: {  	_ =	shalt  }
0x7e: {  	_ =	shalt  }
0x7f: {  	_ =	shalt  }
0x80: {  	_ =	shalt  }
0x81: {  	_ =	shalt  }
0x82: {  	_ =	shalt  }
0x83: {  	_ =	shalt  }
0x84: {  	_ =	shalt  }
0x85: {  	_ =	shalt  }
0x86: {  	_ =	shalt  }
0x87: {  	_ =	shalt  }
.Lfunc_end0:
.L_simem_size_0:
called_computation.1_lowered:
.L_overlay_start_0:
0x88: {  	s2 =	sld [smem:$0x3FD9]  }
0x89: {  	s3 =	sld [smem:$0x3FFE];
	_ =	sdelay $0x1  }
0x8a: {  	s1 =	srdreg.scid  }
0x8b: {  	s0 =	sand.u32 $0x1, s1  }
0x8c: {  	s16 =	sshll.u32 s0, $0xA;
	s2 =	sadd.s32 s3, s2  }
0x8d: {  	s2 =	sadd.s32 s2, s16  }
0x8e: {  	[smem:$0x3FC0] =	sst s2  }
0x8f: {  	_ = 	snop  }
0x90: {  	(tm) =	ssettm $0x1  }
0x91: {  	s17 =	sld [smem:$0x3FFB];
	_ =	sdelay $0x3  }
0x92: {  	_ =	strace s17  }
0x93: {  	s2 =	sld [smem:$0x3FFC];
	_ =	sdelay $0x3  }
0x94: {  	_ =	strace s2  }
0x95: {  	s2 =	sld [smem:$0x3FFD];
	_ =	sdelay $0x3  }
0x96: {  	_ =	strace s2  }
0x97: {  	_ =	strace $0x8FFFFFFF  }
0x98: {  	s18 =	sld [smem:$0x3FDB];
	_ =	sdelay $0x1  }
0x99: {  	s19 =	simm.s32 $_scs_section_size  }
0x9a: {  	s4 =	simm.s32 $_size__tile_overlayer_lowered;
	s5 =	simm.s32 $_tile_overlayer_lowered  }
0x9b: {  	s22 =	simm.s32 $0x1BFF;
	s21 =	sshll.u32 s5, $0x1;
	s2 =	sadd.s32 s19, s18  }
0x9c: {  	s6 =	simm.s32 $0x0;
	s20 =	sshll.u32 s4, $0x1;
	s4 =	sadd.s32 s21, s2  }
0x9d: {  	[timem:s6], [sflag:s22] =	dma.local [hbm:s4], s20  }
0x9e: {  	_ =	swait.ge [sflag:s22], s20  }
0x9f: {  	s3 =	ssub.s32 $0x0, s20;
	[sflag:s22] =	ssyncset.done $0x0  }
0xa0: {  	[sflag:s22] =	ssyncadd.s32 s3;
	_ =	sdelay $0x1  }
0xa1: {  	s23 =	simm.s32 $0x1B8B  }
0xa2: {  	_ =	swait.ge [sflag:s23], $0x1  }
0xa3: {  	[sflag:s23] =	ssyncset.done $0x0  }
0xa4: {  	s25 =	simm.s32 $0x1B8E;
	s24 =	sld [smem:$0x3FFE];
	[sflag:s23] =	ssyncadd.s32 $0xFFFFFFFF  }
0xa5: {  	s26 =	simm.s32 $execute0_lowered;
	[smem:$0x3FD2] =	sst s25  }
0xa6: {  	s4 =	sshll.u32 s26, $0x1;
	_ =	strace $0x80000049;
	[dreg:$0x1] =	wrdreg $0xFFFFFFFF  }
0xa7: {  	s28 =	simm.s32 $_size_execute0_lowered;
	s2 =	sadd.s32 s2, s4;
	[dreg:$0x0] =	wrdreg $0x0  }
0xa8: {  	s4 =	sshll.u32 s28, $0x1;
	[dreg:$0x2] =	wrdreg s2  }
0xa9: {  	[dreg:$0x3] =	wrdreg s4  }
0xaa: {  	[dreg:$0x4] =	wrdreg $0xC0  }
0xab: {  	_ =	task [dreg:s6], $0x5FFFF  }
0xac: {  	[dreg:$0x1] =	wrdreg $0xFFFFFFFF  }
0xad: {  	[dreg:$0x0] =	wrdreg $0x60  }
0xae: {  	[dreg:$0x2] =	wrdreg s24  }
0xaf: {  	[dreg:$0x3] =	wrdreg $0x84000  }
0xb0: {  	[dreg:$0x4] =	wrdreg $0x9  }
0xb1: {  	_ =	task.clear_ibuf [dreg:s6], $0x5FFFF;
	_ =	strace $0x90000049  }
0xb2: {  	s29 =	simm.s32 $0x9;
	_ =	strace $0x8000004B  }
0xb3: {  	_ =	swait.ge [sflag:s29], $0x1  }
0xb4: {  	[sflag:s29] =	ssyncadd.s32 $0xFFFFFFFF  }
0xb5: {  	_ =	strace $0x9000004B  }
0xb6: {  	_ =	sfence  }
0xb7: {  	s30 =	sld [smem:$0x0];
	_ =	sdelay $0x2  }
0xb8: {  	s31 =	sshll.u32 s1, $0xD;
	s1 =	sshrl.u32 s1, $0x2  }
0xb9: {  	s3 =	sand.u32 $0x4000, s31;
	s1 =	sadd.s32 s1, s30  }
0xba: {  	s0 =	sor.u32 s3, s0;
	s1 =	sshll.u32 s1, $0x11  }
0xbb: {  	s0 =	sor.u32 s1, s0  }
0xbc: {  	s0 =	sadd.s32 $0x8F2B, s0  }
0xbd: {  	[sflag:s0] =	ssyncadd.remote.s32 $0x1  }
0xbe: {  	_ =	sfence.sel $0xFFFF  }
0xbf: {  	[dreg:$0x0] =	wrdreg $0xFFFFFFFF;
	(pc) =	sbr.abs _section_cstart, $3  }
0xc0: {  	[dreg:$0x1] =	wrdreg $0xFFFFFFFF  }
0xc1: {  	_ =	task.clear_ibuf [dreg:s6], $0x2FFFF;
	_ =	strace $0x9FFFFFFF  }
0xc2: {  	(tm) =	ssettm $0x7FFFFFFF  }
0xc3: {  	_ =	shalt  }
tec
execute0_lowered:
.L_overlay_start_1:
0x0: {  	(tag) =	ssettag $0x1  }
0x1: {  	s0 =	rddreg [dreg:$0x0]  }
0x2: {  	s2 =	rddreg [dreg:$0x1]  }
0x3: {  	s1 =	srdreg.scid;
	s10 =	stileid.u32  }
0x4: {  	s3 =	simm.s32 $0x0;
	s25 =	simm.s32 $0x180;
	s26 =	simm.s32 $0x380  }
0x5: {  	s28 =	simm.s32 $0x300;
	s29 =	simm.s32 $0x2;
	s30 =	simm.s32 $0x4  }
0x6: {  	s31 =	simm.s32 $0x8;
	s1 =	sand.u32 $0x1, s1;
	s5 =	smul.u32 $0x2800, s10  }
0x7: {  	[smem:$0x7FF] =	sst s3;
	s4 =	sadd.s32 $0x16A00, s0;
	s9 =	sadd.s32 $0x16200, s0  }
0x8: {  	s8 =	smul.u32 $0x50000, s10;
	_ =	strace $0x8000004A;
	[dreg:$0x6] =	wrdreg s9  }
0x9: {  	s7 =	sadd.s32 $0x2200, s0;
	s6 =	smul.u32 $0x28000, s1;
	[dreg:$0x4] =	wrdreg s25  }
0xa: {  	s11 =	sshll.u32 s1, $0x4;
	s13 =	ssub.s32 $0x2, s1;
	[dreg:$0x5] =	wrdreg s26  }
0xb: {  	s25 =	simm.s32 $0x3;
	s26 =	simm.s32 $0x7;
	s12 =	sor.u32 s10, s11  }
0xc: {  	s14 =	sshrl.u32 s8, $0x2;
	s15 =	sshrl.u32 s13, $0x1;
	s5 =	sadd.s32 s5, s6  }
0xd: {  	s6 =	sadd.s32 s14, s2;
	s8 =	ssub.s32 s13, s15;
	s13 =	smul.u32 $0x50, s10  }
0xe: {  	s15 =	smul.u32 $0xA00, s10;
	s0 =	sadd.s32 s5, s0;
	s16 =	sadd.s32 $0x4000, s6  }
0xf: {  	s5 =	smul.u32 $0xA00, s12;
	s17 =	sadd.s32 $0x8000, s6;
	[dreg:$0x7] =	wrdreg s16  }
0x10: {  	s12 =	smul.u32 $0x500, s1;
	s18 =	sadd.s32 $0xC000, s6;
	[dreg:$0x8] =	wrdreg s17  }
0x11: {  	s19 =	sadd.s32 $0x10000, s6;
	s1 =	smul.u32 $0xA000, s1;
	[dreg:$0x9] =	wrdreg s18  }
0x12: {  	s14 =	smax.u32 s8, $0x1;
	[dreg:$0xa] =	wrdreg s19;
	s0 =	sadd.s32 $0x3EA00, s0  }
0x13: {  	s16 =	simm.s32 $0x400;
	s17 =	simm.s32 $0x9;
	s18 =	simm.s32 $0x100  }
0x14: {  	s19 =	simm.s32 $0x5;
	s11 =	sadd.s32 s7, s5;
	s20 =	sadd.s32 s13, s12  }
0x15: {  	[dreg:$0xc] =	wrdreg s0;
	s22 =	sadd.s32 s1, s7;
	s0 =	simm.s32 $0x0  }
0x16: {  	s21 =	sadd.s32 $0x20, s11;
	s5 =	sshll.u32 s20, $0x5;
	s15 =	sadd.s32 s15, s22  }
0x17: {  	s20 =	simm.s32 $0x80;
	s22 =	simm.s32 $0x4400;
	s23 =	sadd.s32 s5, s7  }
0x18: {  	[dreg:$0xb] =	wrdreg s21;
	s21 =	simm.s32 $0x6;
	s24 =	sadd.s32 $0x60, s23  }
0x19: {  	s23 =	simm.s32 $0x200;
	[dreg:$0x3] =	wrdreg s24;
	s24 =	simm.s32 $0x1  }
.LBB2_1:
0x1a: {  	s1 =	rddreg [dreg:$0x6]  }
0x1b: {  	[tilespmem:s16], [sflag:$0x9] =	stream.linear.gather [hbm4b:s1+s3], $0x4000, $0x38;
	[tilespmem:$0x1C400] =	vst v63  }
0x1c: {  	_ =	swait.ge [sflag:s17], $0x4000  }
0x1d: {  	[sflag:s17] =	ssyncset.done $0x0  }
0x1e: {  	[sflag:s17] =	ssyncadd.s32 $0xFFFFC000  }
0x1f: {  	[spmem:s6] =	stream.linear.scatter [tilespmem:s16], [sflag:$0x9], $0x4000, $0x38;
	[tilespmem:$0x1C400] =	vst v63  }
0x20: {  	_ =	swait.ge [sflag:s17], $0x4000  }
0x21: {  	[sflag:s17] =	ssyncset.done $0x0  }
0x22: {  	s13 =	rddreg [dreg:$0x7];
	[sflag:s17] =	ssyncadd.s32 $0xFFFFC000  }
0x23: {  	[spmem:s13] =	stream.linear.scatter [tilespmem:s16], [sflag:$0x9], $0x4000, $0x38;
	[tilespmem:$0x1C400] =	vst v63  }
0x24: {  	_ =	swait.ge [sflag:s17], $0x4000  }
0x25: {  	[sflag:s17] =	ssyncset.done $0x0  }
0x26: {  	s5 =	rddreg [dreg:$0x8];
	[sflag:s17] =	ssyncadd.s32 $0xFFFFC000  }
0x27: {  	[spmem:s5] =	stream.linear.scatter [tilespmem:s16], [sflag:$0x9], $0x4000, $0x38;
	[tilespmem:$0x1C400] =	vst v63  }
0x28: {  	_ =	swait.ge [sflag:s17], $0x4000  }
0x29: {  	[sflag:s17] =	ssyncset.done $0x0  }
0x2a: {  	s7 =	rddreg [dreg:$0x9];
	[sflag:s17] =	ssyncadd.s32 $0xFFFFC000  }
0x2b: {  	[spmem:s7] =	stream.linear.scatter [tilespmem:s16], [sflag:$0x9], $0x4000, $0x38;
	[tilespmem:$0x1C400] =	vst v63  }
0x2c: {  	_ =	swait.ge [sflag:s17], $0x4000  }
0x2d: {  	[sflag:s17] =	ssyncset.done $0x0  }
0x2e: {  	s8 =	rddreg [dreg:$0xa];
	[sflag:s17] =	ssyncadd.s32 $0xFFFFC000  }
0x2f: {  	[spmem:s8] =	stream.linear.scatter [tilespmem:s16], [sflag:$0x9], $0x4000, $0x38;
	[tilespmem:$0x1C400] =	vst v63  }
0x30: {  	_ =	swait.ge [sflag:s17], $0x4000  }
0x31: {  	[sflag:s17] =	ssyncset.done $0x0  }
0x32: {  	[sflag:s17] =	ssyncadd.s32 $0xFFFFC000  }
0x33: {  	[bflag:$0x0] =	sbarrier.arrive $0xFFFF  }
0x34: {  	[tilespmem:s3], [sflag:$0x5] =	stream.linear.gather [hbm4b:s11+s3], $0x100, $0x38;
	[tilespmem:$0x1C400] =	vst v63  }
0x35: {  	s9 =	rddreg [dreg:$0xb]  }
0x36: {  	[tilespmem:s18], [sflag:$0x6] =	stream.linear.gather [hbm4b:s9+s3], $0x100, $0x38;
	[tilespmem:$0x1C400] =	vst v63  }
0x37: {  	_ =	swait.ge [sflag:s19], $0x100  }
0x38: {  	p0 =	por $0x1, $0x1;
	[sflag:s19] =	ssyncset.done $0x0  }
0x39: {  	s1 =	simm.s32 @!p0 $0x4;
	[sflag:s19] =	ssyncadd.s32 $0xFFFFFF00  }
0x3a: {  	[tilespmem:s16], [sflag:$0x1] =	stream.indirect.gather [hbm4b:s4+s20], $0x80, s3, s20, $0xb8;
	[tilespmem:$0x1C400] =	vst v63  }
0x3b: {  	_ =	swait.ge @!p0 [sflag:s1], $0x4000  }
0x3c: {  	[sflag:s1] =	ssyncset.done @!p0 $0x0  }
0x3d: {  	[sflag:s1] =	ssyncadd.s32 @!p0 $0xFFFFC000  }
0x3e: {  	_ =	swait.ge [sflag:s21], $0x100  }
0x3f: {  	[sflag:s21] =	ssyncset.done $0x0  }
0x40: {  	s10 =	sadd.s32 $0x0, s15;
	[sflag:s21] =	ssyncadd.s32 $0xFFFFFF00  }
0x41: {  	[tilespmem:s22], [sflag:$0x2] =	stream.indirect.gather [hbm4b:s4+s20], $0x80, s18, s20, $0xb8;
	[tilespmem:$0x1C400] =	vst v63  }
0x42: {  	s1 =	sadd.s32 $0x40, s10  }
0x43: {  	[tilespmem:s23], [sflag:$0x7] =	stream.linear.gather [hbm4b:s1+s3], $0x100, $0x38;
	[tilespmem:$0x1C400] =	vst v63  }
0x44: {  	_ =	swait.ge [sflag:s24], $0x4000  }
0x45: {  	[sflag:s24] =	ssyncset.done $0x0  }
0x46: {  	[sflag:s24] =	ssyncadd.s32 $0xFFFFC000  }
0x47: {  	[spmem:s2] =	stream.indirect.scatter.add.f32 [tilespmem:s16], [sflag:$0x3], $0x80, s20, s20, $0xb8;
	[tilespmem:$0x1C400] =	vst v63  }
0x48: {  	_ =	swait.ge [sflag:s25], $0x4000  }
0x49: {  	[sflag:s25] =	ssyncset.done $0x0  }
0x4a: {  	[sflag:s25] =	ssyncadd.s32 $0xFFFFC000  }
0x4b: {  	_ =	swait.ge [sflag:s26], $0x100  }
0x4c: {  	[sflag:s26] =	ssyncset.done $0x0  }
0x4d: {  	s12 =	rddreg [dreg:$0x3];
	[sflag:s26] =	ssyncadd.s32 $0xFFFFFF00  }
0x4e: {  	[tilespmem:s16], [sflag:$0x1] =	stream.indirect.gather [hbm4b:s4+s20], $0x80, s23, s20, $0xb8;
	[tilespmem:$0x1C400] =	vst v63  }
0x4f: {  	s1 =	sadd.s32 $0x0, s12  }
0x50: {  	[tilespmem:s28], [sflag:$0x8] =	stream.linear.gather [hbm4b:s1+s3], $0x100, $0x38;
	[tilespmem:$0x1C400] =	vst v63  }
0x51: {  	_ =	swait.ge [sflag:s29], $0x4000  }
0x52: {  	[sflag:s29] =	ssyncset.done $0x0  }
0x53: {  	s13 =	rddreg [dreg:$0x4];
	[sflag:s29] =	ssyncadd.s32 $0xFFFFC000  }
0x54: {  	[spmem:s2] =	stream.indirect.scatter.add.f32 [tilespmem:s22], [sflag:$0x4], $0x80, s13, s20, $0xb8;
	[tilespmem:$0x1C400] =	vst v63  }
0x55: {  	_ =	swait.ge [sflag:s30], $0x4000  }
0x56: {  	[sflag:s30] =	ssyncset.done $0x0  }
0x57: {  	[sflag:s30] =	ssyncadd.s32 $0xFFFFC000  }
0x58: {  	_ =	swait.ge [sflag:s31], $0x100  }
0x59: {  	p0 =	por $0x1, $0x1;
	[sflag:s31] =	ssyncset.done $0x0  }
0x5a: {  	s1 =	sadd.s32 @p0 $0x0, s15;
	[sflag:s31] =	ssyncadd.s32 $0xFFFFFF00  }
0x5b: {  	[tilespmem:s22], [sflag:$0x2] =	stream.indirect.gather [hbm4b:s4+s20], $0x80, s28, s20, $0xb8;
	[tilespmem:$0x1C400] =	vst v63  }
0x5c: {  	s5 =	simm.s32 @p0 $0x0;
	s8 =	simm.s32 @p0 $0x1;
	s7 =	sadd.s32 @p0 $0x80, s1  }
0x5d: {  	[tilespmem:s5], [sflag:$0x5] =	stream.linear.gather @p0 [hbm4b:s7+s5], $0x100, $0x38;
	[tilespmem:$0x1C400] =	vst v63  }
0x5e: {  	_ =	swait.ge @p0 [sflag:s8], $0x4000  }
0x5f: {  	s9 =	simm.s32 @p0 $0x80;
	[sflag:s8] =	ssyncset.done @p0 $0x0  }
0x60: {  	s7 =	simm.s32 @p0 $0x400;
	[sflag:s8] =	ssyncadd.s32 @p0 $0xFFFFC000;
	s8 =	simm.s32 @p0 $0x280  }
0x61: {  	[spmem:s2] =	stream.indirect.scatter.add.f32 @p0 [tilespmem:s7], [sflag:$0x3], $0x80, s8, s9, $0xb8;
	[tilespmem:$0x1C400] =	vst v63  }
0x62: {  	s8 =	simm.s32 @p0 $0x3  }
0x63: {  	_ =	swait.ge @p0 [sflag:s8], $0x4000  }
0x64: {  	[sflag:s8] =	ssyncset.done @p0 $0x0  }
0x65: {  	[sflag:s8] =	ssyncadd.s32 @p0 $0xFFFFC000;
	s8 =	simm.s32 @p0 $0x5  }
0x66: {  	_ =	swait.ge @p0 [sflag:s8], $0x100  }
0x67: {  	[sflag:s8] =	ssyncset.done @p0 $0x0  }
0x68: {  	[sflag:s8] =	ssyncadd.s32 @p0 $0xFFFFFF00  }
0x69: {  	[tilespmem:s7], [sflag:$0x1] =	stream.indirect.gather @p0 [hbm4b:s4+s9], $0x80, s5, s9, $0xb8;
	[tilespmem:$0x1C400] =	vst v63  }
0x6a: {  	s1 =	sadd.s32 @p0 $0xA0, s1;
	s7 =	simm.s32 @p0 $0x100  }
0x6b: {  	[tilespmem:s7], [sflag:$0x6] =	stream.linear.gather @p0 [hbm4b:s1+s5], $0x100, $0x38;
	[tilespmem:$0x1C400] =	vst v63  }
0x6c: {  	s1 =	simm.s32 @!p0 $0x1  }
0x6d: {  	_ =	swait.ge @!p0 [sflag:s1], $0x4000  }
0x6e: {  	s5 =	simm.s32 @!p0 $0x400;
	[sflag:s1] =	ssyncset.done @!p0 $0x0  }
0x6f: {  	s7 =	simm.s32 @!p0 $0x80;
	[sflag:s1] =	ssyncadd.s32 @!p0 $0xFFFFC000;
	s1 =	simm.s32 @!p0 $0x280  }
0x70: {  	[spmem:s2] =	stream.indirect.scatter.add.f32 @!p0 [tilespmem:s5], [sflag:$0x3], $0x80, s1, s7, $0xb8;
	[tilespmem:$0x1C400] =	vst v63  }
0x71: {  	s1 =	simm.s32 @!p0 $0x3  }
0x72: {  	_ =	swait.ge @!p0 [sflag:s1], $0x4000  }
0x73: {  	[sflag:s1] =	ssyncset.done @!p0 $0x0  }
0x74: {  	[sflag:s1] =	ssyncadd.s32 @!p0 $0xFFFFC000  }
0x75: {  	p1 =	por $0x0, $0x0;
	s5 =	simm.s32 $0x100;
	_ =	swait.ge [sflag:s29], $0x4000  }
0x76: {  	s1 =	simm.s32 $0x80;
	[sflag:s29] =	ssyncset.done $0x0;
	s8 =	rddreg [dreg:$0x5]  }
.LBB2_2:
0x77: {  	s9 =	simm.s32 @!p1 $0x4;
	[sflag:s29] =	ssyncadd.s32 $0xFFFFC000  }
0x78: {  	[spmem:s2] =	stream.indirect.scatter.add.f32 [tilespmem:s22], [sflag:$0x4], $0x80, s8, s20, $0xb8;
	[tilespmem:$0x1C400] =	vst v63  }
0x79: {  	_ =	swait.ge @!p1 [sflag:s9], $0x4000  }
0x7a: {  	[sflag:s9] =	ssyncset.done @!p1 $0x0  }
0x7b: {  	[sflag:s9] =	ssyncadd.s32 @!p1 $0xFFFFC000  }
0x7c: {  	_ =	swait.ge [sflag:s21], $0x100  }
0x7d: {  	[sflag:s21] =	ssyncset.done $0x0  }
0x7e: {  	s10 =	sadd.s32 s1, s15;
	[sflag:s21] =	ssyncadd.s32 $0xFFFFFF00  }
0x7f: {  	[tilespmem:s22], [sflag:$0x2] =	stream.indirect.gather [hbm4b:s4+s20], $0x80, s18, s20, $0xb8;
	[tilespmem:$0x1C400] =	vst v63  }
0x80: {  	s8 =	sadd.s32 $0x40, s10  }
0x81: {  	[tilespmem:s23], [sflag:$0x7] =	stream.linear.gather [hbm4b:s8+s3], $0x100, $0x38;
	[tilespmem:$0x1C400] =	vst v63  }
0x82: {  	_ =	swait.ge [sflag:s24], $0x4000  }
0x83: {  	[sflag:s24] =	ssyncset.done $0x0  }
0x84: {  	[sflag:s24] =	ssyncadd.s32 $0xFFFFC000  }
0x85: {  	[spmem:s2] =	stream.indirect.scatter.add.f32 [tilespmem:s16], [sflag:$0x3], $0x80, s20, s20, $0xb8;
	[tilespmem:$0x1C400] =	vst v63  }
0x86: {  	_ =	swait.ge [sflag:s25], $0x4000  }
0x87: {  	[sflag:s25] =	ssyncset.done $0x0  }
0x88: {  	[sflag:s25] =	ssyncadd.s32 $0xFFFFC000  }
0x89: {  	_ =	swait.ge [sflag:s26], $0x100  }
0x8a: {  	[sflag:s26] =	ssyncset.done $0x0  }
0x8b: {  	s12 =	rddreg [dreg:$0x3];
	[sflag:s26] =	ssyncadd.s32 $0xFFFFFF00  }
0x8c: {  	[tilespmem:s16], [sflag:$0x1] =	stream.indirect.gather [hbm4b:s4+s20], $0x80, s23, s20, $0xb8;
	[tilespmem:$0x1C400] =	vst v63  }
0x8d: {  	s8 =	sadd.s32 s1, s12  }
0x8e: {  	[tilespmem:s28], [sflag:$0x8] =	stream.linear.gather [hbm4b:s8+s3], $0x100, $0x38;
	[tilespmem:$0x1C400] =	vst v63  }
0x8f: {  	_ =	swait.ge [sflag:s29], $0x4000  }
0x90: {  	[sflag:s29] =	ssyncset.done $0x0  }
0x91: {  	s13 =	rddreg [dreg:$0x4];
	[sflag:s29] =	ssyncadd.s32 $0xFFFFC000  }
0x92: {  	[spmem:s2] =	stream.indirect.scatter.add.f32 [tilespmem:s22], [sflag:$0x4], $0x80, s13, s20, $0xb8;
	[tilespmem:$0x1C400] =	vst v63  }
0x93: {  	_ =	swait.ge [sflag:s30], $0x4000  }
0x94: {  	[sflag:s30] =	ssyncset.done $0x0  }
0x95: {  	[sflag:s30] =	ssyncadd.s32 $0xFFFFC000  }
0x96: {  	_ =	swait.ge [sflag:s31], $0x100  }
0x97: {  	p1 =	sne.s32 s1, $0x980;
	[sflag:s31] =	ssyncset.done $0x0  }
0x98: {  	s7 =	smov.u32 s5;
	s1 =	sadd.s32 @p1 s1, s15;
	[sflag:s31] =	ssyncadd.s32 $0xFFFFFF00  }
0x99: {  	[tilespmem:s22], [sflag:$0x2] =	stream.indirect.gather [hbm4b:s4+s20], $0x80, s28, s20, $0xb8;
	[tilespmem:$0x1C400] =	vst v63  }
0x9a: {  	s10 =	simm.s32 @p1 $0x1;
	s9 =	sadd.s32 @p1 $0x80, s1;
	s8 =	simm.s32 @p1 $0x0  }
0x9b: {  	[tilespmem:s8], [sflag:$0x5] =	stream.linear.gather @p1 [hbm4b:s9+s8], $0x100, $0x38;
	[tilespmem:$0x1C400] =	vst v63  }
0x9c: {  	s12 =	sadd.s32 @p1 $0xA0, s1;
	s1 =	smov.u32 s7;
	_ =	swait.ge @p1 [sflag:s10], $0x4000  }
0x9d: {  	s7 =	simm.s32 @p1 $0x80;
	s13 =	simm.s32 @p1 $0x280;
	[sflag:s10] =	ssyncset.done @p1 $0x0  }
0x9e: {  	s9 =	simm.s32 @p1 $0x400;
	[sflag:s10] =	ssyncadd.s32 @p1 $0xFFFFC000;
	s10 =	simm.s32 @p1 $0x3  }
0x9f: {  	[spmem:s2] =	stream.indirect.scatter.add.f32 @p1 [tilespmem:s9], [sflag:$0x3], $0x80, s13, s7, $0xb8;
	[tilespmem:$0x1C400] =	vst v63  }
0xa0: {  	_ =	swait.ge @p1 [sflag:s10], $0x4000  }
0xa1: {  	[sflag:s10] =	ssyncset.done @p1 $0x0  }
0xa2: {  	s13 =	simm.s32 @p1 $0x5;
	[sflag:s10] =	ssyncadd.s32 @p1 $0xFFFFC000  }
0xa3: {  	_ =	swait.ge @p1 [sflag:s13], $0x100  }
0xa4: {  	[sflag:s13] =	ssyncset.done @p1 $0x0  }
0xa5: {  	[sflag:s13] =	ssyncadd.s32 @p1 $0xFFFFFF00  }
0xa6: {  	[tilespmem:s9], [sflag:$0x1] =	stream.indirect.gather @p1 [hbm4b:s4+s7], $0x80, s8, s7, $0xb8;
	[tilespmem:$0x1C400] =	vst v63  }
0xa7: {  	s5 =	sadd.s32 $0x80, s5;
	s10 =	simm.s32 @p1 $0x100;
	s7 =	simm.s32 @!p1 $0x1  }
0xa8: {  	[tilespmem:s10], [sflag:$0x6] =	stream.linear.gather @p1 [hbm4b:s12+s8], $0x100, $0x38;
	[tilespmem:$0x1C400] =	vst v63  }
0xa9: {  	p0 =	sne.s32 s5, $0xA00;
	_ =	swait.ge @!p1 [sflag:s7], $0x4000  }
0xaa: {  	s9 =	simm.s32 @!p1 $0x80;
	s8 =	simm.s32 @!p1 $0x400;
	[sflag:s7] =	ssyncset.done @!p1 $0x0  }
0xab: {  	s10 =	simm.s32 @!p1 $0x280;
	[sflag:s7] =	ssyncadd.s32 @!p1 $0xFFFFC000;
	s7 =	simm.s32 @!p1 $0x3  }
0xac: {  	[spmem:s2] =	stream.indirect.scatter.add.f32 @!p1 [tilespmem:s8], [sflag:$0x3], $0x80, s10, s9, $0xb8;
	[tilespmem:$0x1C400] =	vst v63  }
.Ltmp0:
0xad: {  	_ =	swait.ge @!p1 [sflag:s7], $0x4000;
	(pc) =	sbr.rel @p0 .LBB2_2-.Ltmp0, $4  }
0xae: {  	[sflag:s7] =	ssyncset.done @!p1 $0x0  }
0xaf: {  	[sflag:s7] =	ssyncadd.s32 @!p1 $0xFFFFC000  }
0xb0: {  	_ =	swait.ge [sflag:s29], $0x4000  }
0xb1: {  	p1 =	seq.s32 s1, $0x0;
	[sflag:s29] =	ssyncset.done $0x0;
	s8 =	rddreg [dreg:$0x5]  }
0xb2: {  	s5 =	simm.s32 @!p1 $0x4;
	[sflag:s29] =	ssyncadd.s32 $0xFFFFC000  }
0xb3: {  	[spmem:s2] =	stream.indirect.scatter.add.f32 [tilespmem:s22], [sflag:$0x4], $0x80, s8, s20, $0xb8;
	[tilespmem:$0x1C400] =	vst v63  }
0xb4: {  	_ =	swait.ge @!p1 [sflag:s5], $0x4000  }
0xb5: {  	[sflag:s5] =	ssyncset.done @!p1 $0x0  }
0xb6: {  	[sflag:s5] =	ssyncadd.s32 @!p1 $0xFFFFC000  }
0xb7: {  	_ =	swait.ge [sflag:s21], $0x100  }
0xb8: {  	[sflag:s21] =	ssyncset.done $0x0  }
0xb9: {  	s13 =	sadd.s32 s1, s15;
	[sflag:s21] =	ssyncadd.s32 $0xFFFFFF00  }
0xba: {  	[tilespmem:s22], [sflag:$0x2] =	stream.indirect.gather [hbm4b:s4+s20], $0x80, s18, s20, $0xb8;
	[tilespmem:$0x1C400] =	vst v63  }
0xbb: {  	s5 =	sadd.s32 $0x40, s13  }
0xbc: {  	[tilespmem:s23], [sflag:$0x7] =	stream.linear.gather [hbm4b:s5+s3], $0x100, $0x38;
	[tilespmem:$0x1C400] =	vst v63  }
0xbd: {  	_ =	swait.ge [sflag:s24], $0x4000  }
0xbe: {  	[sflag:s24] =	ssyncset.done $0x0  }
0xbf: {  	[sflag:s24] =	ssyncadd.s32 $0xFFFFC000  }
0xc0: {  	[spmem:s2] =	stream.indirect.scatter.add.f32 [tilespmem:s16], [sflag:$0x3], $0x80, s20, s20, $0xb8;
	[tilespmem:$0x1C400] =	vst v63  }
0xc1: {  	_ =	swait.ge [sflag:s25], $0x4000  }
0xc2: {  	[sflag:s25] =	ssyncset.done $0x0  }
0xc3: {  	[sflag:s25] =	ssyncadd.s32 $0xFFFFC000  }
0xc4: {  	_ =	swait.ge [sflag:s26], $0x100  }
0xc5: {  	[sflag:s26] =	ssyncset.done $0x0  }
0xc6: {  	s7 =	rddreg [dreg:$0x3];
	[sflag:s26] =	ssyncadd.s32 $0xFFFFFF00  }
0xc7: {  	[tilespmem:s16], [sflag:$0x1] =	stream.indirect.gather [hbm4b:s4+s20], $0x80, s23, s20, $0xb8;
	[tilespmem:$0x1C400] =	vst v63  }
0xc8: {  	s5 =	sadd.s32 s1, s7  }
0xc9: {  	[tilespmem:s28], [sflag:$0x8] =	stream.linear.gather [hbm4b:s5+s3], $0x100, $0x38;
	[tilespmem:$0x1C400] =	vst v63  }
0xca: {  	_ =	swait.ge [sflag:s29], $0x4000  }
0xcb: {  	[sflag:s29] =	ssyncset.done $0x0  }
0xcc: {  	s8 =	rddreg [dreg:$0x4];
	[sflag:s29] =	ssyncadd.s32 $0xFFFFC000  }
0xcd: {  	[spmem:s2] =	stream.indirect.scatter.add.f32 [tilespmem:s22], [sflag:$0x4], $0x80, s8, s20, $0xb8;
	[tilespmem:$0x1C400] =	vst v63  }
0xce: {  	_ =	swait.ge [sflag:s30], $0x4000  }
0xcf: {  	[sflag:s30] =	ssyncset.done $0x0  }
0xd0: {  	[sflag:s30] =	ssyncadd.s32 $0xFFFFC000  }
0xd1: {  	_ =	swait.ge [sflag:s31], $0x100  }
0xd2: {  	p0 =	sne.s32 s1, $0x980;
	[sflag:s31] =	ssyncset.done $0x0  }
0xd3: {  	s1 =	sadd.s32 @p0 s1, s15;
	[sflag:s31] =	ssyncadd.s32 $0xFFFFFF00  }
0xd4: {  	[tilespmem:s22], [sflag:$0x2] =	stream.indirect.gather [hbm4b:s4+s20], $0x80, s28, s20, $0xb8;
	[tilespmem:$0x1C400] =	vst v63  }
0xd5: {  	s7 =	sadd.s32 @p0 $0x80, s1;
	s5 =	simm.s32 @p0 $0x0;
	s8 =	simm.s32 @p0 $0x1  }
0xd6: {  	[tilespmem:s5], [sflag:$0x5] =	stream.linear.gather @p0 [hbm4b:s7+s5], $0x100, $0x38;
	[tilespmem:$0x1C400] =	vst v63  }
0xd7: {  	_ =	swait.ge @p0 [sflag:s8], $0x4000  }
0xd8: {  	s9 =	simm.s32 @p0 $0x80;
	[sflag:s8] =	ssyncset.done @p0 $0x0  }
0xd9: {  	s7 =	simm.s32 @p0 $0x400;
	[sflag:s8] =	ssyncadd.s32 @p0 $0xFFFFC000;
	s8 =	simm.s32 @p0 $0x280  }
0xda: {  	[spmem:s2] =	stream.indirect.scatter.add.f32 @p0 [tilespmem:s7], [sflag:$0x3], $0x80, s8, s9, $0xb8;
	[tilespmem:$0x1C400] =	vst v63  }
0xdb: {  	s8 =	simm.s32 @p0 $0x3  }
0xdc: {  	_ =	swait.ge @p0 [sflag:s8], $0x4000  }
0xdd: {  	[sflag:s8] =	ssyncset.done @p0 $0x0  }
0xde: {  	[sflag:s8] =	ssyncadd.s32 @p0 $0xFFFFC000;
	s8 =	simm.s32 @p0 $0x5  }
0xdf: {  	_ =	swait.ge @p0 [sflag:s8], $0x100  }
0xe0: {  	[sflag:s8] =	ssyncset.done @p0 $0x0  }
0xe1: {  	[sflag:s8] =	ssyncadd.s32 @p0 $0xFFFFFF00  }
0xe2: {  	[tilespmem:s7], [sflag:$0x1] =	stream.indirect.gather @p0 [hbm4b:s4+s9], $0x80, s5, s9, $0xb8;
	[tilespmem:$0x1C400] =	vst v63  }
0xe3: {  	s1 =	sadd.s32 @p0 $0xA0, s1;
	s7 =	simm.s32 @p0 $0x100  }
0xe4: {  	[tilespmem:s7], [sflag:$0x6] =	stream.linear.gather @p0 [hbm4b:s1+s5], $0x100, $0x38;
	[tilespmem:$0x1C400] =	vst v63  }
0xe5: {  	s1 =	simm.s32 @!p0 $0x1  }
0xe6: {  	_ =	swait.ge @!p0 [sflag:s1], $0x4000  }
0xe7: {  	s5 =	simm.s32 @!p0 $0x400;
	[sflag:s1] =	ssyncset.done @!p0 $0x0  }
0xe8: {  	s7 =	simm.s32 @!p0 $0x80;
	[sflag:s1] =	ssyncadd.s32 @!p0 $0xFFFFC000;
	s1 =	simm.s32 @!p0 $0x280  }
0xe9: {  	[spmem:s2] =	stream.indirect.scatter.add.f32 @!p0 [tilespmem:s5], [sflag:$0x3], $0x80, s1, s7, $0xb8;
	[tilespmem:$0x1C400] =	vst v63  }
0xea: {  	s1 =	simm.s32 @!p0 $0x3  }
0xeb: {  	_ =	swait.ge @!p0 [sflag:s1], $0x4000  }
0xec: {  	[sflag:s1] =	ssyncset.done @!p0 $0x0  }
0xed: {  	[sflag:s1] =	ssyncadd.s32 @!p0 $0xFFFFC000  }
0xee: {  	_ =	swait.ge [sflag:s29], $0x4000  }
0xef: {  	[sflag:s29] =	ssyncset.done $0x0  }
0xf0: {  	s9 =	rddreg [dreg:$0x5];
	[sflag:s29] =	ssyncadd.s32 $0xFFFFC000  }
0xf1: {  	[spmem:s2] =	stream.indirect.scatter.add.f32 [tilespmem:s22], [sflag:$0x4], $0x80, s9, s20, $0xb8;
	[tilespmem:$0x1C400] =	vst v63  }
0xf2: {  	_ =	swait.ge [sflag:s30], $0x4000  }
0xf3: {  	[sflag:s30] =	ssyncset.done $0x0  }
0xf4: {  	s10 =	stileid.u32;
	s12 =	sshrl.u32 s6, $0x3;
	[sflag:s30] =	ssyncadd.s32 $0xFFFFC000  }
0xf5: {  	s0 =	sadd.s32 $0x1, s0;
	s1 =	sshll.u32 s10, $0x6;
	[bflag:$0x0] =	sbarrier.arrive $0xFFFF  }
0xf6: {  	p0 =	sne.s32 s0, s14;
	s1 =	sor.u32 $0x1C09, s1;
	s13 =	rddreg [dreg:$0xc]  }
0xf7: {  	[hbm:s13], [sflag:s1] =	dma.local [spmem:s12], $0x2800  }
.Ltmp1:
0xf8: {  	_ =	swait.ge [sflag:s17], $0x2800;
	(pc) =	sbr.rel @p0 .LBB2_1-.Ltmp1, $3  }
0xf9: {  	[sflag:s17] =	ssyncset.done $0x0  }
0xfa: {  	[sflag:s17] =	ssyncadd.s32 $0xFFFFD800  }
0xfb: {  	[bflag:$0x0] =	sbarrier.arrive $0xFFFF;
	_ =	sdelay $0x1  }
0xfc: {  	_ =	sfence.sel $0x180000  }
0xfd: {  	[bflag:$0x0] =	sbarrier.arrive $0xFFFF  }
0xfe: {  	_ =	strace $0x9000004A  }
0xff: {  	s0 =	stileid.u32;
	[bflag:$0x2] =	sbarrier.arrive $0xFFFF  }
0x100: {  	p0 =	sne.s32 s0, $0x0;
	s0 =	rddreg [dreg:$0x2]  }
0x101: {  	s0 =	sadd.s32 @!p0 $0x100000, s0  }
0x102: {  	[sflag:s0] =	ssyncadd.tile.s32 @!p0 $0x1;
	_ =	shalt  }
.Lfunc_end2:
_tile_overlayer_lowered:
.L_overlay_start_2:
0x103: {  	(tag) =	ssettag $0x2  }
0x104: {  	s0 =	rddreg [dreg:$0x0];
	s2 =	stileid.u32  }
0x105: {  	s1 =	rddreg [dreg:$0x1];
	p0 =	sne.s32 s2, $0x0  }
0x106: {  	s3 =	rddreg [dreg:$0x2];
	[bflag:$0x3] =	sbarrier.arrive $0xFFFF;
	s2 =	simm.s32 @!p0 $0x1C09  }
0x107: {  	[timem:s3], [sflag:s2] =	dma.local @!p0 [hbm:s0], s1  }
0x108: {  	s0 =	simm.s32 @!p0 $0x9  }
0x109: {  	_ =	swait.ge @!p0 [sflag:s0], s1  }
0x10a: {  	s1 =	ssub.s32 @!p0 $0x0, s1;
	[sflag:s0] =	ssyncset.done @!p0 $0x0  }
0x10b: {  	[sflag:s0] =	ssyncadd.s32 @!p0 s1  }
0x10c: {  	[bflag:$0x3] =	sbarrier.arrive $0xFFFF  }
0x10d: {  	_ =	shalt  }

// kernel: kernel.14.cloned.1.call-start
scs
__scs_entry_jumppad:
0x0: {  	(pc) =	sbr.rel $0x88, $3  }
0x1: {  	(tag) =	ssettag $0x0;
	lr =	simm.s32 $0x1  }
0x2: {  	[smem:$0x3F99] =	sst lr;
	_ =	strace $0xD0000000  }
0x3: {  	_ = 	snop  }
0x4: {  	_ = 	snop  }
0x5: {  	_ = 	snop  }
0x6: {  	_ = 	snop  }
0x7: {  	_ = 	snop  }
__scs_overlays_trampoline_lowered:
0x8: {  	[smem:$0x3FA8] =	sst s0  }
0x9: {  	[smem:$0x3FA9] =	sst s1  }
0xa: {  	[smem:$0x3FAA] =	sst s2  }
0xb: {  	[smem:$0x3FAB] =	sst s3  }
0xc: {  	[smem:$0x3FAC] =	sst s4  }
0xd: {  	[smem:$0x3FAD] =	sst s5  }
0xe: {  	[smem:$0x3FAE] =	sst s6  }
0xf: {  	[smem:$0x3FAF] =	sst s7  }
0x10: {  	[smem:$0x3FB0] =	sst s8  }
0x11: {  	[smem:$0x3FB1] =	sst s9;
	s0 =	simm.s32 @!p0 $0x0  }
0x12: {  	s1 =	sld [smem:$0x3F97];
	s0 =	simm.s32 @p0 $0x1  }
0x13: {  	[smem:$0x3FB2] =	sst s0;
	s0 =	simm.s32 @!p1 $0x0  }
0x14: {  	s2 =	sld [smem:$0x3F96];
	s0 =	simm.s32 @p1 $0x1  }
0x15: {  	[smem:$0x3FB3] =	sst s0;
	s0 =	simm.s32 @!p2 $0x0  }
0x16: {  	s3 =	sld [smem:$0x3FDB];
	s0 =	simm.s32 @p2 $0x1  }
0x17: {  	s4 =	simm.s32 $0x1BF5;
	[smem:$0x3FB5] =	sst s0  }
0x18: {  	s0 =	sld [smem:$0x3F98];
	_ =	swait.ge [sflag:s4], $0x0  }
0x19: {  	s7 =	sld [smem:$0x3F99]  }
0x1a: {  	s8 =	sadd.s32 $0xFFFFE003, lr  }
0x1b: {  	s9 =	sadd.s32 $0xFFFFFEF7, lr;
	s5 =	simm.s32 $0xFFFFFFFF;
	p2 =	slt.u32 s8, $0xFFFFF086  }
0x1c: {  	p1 =	slt.u32 s9, $0xF7A;
	s5 =	simm.s32 @!p2 $0x0  }
0x1d: {  	s5 =	simm.s32 @p1 $0x1;
	p0 =	seq.s32 s7, s2  }
0x1e: {  	s7 =	smul.u32 @!p0 $0xF7A, s2;
	p2 =	seq.s32 @!p0 s5, $0x0  }
0x1f: {  	s9 =	smul.u32 $0xF7A, s1;
	s8 =	simm.s32 @!p0 $0x1BF5;
	p2 =	por !p2, p0  }
0x20: {  	[sflag:s8] =	ssyncset.s32 @!p0 $0xFFFFF086;
	s6 =	sadd.s32 @!p0 s3, s7;
	s7 =	simm.s32 @!p0 $0x108  }
0x21: {  	s3 =	sadd.s32 s3, s9;
	s6 =	sadd.s32 @!p0 $0x88, s6;
	s7 =	simm.s32 @p2 $0x1082  }
0x22: {  	[simem:s7], [sflag:s8] =	dma.local @!p0 [hbm:s6], $0xF7A  }
0x23: {  	s9 =	sor.u32 $0xD0000000, s2;
	s6 =	simm.s32 $0x108;
	_ =	swait.ge @!p0 [sflag:s8], $0x0  }
0x24: {  	s3 =	sadd.s32 $0x88, s3;
	s6 =	simm.s32 @!p1 $0x1082;
	[sflag:s4] =	ssyncset.s32 $0xFFFFF086  }
0x25: {  	[simem:s6], [sflag:s4] =	dma.local [hbm:s3], $0xF7A  }
0x26: {  	[smem:$0x3F99] =	sst s1;
	(tag) =	ssettag s2;
	_ =	strace s9  }
0x27: {  	s1 =	sld [smem:$0x3FA9]  }
0x28: {  	s2 =	sld [smem:$0x3FAA]  }
0x29: {  	s4 =	sld [smem:$0x3FAC]  }
0x2a: {  	p0 =	seq.s32 s5, $0x0;
	s5 =	sld [smem:$0x3FAD]  }
0x2b: {  	s6 =	sld [smem:$0x3FAE]  }
0x2c: {  	s7 =	sld [smem:$0x3FAF]  }
0x2d: {  	s3 =	simm.s32 $0x108;
	s8 =	sld [smem:$0x3FB0]  }
0x2e: {  	s3 =	simm.s32 @!p0 $0x1082;
	s9 =	sld [smem:$0x3FB1]  }
0x2f: {  	lr =	sadd.s32 s0, s3;
	s0 =	sld [smem:$0x3FA8]  }
0x30: {  	s3 =	sld [smem:$0x3FAB]  }
0x31: {  	[smem:$0x3FB4] =	sst s10  }
0x32: {  	s10 =	sld [smem:$0x3FB2];
	_ =	sdelay $0x3  }
0x33: {  	p0 =	seq.s32 s10, $0x1;
	s10 =	sld [smem:$0x3FB4];
	_ =	sdelay $0x3  }
0x34: {  	[smem:$0x3FB4] =	sst s10  }
0x35: {  	s10 =	sld [smem:$0x3FB3];
	_ =	sdelay $0x3  }
0x36: {  	p1 =	seq.s32 s10, $0x1;
	s10 =	sld [smem:$0x3FB4];
	_ =	sdelay $0x3  }
0x37: {  	[smem:$0x3FB4] =	sst s10  }
0x38: {  	s10 =	sld [smem:$0x3FB5]  }
0x39: {  	_ = 	snop;
	(pc) =	sbr.ind lr, $3  }
0x3a: {  	_ = 	snop  }
0x3b: {  	_ = 	snop  }
0x3c: {  	p2 =	seq.s32 s10, $0x1;
	s10 =	sld [smem:$0x3FB4]  }
0x3d: {  	_ =	shalt  }
0x3e: {  	_ =	shalt  }
0x3f: {  	_ =	shalt  }
0x40: {  	_ =	shalt  }
0x41: {  	_ =	shalt  }
0x42: {  	_ =	shalt  }
0x43: {  	_ =	shalt  }
0x44: {  	_ =	shalt  }
0x45: {  	_ =	shalt  }
0x46: {  	_ =	shalt  }
0x47: {  	_ =	shalt  }
0x48: {  	_ =	shalt  }
0x49: {  	_ =	shalt  }
0x4a: {  	_ =	shalt  }
0x4b: {  	_ =	shalt  }
0x4c: {  	_ =	shalt  }
0x4d: {  	_ =	shalt  }
0x4e: {  	_ =	shalt  }
0x4f: {  	_ =	shalt  }
0x50: {  	_ =	shalt  }
0x51: {  	_ =	shalt  }
0x52: {  	_ =	shalt  }
0x53: {  	_ =	shalt  }
0x54: {  	_ =	shalt  }
0x55: {  	_ =	shalt  }
0x56: {  	_ =	shalt  }
0x57: {  	_ =	shalt  }
0x58: {  	_ =	shalt  }
0x59: {  	_ =	shalt  }
0x5a: {  	_ =	shalt  }
0x5b: {  	_ =	shalt  }
0x5c: {  	_ =	shalt  }
0x5d: {  	_ =	shalt  }
0x5e: {  	_ =	shalt  }
0x5f: {  	_ =	shalt  }
0x60: {  	_ =	shalt  }
0x61: {  	_ =	shalt  }
0x62: {  	_ =	shalt  }
0x63: {  	_ =	shalt  }
0x64: {  	_ =	shalt  }
0x65: {  	_ =	shalt  }
0x66: {  	_ =	shalt  }
0x67: {  	_ =	shalt  }
0x68: {  	_ =	shalt  }
0x69: {  	_ =	shalt  }
0x6a: {  	_ =	shalt  }
0x6b: {  	_ =	shalt  }
0x6c: {  	_ =	shalt  }
0x6d: {  	_ =	shalt  }
0x6e: {  	_ =	shalt  }
0x6f: {  	_ =	shalt  }
0x70: {  	_ =	shalt  }
0x71: {  	_ =	shalt  }
0x72: {  	_ =	shalt  }
0x73: {  	_ =	shalt  }
0x74: {  	_ =	shalt  }
0x75: {  	_ =	shalt  }
0x76: {  	_ =	shalt  }
0x77: {  	_ =	shalt  }
0x78: {  	_ =	shalt  }
0x79: {  	_ =	shalt  }
0x7a: {  	_ =	shalt  }
0x7b: {  	_ =	shalt  }
0x7c: {  	_ =	shalt  }
0x7d: {  	_ =	shalt  }
0x7e: {  	_ =	shalt  }
0x7f: {  	_ =	shalt  }
0x80: {  	_ =	shalt  }
0x81: {  	_ =	shalt  }
0x82: {  	_ =	shalt  }
0x83: {  	_ =	shalt  }
0x84: {  	_ =	shalt  }
0x85: {  	_ =	shalt  }
0x86: {  	_ =	shalt  }
0x87: {  	_ =	shalt  }
.Lfunc_end0:
.L_simem_size_0:
called_computation.2_lowered:
.L_overlay_start_0:
0x88: {  	s2 =	sld [smem:$0x3FD9]  }
0x89: {  	s3 =	sld [smem:$0x3FFE];
	_ =	sdelay $0x1  }
0x8a: {  	s1 =	srdreg.scid  }
0x8b: {  	s0 =	sand.u32 $0x1, s1  }
0x8c: {  	s16 =	sshll.u32 s0, $0xA;
	s2 =	sadd.s32 s3, s2  }
0x8d: {  	s2 =	sadd.s32 s2, s16  }
0x8e: {  	[smem:$0x3FC0] =	sst s2  }
0x8f: {  	_ = 	snop  }
0x90: {  	(tm) =	ssettm $0x1  }
0x91: {  	s17 =	sld [smem:$0x3FFB];
	_ =	sdelay $0x3  }
0x92: {  	_ =	strace s17  }
0x93: {  	s2 =	sld [smem:$0x3FFC];
	_ =	sdelay $0x3  }
0x94: {  	_ =	strace s2  }
0x95: {  	s2 =	sld [smem:$0x3FFD];
	_ =	sdelay $0x3  }
0x96: {  	_ =	strace s2  }
0x97: {  	_ =	strace $0x8FFFFFFF  }
0x98: {  	s18 =	sld [smem:$0x3FDB];
	_ =	sdelay $0x1  }
0x99: {  	s19 =	simm.s32 $_scs_section_size  }
0x9a: {  	s4 =	simm.s32 $_size__tile_overlayer_lowered;
	s5 =	simm.s32 $_tile_overlayer_lowered  }
0x9b: {  	s22 =	simm.s32 $0x1BFF;
	s21 =	sshll.u32 s5, $0x1;
	s2 =	sadd.s32 s19, s18  }
0x9c: {  	s6 =	simm.s32 $0x0;
	s20 =	sshll.u32 s4, $0x1;
	s4 =	sadd.s32 s21, s2  }
0x9d: {  	[timem:s6], [sflag:s22] =	dma.local [hbm:s4], s20  }
0x9e: {  	_ =	swait.ge [sflag:s22], s20  }
0x9f: {  	s3 =	ssub.s32 $0x0, s20;
	[sflag:s22] =	ssyncset.done $0x0  }
0xa0: {  	[sflag:s22] =	ssyncadd.s32 s3;
	_ =	sdelay $0x1  }
0xa1: {  	s23 =	simm.s32 $0x1B8B  }
0xa2: {  	_ =	swait.ge [sflag:s23], $0x1  }
0xa3: {  	[sflag:s23] =	ssyncset.done $0x0  }
0xa4: {  	s25 =	simm.s32 $0x1B8E;
	s24 =	sld [smem:$0x3FFE];
	[sflag:s23] =	ssyncadd.s32 $0xFFFFFFFF  }
0xa5: {  	s26 =	simm.s32 $execute0_lowered;
	[smem:$0x3FD2] =	sst s25  }
0xa6: {  	s4 =	sshll.u32 s26, $0x1;
	_ =	strace $0x8000004C;
	[dreg:$0x1] =	wrdreg $0xFFFFFFFF  }
0xa7: {  	s28 =	simm.s32 $_size_execute0_lowered;
	s2 =	sadd.s32 s2, s4;
	[dreg:$0x0] =	wrdreg $0x0  }
0xa8: {  	s4 =	sshll.u32 s28, $0x1;
	[dreg:$0x2] =	wrdreg s2  }
0xa9: {  	[dreg:$0x3] =	wrdreg s4  }
0xaa: {  	[dreg:$0x4] =	wrdreg $0xC0  }
0xab: {  	_ =	task [dreg:s6], $0x5FFFF  }
0xac: {  	[dreg:$0x1] =	wrdreg $0xFFFFFFFF  }
0xad: {  	[dreg:$0x0] =	wrdreg $0x60  }
0xae: {  	[dreg:$0x2] =	wrdreg s24  }
0xaf: {  	[dreg:$0x3] =	wrdreg $0x84000  }
0xb0: {  	[dreg:$0x4] =	wrdreg $0x9  }
0xb1: {  	_ =	task.clear_ibuf [dreg:s6], $0x5FFFF;
	_ =	strace $0x9000004C  }
0xb2: {  	s29 =	simm.s32 $0x9;
	_ =	strace $0x8000004E  }
0xb3: {  	_ =	swait.ge [sflag:s29], $0x1  }
0xb4: {  	[sflag:s29] =	ssyncadd.s32 $0xFFFFFFFF  }
0xb5: {  	_ =	strace $0x9000004E  }
0xb6: {  	_ =	sfence  }
0xb7: {  	s30 =	sld [smem:$0x0];
	_ =	sdelay $0x2  }
0xb8: {  	s31 =	sshll.u32 s1, $0xD;
	s1 =	sshrl.u32 s1, $0x2  }
0xb9: {  	s3 =	sand.u32 $0x4000, s31;
	s1 =	sadd.s32 s1, s30  }
0xba: {  	s0 =	sor.u32 s3, s0;
	s1 =	sshll.u32 s1, $0x11  }
0xbb: {  	s0 =	sor.u32 s1, s0  }
0xbc: {  	s0 =	sadd.s32 $0x8F2B, s0  }
0xbd: {  	[sflag:s0] =	ssyncadd.remote.s32 $0x1  }
0xbe: {  	_ =	sfence.sel $0xFFFF  }
0xbf: {  	[dreg:$0x0] =	wrdreg $0xFFFFFFFF;
	(pc) =	sbr.abs _section_cstart, $3  }
0xc0: {  	[dreg:$0x1] =	wrdreg $0xFFFFFFFF  }
0xc1: {  	_ =	task.clear_ibuf [dreg:s6], $0x2FFFF;
	_ =	strace $0x9FFFFFFF  }
0xc2: {  	(tm) =	ssettm $0x7FFFFFFF  }
0xc3: {  	_ =	shalt  }
tec
execute0_lowered:
.L_overlay_start_1:
0x0: {  	(tag) =	ssettag $0x1  }
0x1: {  	s0 =	rddreg [dreg:$0x0]  }
0x2: {  	s2 =	rddreg [dreg:$0x1]  }
0x3: {  	s1 =	srdreg.scid;
	s10 =	stileid.u32  }
0x4: {  	s3 =	simm.s32 $0x0;
	s25 =	simm.s32 $0x180;
	s26 =	simm.s32 $0x380  }
0x5: {  	s28 =	simm.s32 $0x300;
	s29 =	simm.s32 $0x2;
	s30 =	simm.s32 $0x4  }
0x6: {  	s31 =	simm.s32 $0x8;
	s1 =	sand.u32 $0x1, s1;
	s5 =	smul.u32 $0x2800, s10  }
0x7: {  	[smem:$0x7FF] =	sst s3;
	s4 =	sadd.s32 $0x16A00, s0;
	s9 =	sadd.s32 $0x16200, s0  }
0x8: {  	s8 =	smul.u32 $0x50000, s10;
	_ =	strace $0x8000004D;
	[dreg:$0x6] =	wrdreg s9  }
0x9: {  	s7 =	sadd.s32 $0x2200, s0;
	s6 =	smul.u32 $0x28000, s1;
	[dreg:$0x4] =	wrdreg s25  }
0xa: {  	s11 =	sshll.u32 s1, $0x4;
	s13 =	ssub.s32 $0x2, s1;
	[dreg:$0x5] =	wrdreg s26  }
0xb: {  	s25 =	simm.s32 $0x3;
	s26 =	simm.s32 $0x7;
	s12 =	sor.u32 s10, s11  }
0xc: {  	s14 =	sshrl.u32 s8, $0x2;
	s15 =	sshrl.u32 s13, $0x1;
	s5 =	sadd.s32 s5, s6  }
0xd: {  	s6 =	sadd.s32 s14, s2;
	s8 =	ssub.s32 s13, s15;
	s13 =	smul.u32 $0x50, s10  }
0xe: {  	s15 =	smul.u32 $0xA00, s10;
	s0 =	sadd.s32 s5, s0;
	s16 =	sadd.s32 $0x4000, s6  }
0xf: {  	s5 =	smul.u32 $0xA00, s12;
	s17 =	sadd.s32 $0x8000, s6;
	[dreg:$0x7] =	wrdreg s16  }
0x10: {  	s12 =	smul.u32 $0x500, s1;
	s18 =	sadd.s32 $0xC000, s6;
	[dreg:$0x8] =	wrdreg s17  }
0x11: {  	s19 =	sadd.s32 $0x10000, s6;
	s1 =	smul.u32 $0xA000, s1;
	[dreg:$0x9] =	wrdreg s18  }
0x12: {  	s14 =	smax.u32 s8, $0x1;
	[dreg:$0xa] =	wrdreg s19;
	s0 =	sadd.s32 $0x3EA00, s0  }
0x13: {  	s16 =	simm.s32 $0x400;
	s17 =	simm.s32 $0x9;
	s18 =	simm.s32 $0x100  }
0x14: {  	s19 =	simm.s32 $0x5;
	s11 =	sadd.s32 s7, s5;
	s20 =	sadd.s32 s13, s12  }
0x15: {  	[dreg:$0xc] =	wrdreg s0;
	s22 =	sadd.s32 s1, s7;
	s0 =	simm.s32 $0x0  }
0x16: {  	s21 =	sadd.s32 $0x20, s11;
	s5 =	sshll.u32 s20, $0x5;
	s15 =	sadd.s32 s15, s22  }
0x17: {  	s20 =	simm.s32 $0x80;
	s22 =	simm.s32 $0x4400;
	s23 =	sadd.s32 s5, s7  }
0x18: {  	[dreg:$0xb] =	wrdreg s21;
	s21 =	simm.s32 $0x6;
	s24 =	sadd.s32 $0x60, s23  }
0x19: {  	s23 =	simm.s32 $0x200;
	[dreg:$0x3] =	wrdreg s24;
	s24 =	simm.s32 $0x1  }
.LBB2_1:
0x1a: {  	s1 =	rddreg [dreg:$0x6]  }
0x1b: {  	[tilespmem:s16], [sflag:$0x9] =	stream.linear.gather [hbm4b:s1+s3], $0x4000, $0x38;
	[tilespmem:$0x1C400] =	vst v63  }
0x1c: {  	_ =	swait.ge [sflag:s17], $0x4000  }
0x1d: {  	[sflag:s17] =	ssyncset.done $0x0  }
0x1e: {  	[sflag:s17] =	ssyncadd.s32 $0xFFFFC000  }
0x1f: {  	[spmem:s6] =	stream.linear.scatter [tilespmem:s16], [sflag:$0x9], $0x4000, $0x38;
	[tilespmem:$0x1C400] =	vst v63  }
0x20: {  	_ =	swait.ge [sflag:s17], $0x4000  }
0x21: {  	[sflag:s17] =	ssyncset.done $0x0  }
0x22: {  	s13 =	rddreg [dreg:$0x7];
	[sflag:s17] =	ssyncadd.s32 $0xFFFFC000  }
0x23: {  	[spmem:s13] =	stream.linear.scatter [tilespmem:s16], [sflag:$0x9], $0x4000, $0x38;
	[tilespmem:$0x1C400] =	vst v63  }
0x24: {  	_ =	swait.ge [sflag:s17], $0x4000  }
0x25: {  	[sflag:s17] =	ssyncset.done $0x0  }
0x26: {  	s5 =	rddreg [dreg:$0x8];
	[sflag:s17] =	ssyncadd.s32 $0xFFFFC000  }
0x27: {  	[spmem:s5] =	stream.linear.scatter [tilespmem:s16], [sflag:$0x9], $0x4000, $0x38;
	[tilespmem:$0x1C400] =	vst v63  }
0x28: {  	_ =	swait.ge [sflag:s17], $0x4000  }
0x29: {  	[sflag:s17] =	ssyncset.done $0x0  }
0x2a: {  	s7 =	rddreg [dreg:$0x9];
	[sflag:s17] =	ssyncadd.s32 $0xFFFFC000  }
0x2b: {  	[spmem:s7] =	stream.linear.scatter [tilespmem:s16], [sflag:$0x9], $0x4000, $0x38;
	[tilespmem:$0x1C400] =	vst v63  }
0x2c: {  	_ =	swait.ge [sflag:s17], $0x4000  }
0x2d: {  	[sflag:s17] =	ssyncset.done $0x0  }
0x2e: {  	s8 =	rddreg [dreg:$0xa];
	[sflag:s17] =	ssyncadd.s32 $0xFFFFC000  }
0x2f: {  	[spmem:s8] =	stream.linear.scatter [tilespmem:s16], [sflag:$0x9], $0x4000, $0x38;
	[tilespmem:$0x1C400] =	vst v63  }
0x30: {  	_ =	swait.ge [sflag:s17], $0x4000  }
0x31: {  	[sflag:s17] =	ssyncset.done $0x0  }
0x32: {  	[sflag:s17] =	ssyncadd.s32 $0xFFFFC000  }
0x33: {  	[bflag:$0x0] =	sbarrier.arrive $0xFFFF  }
0x34: {  	[tilespmem:s3], [sflag:$0x5] =	stream.linear.gather [hbm4b:s11+s3], $0x100, $0x38;
	[tilespmem:$0x1C400] =	vst v63  }
0x35: {  	s9 =	rddreg [dreg:$0xb]  }
0x36: {  	[tilespmem:s18], [sflag:$0x6] =	stream.linear.gather [hbm4b:s9+s3], $0x100, $0x38;
	[tilespmem:$0x1C400] =	vst v63  }
0x37: {  	_ =	swait.ge [sflag:s19], $0x100  }
0x38: {  	p0 =	por $0x1, $0x1;
	[sflag:s19] =	ssyncset.done $0x0  }
0x39: {  	s1 =	simm.s32 @!p0 $0x4;
	[sflag:s19] =	ssyncadd.s32 $0xFFFFFF00  }
0x3a: {  	[tilespmem:s16], [sflag:$0x1] =	stream.indirect.gather [hbm4b:s4+s20], $0x80, s3, s20, $0xb8;
	[tilespmem:$0x1C400] =	vst v63  }
0x3b: {  	_ =	swait.ge @!p0 [sflag:s1], $0x4000  }
0x3c: {  	[sflag:s1] =	ssyncset.done @!p0 $0x0  }
0x3d: {  	[sflag:s1] =	ssyncadd.s32 @!p0 $0xFFFFC000  }
0x3e: {  	_ =	swait.ge [sflag:s21], $0x100  }
0x3f: {  	[sflag:s21] =	ssyncset.done $0x0  }
0x40: {  	s10 =	sadd.s32 $0x0, s15;
	[sflag:s21] =	ssyncadd.s32 $0xFFFFFF00  }
0x41: {  	[tilespmem:s22], [sflag:$0x2] =	stream.indirect.gather [hbm4b:s4+s20], $0x80, s18, s20, $0xb8;
	[tilespmem:$0x1C400] =	vst v63  }
0x42: {  	s1 =	sadd.s32 $0x40, s10  }
0x43: {  	[tilespmem:s23], [sflag:$0x7] =	stream.linear.gather [hbm4b:s1+s3], $0x100, $0x38;
	[tilespmem:$0x1C400] =	vst v63  }
0x44: {  	_ =	swait.ge [sflag:s24], $0x4000  }
0x45: {  	[sflag:s24] =	ssyncset.done $0x0  }
0x46: {  	[sflag:s24] =	ssyncadd.s32 $0xFFFFC000  }
0x47: {  	[spmem:s2] =	stream.indirect.scatter.add.f32 [tilespmem:s16], [sflag:$0x3], $0x80, s20, s20, $0xb8;
	[tilespmem:$0x1C400] =	vst v63  }
0x48: {  	_ =	swait.ge [sflag:s25], $0x4000  }
0x49: {  	[sflag:s25] =	ssyncset.done $0x0  }
0x4a: {  	[sflag:s25] =	ssyncadd.s32 $0xFFFFC000  }
0x4b: {  	_ =	swait.ge [sflag:s26], $0x100  }
0x4c: {  	[sflag:s26] =	ssyncset.done $0x0  }
0x4d: {  	s12 =	rddreg [dreg:$0x3];
	[sflag:s26] =	ssyncadd.s32 $0xFFFFFF00  }
0x4e: {  	[tilespmem:s16], [sflag:$0x1] =	stream.indirect.gather [hbm4b:s4+s20], $0x80, s23, s20, $0xb8;
	[tilespmem:$0x1C400] =	vst v63  }
0x4f: {  	s1 =	sadd.s32 $0x0, s12  }
0x50: {  	[tilespmem:s28], [sflag:$0x8] =	stream.linear.gather [hbm4b:s1+s3], $0x100, $0x38;
	[tilespmem:$0x1C400] =	vst v63  }
0x51: {  	_ =	swait.ge [sflag:s29], $0x4000  }
0x52: {  	[sflag:s29] =	ssyncset.done $0x0  }
0x53: {  	s13 =	rddreg [dreg:$0x4];
	[sflag:s29] =	ssyncadd.s32 $0xFFFFC000  }
0x54: {  	[spmem:s2] =	stream.indirect.scatter.add.f32 [tilespmem:s22], [sflag:$0x4], $0x80, s13, s20, $0xb8;
	[tilespmem:$0x1C400] =	vst v63  }
0x55: {  	_ =	swait.ge [sflag:s30], $0x4000  }
0x56: {  	[sflag:s30] =	ssyncset.done $0x0  }
0x57: {  	[sflag:s30] =	ssyncadd.s32 $0xFFFFC000  }
0x58: {  	_ =	swait.ge [sflag:s31], $0x100  }
0x59: {  	p0 =	por $0x1, $0x1;
	[sflag:s31] =	ssyncset.done $0x0  }
0x5a: {  	s1 =	sadd.s32 @p0 $0x0, s15;
	[sflag:s31] =	ssyncadd.s32 $0xFFFFFF00  }
0x5b: {  	[tilespmem:s22], [sflag:$0x2] =	stream.indirect.gather [hbm4b:s4+s20], $0x80, s28, s20, $0xb8;
	[tilespmem:$0x1C400] =	vst v63  }
0x5c: {  	s5 =	simm.s32 @p0 $0x0;
	s8 =	simm.s32 @p0 $0x1;
	s7 =	sadd.s32 @p0 $0x80, s1  }
0x5d: {  	[tilespmem:s5], [sflag:$0x5] =	stream.linear.gather @p0 [hbm4b:s7+s5], $0x100, $0x38;
	[tilespmem:$0x1C400] =	vst v63  }
0x5e: {  	_ =	swait.ge @p0 [sflag:s8], $0x4000  }
0x5f: {  	s9 =	simm.s32 @p0 $0x80;
	[sflag:s8] =	ssyncset.done @p0 $0x0  }
0x60: {  	s7 =	simm.s32 @p0 $0x400;
	[sflag:s8] =	ssyncadd.s32 @p0 $0xFFFFC000;
	s8 =	simm.s32 @p0 $0x280  }
0x61: {  	[spmem:s2] =	stream.indirect.scatter.add.f32 @p0 [tilespmem:s7], [sflag:$0x3], $0x80, s8, s9, $0xb8;
	[tilespmem:$0x1C400] =	vst v63  }
0x62: {  	s8 =	simm.s32 @p0 $0x3  }
0x63: {  	_ =	swait.ge @p0 [sflag:s8], $0x4000  }
0x64: {  	[sflag:s8] =	ssyncset.done @p0 $0x0  }
0x65: {  	[sflag:s8] =	ssyncadd.s32 @p0 $0xFFFFC000;
	s8 =	simm.s32 @p0 $0x5  }
0x66: {  	_ =	swait.ge @p0 [sflag:s8], $0x100  }
0x67: {  	[sflag:s8] =	ssyncset.done @p0 $0x0  }
0x68: {  	[sflag:s8] =	ssyncadd.s32 @p0 $0xFFFFFF00  }
0x69: {  	[tilespmem:s7], [sflag:$0x1] =	stream.indirect.gather @p0 [hbm4b:s4+s9], $0x80, s5, s9, $0xb8;
	[tilespmem:$0x1C400] =	vst v63  }
0x6a: {  	s1 =	sadd.s32 @p0 $0xA0, s1;
	s7 =	simm.s32 @p0 $0x100  }
0x6b: {  	[tilespmem:s7], [sflag:$0x6] =	stream.linear.gather @p0 [hbm4b:s1+s5], $0x100, $0x38;
	[tilespmem:$0x1C400] =	vst v63  }
0x6c: {  	s1 =	simm.s32 @!p0 $0x1  }
0x6d: {  	_ =	swait.ge @!p0 [sflag:s1], $0x4000  }
0x6e: {  	s5 =	simm.s32 @!p0 $0x400;
	[sflag:s1] =	ssyncset.done @!p0 $0x0  }
0x6f: {  	s7 =	simm.s32 @!p0 $0x80;
	[sflag:s1] =	ssyncadd.s32 @!p0 $0xFFFFC000;
	s1 =	simm.s32 @!p0 $0x280  }
0x70: {  	[spmem:s2] =	stream.indirect.scatter.add.f32 @!p0 [tilespmem:s5], [sflag:$0x3], $0x80, s1, s7, $0xb8;
	[tilespmem:$0x1C400] =	vst v63  }
0x71: {  	s1 =	simm.s32 @!p0 $0x3  }
0x72: {  	_ =	swait.ge @!p0 [sflag:s1], $0x4000  }
0x73: {  	[sflag:s1] =	ssyncset.done @!p0 $0x0  }
0x74: {  	[sflag:s1] =	ssyncadd.s32 @!p0 $0xFFFFC000  }
0x75: {  	p1 =	por $0x0, $0x0;
	s5 =	simm.s32 $0x100;
	_ =	swait.ge [sflag:s29], $0x4000  }
0x76: {  	s1 =	simm.s32 $0x80;
	[sflag:s29] =	ssyncset.done $0x0;
	s8 =	rddreg [dreg:$0x5]  }
.LBB2_2:
0x77: {  	s9 =	simm.s32 @!p1 $0x4;
	[sflag:s29] =	ssyncadd.s32 $0xFFFFC000  }
0x78: {  	[spmem:s2] =	stream.indirect.scatter.add.f32 [tilespmem:s22], [sflag:$0x4], $0x80, s8, s20, $0xb8;
	[tilespmem:$0x1C400] =	vst v63  }
0x79: {  	_ =	swait.ge @!p1 [sflag:s9], $0x4000  }
0x7a: {  	[sflag:s9] =	ssyncset.done @!p1 $0x0  }
0x7b: {  	[sflag:s9] =	ssyncadd.s32 @!p1 $0xFFFFC000  }
0x7c: {  	_ =	swait.ge [sflag:s21], $0x100  }
0x7d: {  	[sflag:s21] =	ssyncset.done $0x0  }
0x7e: {  	s10 =	sadd.s32 s1, s15;
	[sflag:s21] =	ssyncadd.s32 $0xFFFFFF00  }
0x7f: {  	[tilespmem:s22], [sflag:$0x2] =	stream.indirect.gather [hbm4b:s4+s20], $0x80, s18, s20, $0xb8;
	[tilespmem:$0x1C400] =	vst v63  }
0x80: {  	s8 =	sadd.s32 $0x40, s10  }
0x81: {  	[tilespmem:s23], [sflag:$0x7] =	stream.linear.gather [hbm4b:s8+s3], $0x100, $0x38;
	[tilespmem:$0x1C400] =	vst v63  }
0x82: {  	_ =	swait.ge [sflag:s24], $0x4000  }
0x83: {  	[sflag:s24] =	ssyncset.done $0x0  }
0x84: {  	[sflag:s24] =	ssyncadd.s32 $0xFFFFC000  }
0x85: {  	[spmem:s2] =	stream.indirect.scatter.add.f32 [tilespmem:s16], [sflag:$0x3], $0x80, s20, s20, $0xb8;
	[tilespmem:$0x1C400] =	vst v63  }
0x86: {  	_ =	swait.ge [sflag:s25], $0x4000  }
0x87: {  	[sflag:s25] =	ssyncset.done $0x0  }
0x88: {  	[sflag:s25] =	ssyncadd.s32 $0xFFFFC000  }
0x89: {  	_ =	swait.ge [sflag:s26], $0x100  }
0x8a: {  	[sflag:s26] =	ssyncset.done $0x0  }
0x8b: {  	s12 =	rddreg [dreg:$0x3];
	[sflag:s26] =	ssyncadd.s32 $0xFFFFFF00  }
0x8c: {  	[tilespmem:s16], [sflag:$0x1] =	stream.indirect.gather [hbm4b:s4+s20], $0x80, s23, s20, $0xb8;
	[tilespmem:$0x1C400] =	vst v63  }
0x8d: {  	s8 =	sadd.s32 s1, s12  }
0x8e: {  	[tilespmem:s28], [sflag:$0x8] =	stream.linear.gather [hbm4b:s8+s3], $0x100, $0x38;
	[tilespmem:$0x1C400] =	vst v63  }
0x8f: {  	_ =	swait.ge [sflag:s29], $0x4000  }
0x90: {  	[sflag:s29] =	ssyncset.done $0x0  }
0x91: {  	s13 =	rddreg [dreg:$0x4];
	[sflag:s29] =	ssyncadd.s32 $0xFFFFC000  }
0x92: {  	[spmem:s2] =	stream.indirect.scatter.add.f32 [tilespmem:s22], [sflag:$0x4], $0x80, s13, s20, $0xb8;
	[tilespmem:$0x1C400] =	vst v63  }
0x93: {  	_ =	swait.ge [sflag:s30], $0x4000  }
0x94: {  	[sflag:s30] =	ssyncset.done $0x0  }
0x95: {  	[sflag:s30] =	ssyncadd.s32 $0xFFFFC000  }
0x96: {  	_ =	swait.ge [sflag:s31], $0x100  }
0x97: {  	p1 =	sne.s32 s1, $0x980;
	[sflag:s31] =	ssyncset.done $0x0  }
0x98: {  	s7 =	smov.u32 s5;
	s1 =	sadd.s32 @p1 s1, s15;
	[sflag:s31] =	ssyncadd.s32 $0xFFFFFF00  }
0x99: {  	[tilespmem:s22], [sflag:$0x2] =	stream.indirect.gather [hbm4b:s4+s20], $0x80, s28, s20, $0xb8;
	[tilespmem:$0x1C400] =	vst v63  }
0x9a: {  	s10 =	simm.s32 @p1 $0x1;
	s9 =	sadd.s32 @p1 $0x80, s1;
	s8 =	simm.s32 @p1 $0x0  }
0x9b: {  	[tilespmem:s8], [sflag:$0x5] =	stream.linear.gather @p1 [hbm4b:s9+s8], $0x100, $0x38;
	[tilespmem:$0x1C400] =	vst v63  }
0x9c: {  	s12 =	sadd.s32 @p1 $0xA0, s1;
	s1 =	smov.u32 s7;
	_ =	swait.ge @p1 [sflag:s10], $0x4000  }
0x9d: {  	s7 =	simm.s32 @p1 $0x80;
	s13 =	simm.s32 @p1 $0x280;
	[sflag:s10] =	ssyncset.done @p1 $0x0  }
0x9e: {  	s9 =	simm.s32 @p1 $0x400;
	[sflag:s10] =	ssyncadd.s32 @p1 $0xFFFFC000;
	s10 =	simm.s32 @p1 $0x3  }
0x9f: {  	[spmem:s2] =	stream.indirect.scatter.add.f32 @p1 [tilespmem:s9], [sflag:$0x3], $0x80, s13, s7, $0xb8;
	[tilespmem:$0x1C400] =	vst v63  }
0xa0: {  	_ =	swait.ge @p1 [sflag:s10], $0x4000  }
0xa1: {  	[sflag:s10] =	ssyncset.done @p1 $0x0  }
0xa2: {  	s13 =	simm.s32 @p1 $0x5;
	[sflag:s10] =	ssyncadd.s32 @p1 $0xFFFFC000  }
0xa3: {  	_ =	swait.ge @p1 [sflag:s13], $0x100  }
0xa4: {  	[sflag:s13] =	ssyncset.done @p1 $0x0  }
0xa5: {  	[sflag:s13] =	ssyncadd.s32 @p1 $0xFFFFFF00  }
0xa6: {  	[tilespmem:s9], [sflag:$0x1] =	stream.indirect.gather @p1 [hbm4b:s4+s7], $0x80, s8, s7, $0xb8;
	[tilespmem:$0x1C400] =	vst v63  }
0xa7: {  	s5 =	sadd.s32 $0x80, s5;
	s10 =	simm.s32 @p1 $0x100;
	s7 =	simm.s32 @!p1 $0x1  }
0xa8: {  	[tilespmem:s10], [sflag:$0x6] =	stream.linear.gather @p1 [hbm4b:s12+s8], $0x100, $0x38;
	[tilespmem:$0x1C400] =	vst v63  }
0xa9: {  	p0 =	sne.s32 s5, $0xA00;
	_ =	swait.ge @!p1 [sflag:s7], $0x4000  }
0xaa: {  	s9 =	simm.s32 @!p1 $0x80;
	s8 =	simm.s32 @!p1 $0x400;
	[sflag:s7] =	ssyncset.done @!p1 $0x0  }
0xab: {  	s10 =	simm.s32 @!p1 $0x280;
	[sflag:s7] =	ssyncadd.s32 @!p1 $0xFFFFC000;
	s7 =	simm.s32 @!p1 $0x3  }
0xac: {  	[spmem:s2] =	stream.indirect.scatter.add.f32 @!p1 [tilespmem:s8], [sflag:$0x3], $0x80, s10, s9, $0xb8;
	[tilespmem:$0x1C400] =	vst v63  }
.Ltmp0:
0xad: {  	_ =	swait.ge @!p1 [sflag:s7], $0x4000;
	(pc) =	sbr.rel @p0 .LBB2_2-.Ltmp0, $4  }
0xae: {  	[sflag:s7] =	ssyncset.done @!p1 $0x0  }
0xaf: {  	[sflag:s7] =	ssyncadd.s32 @!p1 $0xFFFFC000  }
0xb0: {  	_ =	swait.ge [sflag:s29], $0x4000  }
0xb1: {  	p1 =	seq.s32 s1, $0x0;
	[sflag:s29] =	ssyncset.done $0x0;
	s8 =	rddreg [dreg:$0x5]  }
0xb2: {  	s5 =	simm.s32 @!p1 $0x4;
	[sflag:s29] =	ssyncadd.s32 $0xFFFFC000  }
0xb3: {  	[spmem:s2] =	stream.indirect.scatter.add.f32 [tilespmem:s22], [sflag:$0x4], $0x80, s8, s20, $0xb8;
	[tilespmem:$0x1C400] =	vst v63  }
0xb4: {  	_ =	swait.ge @!p1 [sflag:s5], $0x4000  }
0xb5: {  	[sflag:s5] =	ssyncset.done @!p1 $0x0  }
0xb6: {  	[sflag:s5] =	ssyncadd.s32 @!p1 $0xFFFFC000  }
0xb7: {  	_ =	swait.ge [sflag:s21], $0x100  }
0xb8: {  	[sflag:s21] =	ssyncset.done $0x0  }
0xb9: {  	s13 =	sadd.s32 s1, s15;
	[sflag:s21] =	ssyncadd.s32 $0xFFFFFF00  }
0xba: {  	[tilespmem:s22], [sflag:$0x2] =	stream.indirect.gather [hbm4b:s4+s20], $0x80, s18, s20, $0xb8;
	[tilespmem:$0x1C400] =	vst v63  }
0xbb: {  	s5 =	sadd.s32 $0x40, s13  }
0xbc: {  	[tilespmem:s23], [sflag:$0x7] =	stream.linear.gather [hbm4b:s5+s3], $0x100, $0x38;
	[tilespmem:$0x1C400] =	vst v63  }
0xbd: {  	_ =	swait.ge [sflag:s24], $0x4000  }
0xbe: {  	[sflag:s24] =	ssyncset.done $0x0  }
0xbf: {  	[sflag:s24] =	ssyncadd.s32 $0xFFFFC000  }
0xc0: {  	[spmem:s2] =	stream.indirect.scatter.add.f32 [tilespmem:s16], [sflag:$0x3], $0x80, s20, s20, $0xb8;
	[tilespmem:$0x1C400] =	vst v63  }
0xc1: {  	_ =	swait.ge [sflag:s25], $0x4000  }
0xc2: {  	[sflag:s25] =	ssyncset.done $0x0  }
0xc3: {  	[sflag:s25] =	ssyncadd.s32 $0xFFFFC000  }
0xc4: {  	_ =	swait.ge [sflag:s26], $0x100  }
0xc5: {  	[sflag:s26] =	ssyncset.done $0x0  }
0xc6: {  	s7 =	rddreg [dreg:$0x3];
	[sflag:s26] =	ssyncadd.s32 $0xFFFFFF00  }
0xc7: {  	[tilespmem:s16], [sflag:$0x1] =	stream.indirect.gather [hbm4b:s4+s20], $0x80, s23, s20, $0xb8;
	[tilespmem:$0x1C400] =	vst v63  }
0xc8: {  	s5 =	sadd.s32 s1, s7  }
0xc9: {  	[tilespmem:s28], [sflag:$0x8] =	stream.linear.gather [hbm4b:s5+s3], $0x100, $0x38;
	[tilespmem:$0x1C400] =	vst v63  }
0xca: {  	_ =	swait.ge [sflag:s29], $0x4000  }
0xcb: {  	[sflag:s29] =	ssyncset.done $0x0  }
0xcc: {  	s8 =	rddreg [dreg:$0x4];
	[sflag:s29] =	ssyncadd.s32 $0xFFFFC000  }
0xcd: {  	[spmem:s2] =	stream.indirect.scatter.add.f32 [tilespmem:s22], [sflag:$0x4], $0x80, s8, s20, $0xb8;
	[tilespmem:$0x1C400] =	vst v63  }
0xce: {  	_ =	swait.ge [sflag:s30], $0x4000  }
0xcf: {  	[sflag:s30] =	ssyncset.done $0x0  }
0xd0: {  	[sflag:s30] =	ssyncadd.s32 $0xFFFFC000  }
0xd1: {  	_ =	swait.ge [sflag:s31], $0x100  }
0xd2: {  	p0 =	sne.s32 s1, $0x980;
	[sflag:s31] =	ssyncset.done $0x0  }
0xd3: {  	s1 =	sadd.s32 @p0 s1, s15;
	[sflag:s31] =	ssyncadd.s32 $0xFFFFFF00  }
0xd4: {  	[tilespmem:s22], [sflag:$0x2] =	stream.indirect.gather [hbm4b:s4+s20], $0x80, s28, s20, $0xb8;
	[tilespmem:$0x1C400] =	vst v63  }
0xd5: {  	s7 =	sadd.s32 @p0 $0x80, s1;
	s5 =	simm.s32 @p0 $0x0;
	s8 =	simm.s32 @p0 $0x1  }
0xd6: {  	[tilespmem:s5], [sflag:$0x5] =	stream.linear.gather @p0 [hbm4b:s7+s5], $0x100, $0x38;
	[tilespmem:$0x1C400] =	vst v63  }
0xd7: {  	_ =	swait.ge @p0 [sflag:s8], $0x4000  }
0xd8: {  	s9 =	simm.s32 @p0 $0x80;
	[sflag:s8] =	ssyncset.done @p0 $0x0  }
0xd9: {  	s7 =	simm.s32 @p0 $0x400;
	[sflag:s8] =	ssyncadd.s32 @p0 $0xFFFFC000;
	s8 =	simm.s32 @p0 $0x280  }
0xda: {  	[spmem:s2] =	stream.indirect.scatter.add.f32 @p0 [tilespmem:s7], [sflag:$0x3], $0x80, s8, s9, $0xb8;
	[tilespmem:$0x1C400] =	vst v63  }
0xdb: {  	s8 =	simm.s32 @p0 $0x3  }
0xdc: {  	_ =	swait.ge @p0 [sflag:s8], $0x4000  }
0xdd: {  	[sflag:s8] =	ssyncset.done @p0 $0x0  }
0xde: {  	[sflag:s8] =	ssyncadd.s32 @p0 $0xFFFFC000;
	s8 =	simm.s32 @p0 $0x5  }
0xdf: {  	_ =	swait.ge @p0 [sflag:s8], $0x100  }
0xe0: {  	[sflag:s8] =	ssyncset.done @p0 $0x0  }
0xe1: {  	[sflag:s8] =	ssyncadd.s32 @p0 $0xFFFFFF00  }
0xe2: {  	[tilespmem:s7], [sflag:$0x1] =	stream.indirect.gather @p0 [hbm4b:s4+s9], $0x80, s5, s9, $0xb8;
	[tilespmem:$0x1C400] =	vst v63  }
0xe3: {  	s1 =	sadd.s32 @p0 $0xA0, s1;
	s7 =	simm.s32 @p0 $0x100  }
0xe4: {  	[tilespmem:s7], [sflag:$0x6] =	stream.linear.gather @p0 [hbm4b:s1+s5], $0x100, $0x38;
	[tilespmem:$0x1C400] =	vst v63  }
0xe5: {  	s1 =	simm.s32 @!p0 $0x1  }
0xe6: {  	_ =	swait.ge @!p0 [sflag:s1], $0x4000  }
0xe7: {  	s5 =	simm.s32 @!p0 $0x400;
	[sflag:s1] =	ssyncset.done @!p0 $0x0  }
0xe8: {  	s7 =	simm.s32 @!p0 $0x80;
	[sflag:s1] =	ssyncadd.s32 @!p0 $0xFFFFC000;
	s1 =	simm.s32 @!p0 $0x280  }
0xe9: {  	[spmem:s2] =	stream.indirect.scatter.add.f32 @!p0 [tilespmem:s5], [sflag:$0x3], $0x80, s1, s7, $0xb8;
	[tilespmem:$0x1C400] =	vst v63  }
0xea: {  	s1 =	simm.s32 @!p0 $0x3  }
0xeb: {  	_ =	swait.ge @!p0 [sflag:s1], $0x4000  }
0xec: {  	[sflag:s1] =	ssyncset.done @!p0 $0x0  }
0xed: {  	[sflag:s1] =	ssyncadd.s32 @!p0 $0xFFFFC000  }
0xee: {  	_ =	swait.ge [sflag:s29], $0x4000  }
0xef: {  	[sflag:s29] =	ssyncset.done $0x0  }
0xf0: {  	s9 =	rddreg [dreg:$0x5];
	[sflag:s29] =	ssyncadd.s32 $0xFFFFC000  }
0xf1: {  	[spmem:s2] =	stream.indirect.scatter.add.f32 [tilespmem:s22], [sflag:$0x4], $0x80, s9, s20, $0xb8;
	[tilespmem:$0x1C400] =	vst v63  }
0xf2: {  	_ =	swait.ge [sflag:s30], $0x4000  }
0xf3: {  	[sflag:s30] =	ssyncset.done $0x0  }
0xf4: {  	s10 =	stileid.u32;
	s12 =	sshrl.u32 s6, $0x3;
	[sflag:s30] =	ssyncadd.s32 $0xFFFFC000  }
0xf5: {  	s0 =	sadd.s32 $0x1, s0;
	s1 =	sshll.u32 s10, $0x6;
	[bflag:$0x0] =	sbarrier.arrive $0xFFFF  }
0xf6: {  	p0 =	sne.s32 s0, s14;
	s1 =	sor.u32 $0x1C09, s1;
	s13 =	rddreg [dreg:$0xc]  }
0xf7: {  	[hbm:s13], [sflag:s1] =	dma.local [spmem:s12], $0x2800  }
.Ltmp1:
0xf8: {  	_ =	swait.ge [sflag:s17], $0x2800;
	(pc) =	sbr.rel @p0 .LBB2_1-.Ltmp1, $3  }
0xf9: {  	[sflag:s17] =	ssyncset.done $0x0  }
0xfa: {  	[sflag:s17] =	ssyncadd.s32 $0xFFFFD800  }
0xfb: {  	[bflag:$0x0] =	sbarrier.arrive $0xFFFF;
	_ =	sdelay $0x1  }
0xfc: {  	_ =	sfence.sel $0x180000  }
0xfd: {  	[bflag:$0x0] =	sbarrier.arrive $0xFFFF  }
0xfe: {  	_ =	strace $0x9000004D  }
0xff: {  	s0 =	stileid.u32;
	[bflag:$0x2] =	sbarrier.arrive $0xFFFF  }
0x100: {  	p0 =	sne.s32 s0, $0x0;
	s0 =	rddreg [dreg:$0x2]  }
0x101: {  	s0 =	sadd.s32 @!p0 $0x100000, s0  }
0x102: {  	[sflag:s0] =	ssyncadd.tile.s32 @!p0 $0x1;
	_ =	shalt  }
.Lfunc_end2:
_tile_overlayer_lowered:
.L_overlay_start_2:
0x103: {  	(tag) =	ssettag $0x2  }
0x104: {  	s0 =	rddreg [dreg:$0x0];
	s2 =	stileid.u32  }
0x105: {  	s1 =	rddreg [dreg:$0x1];
	p0 =	sne.s32 s2, $0x0  }
0x106: {  	s3 =	rddreg [dreg:$0x2];
	[bflag:$0x3] =	sbarrier.arrive $0xFFFF;
	s2 =	simm.s32 @!p0 $0x1C09  }
0x107: {  	[timem:s3], [sflag:s2] =	dma.local @!p0 [hbm:s0], s1  }
0x108: {  	s0 =	simm.s32 @!p0 $0x9  }
0x109: {  	_ =	swait.ge @!p0 [sflag:s0], s1  }
0x10a: {  	s1 =	ssub.s32 @!p0 $0x0, s1;
	[sflag:s0] =	ssyncset.done @!p0 $0x0  }
0x10b: {  	[sflag:s0] =	ssyncadd.s32 @!p0 s1  }
0x10c: {  	[bflag:$0x3] =	sbarrier.arrive $0xFFFF  }
0x10d: {  	_ =	shalt  }

// kernel: kernel.8.cloned.1.call-start
scs
__scs_entry_jumppad:
0x0: {  	(pc) =	sbr.rel $0x88, $3  }
0x1: {  	(tag) =	ssettag $0x0;
	lr =	simm.s32 $0x1  }
0x2: {  	[smem:$0x3F99] =	sst lr;
	_ =	strace $0xD0000000  }
0x3: {  	_ = 	snop  }
0x4: {  	_ = 	snop  }
0x5: {  	_ = 	snop  }
0x6: {  	_ = 	snop  }
0x7: {  	_ = 	snop  }
__scs_overlays_trampoline_lowered:
0x8: {  	[smem:$0x3FA8] =	sst s0  }
0x9: {  	[smem:$0x3FA9] =	sst s1  }
0xa: {  	[smem:$0x3FAA] =	sst s2  }
0xb: {  	[smem:$0x3FAB] =	sst s3  }
0xc: {  	[smem:$0x3FAC] =	sst s4  }
0xd: {  	[smem:$0x3FAD] =	sst s5  }
0xe: {  	[smem:$0x3FAE] =	sst s6  }
0xf: {  	[smem:$0x3FAF] =	sst s7  }
0x10: {  	[smem:$0x3FB0] =	sst s8  }
0x11: {  	[smem:$0x3FB1] =	sst s9;
	s0 =	simm.s32 @!p0 $0x0  }
0x12: {  	s1 =	sld [smem:$0x3F97];
	s0 =	simm.s32 @p0 $0x1  }
0x13: {  	[smem:$0x3FB2] =	sst s0;
	s0 =	simm.s32 @!p1 $0x0  }
0x14: {  	s2 =	sld [smem:$0x3F96];
	s0 =	simm.s32 @p1 $0x1  }
0x15: {  	[smem:$0x3FB3] =	sst s0;
	s0 =	simm.s32 @!p2 $0x0  }
0x16: {  	s3 =	sld [smem:$0x3FDB];
	s0 =	simm.s32 @p2 $0x1  }
0x17: {  	s4 =	simm.s32 $0x1BF5;
	[smem:$0x3FB5] =	sst s0  }
0x18: {  	s0 =	sld [smem:$0x3F98];
	_ =	swait.ge [sflag:s4], $0x0  }
0x19: {  	s7 =	sld [smem:$0x3F99]  }
0x1a: {  	s8 =	sadd.s32 $0xFFFFE003, lr  }
0x1b: {  	s9 =	sadd.s32 $0xFFFFFEF7, lr;
	s5 =	simm.s32 $0xFFFFFFFF;
	p2 =	slt.u32 s8, $0xFFFFF086  }
0x1c: {  	p1 =	slt.u32 s9, $0xF7A;
	s5 =	simm.s32 @!p2 $0x0  }
0x1d: {  	s5 =	simm.s32 @p1 $0x1;
	p0 =	seq.s32 s7, s2  }
0x1e: {  	s7 =	smul.u32 @!p0 $0xF7A, s2;
	p2 =	seq.s32 @!p0 s5, $0x0  }
0x1f: {  	s9 =	smul.u32 $0xF7A, s1;
	s8 =	simm.s32 @!p0 $0x1BF5;
	p2 =	por !p2, p0  }
0x20: {  	[sflag:s8] =	ssyncset.s32 @!p0 $0xFFFFF086;
	s6 =	sadd.s32 @!p0 s3, s7;
	s7 =	simm.s32 @!p0 $0x108  }
0x21: {  	s3 =	sadd.s32 s3, s9;
	s6 =	sadd.s32 @!p0 $0x88, s6;
	s7 =	simm.s32 @p2 $0x1082  }
0x22: {  	[simem:s7], [sflag:s8] =	dma.local @!p0 [hbm:s6], $0xF7A  }
0x23: {  	s9 =	sor.u32 $0xD0000000, s2;
	s6 =	simm.s32 $0x108;
	_ =	swait.ge @!p0 [sflag:s8], $0x0  }
0x24: {  	s3 =	sadd.s32 $0x88, s3;
	s6 =	simm.s32 @!p1 $0x1082;
	[sflag:s4] =	ssyncset.s32 $0xFFFFF086  }
0x25: {  	[simem:s6], [sflag:s4] =	dma.local [hbm:s3], $0xF7A  }
0x26: {  	[smem:$0x3F99] =	sst s1;
	(tag) =	ssettag s2;
	_ =	strace s9  }
0x27: {  	s1 =	sld [smem:$0x3FA9]  }
0x28: {  	s2 =	sld [smem:$0x3FAA]  }
0x29: {  	s4 =	sld [smem:$0x3FAC]  }
0x2a: {  	p0 =	seq.s32 s5, $0x0;
	s5 =	sld [smem:$0x3FAD]  }
0x2b: {  	s6 =	sld [smem:$0x3FAE]  }
0x2c: {  	s7 =	sld [smem:$0x3FAF]  }
0x2d: {  	s3 =	simm.s32 $0x108;
	s8 =	sld [smem:$0x3FB0]  }
0x2e: {  	s3 =	simm.s32 @!p0 $0x1082;
	s9 =	sld [smem:$0x3FB1]  }
0x2f: {  	lr =	sadd.s32 s0, s3;
	s0 =	sld [smem:$0x3FA8]  }
0x30: {  	s3 =	sld [smem:$0x3FAB]  }
0x31: {  	[smem:$0x3FB4] =	sst s10  }
0x32: {  	s10 =	sld [smem:$0x3FB2];
	_ =	sdelay $0x3  }
0x33: {  	p0 =	seq.s32 s10, $0x1;
	s10 =	sld [smem:$0x3FB4];
	_ =	sdelay $0x3  }
0x34: {  	[smem:$0x3FB4] =	sst s10  }
0x35: {  	s10 =	sld [smem:$0x3FB3];
	_ =	sdelay $0x3  }
0x36: {  	p1 =	seq.s32 s10, $0x1;
	s10 =	sld [smem:$0x3FB4];
	_ =	sdelay $0x3  }
0x37: {  	[smem:$0x3FB4] =	sst s10  }
0x38: {  	s10 =	sld [smem:$0x3FB5]  }
0x39: {  	_ = 	snop;
	(pc) =	sbr.ind lr, $3  }
0x3a: {  	_ = 	snop  }
0x3b: {  	_ = 	snop  }
0x3c: {  	p2 =	seq.s32 s10, $0x1;
	s10 =	sld [smem:$0x3FB4]  }
0x3d: {  	_ =	shalt  }
0x3e: {  	_ =	shalt  }
0x3f: {  	_ =	shalt  }
0x40: {  	_ =	shalt  }
0x41: {  	_ =	shalt  }
0x42: {  	_ =	shalt  }
0x43: {  	_ =	shalt  }
0x44: {  	_ =	shalt  }
0x45: {  	_ =	shalt  }
0x46: {  	_ =	shalt  }
0x47: {  	_ =	shalt  }
0x48: {  	_ =	shalt  }
0x49: {  	_ =	shalt  }
0x4a: {  	_ =	shalt  }
0x4b: {  	_ =	shalt  }
0x4c: {  	_ =	shalt  }
0x4d: {  	_ =	shalt  }
0x4e: {  	_ =	shalt  }
0x4f: {  	_ =	shalt  }
0x50: {  	_ =	shalt  }
0x51: {  	_ =	shalt  }
0x52: {  	_ =	shalt  }
0x53: {  	_ =	shalt  }
0x54: {  	_ =	shalt  }
0x55: {  	_ =	shalt  }
0x56: {  	_ =	shalt  }
0x57: {  	_ =	shalt  }
0x58: {  	_ =	shalt  }
0x59: {  	_ =	shalt  }
0x5a: {  	_ =	shalt  }
0x5b: {  	_ =	shalt  }
0x5c: {  	_ =	shalt  }
0x5d: {  	_ =	shalt  }
0x5e: {  	_ =	shalt  }
0x5f: {  	_ =	shalt  }
0x60: {  	_ =	shalt  }
0x61: {  	_ =	shalt  }
0x62: {  	_ =	shalt  }
0x63: {  	_ =	shalt  }
0x64: {  	_ =	shalt  }
0x65: {  	_ =	shalt  }
0x66: {  	_ =	shalt  }
0x67: {  	_ =	shalt  }
0x68: {  	_ =	shalt  }
0x69: {  	_ =	shalt  }
0x6a: {  	_ =	shalt  }
0x6b: {  	_ =	shalt  }
0x6c: {  	_ =	shalt  }
0x6d: {  	_ =	shalt  }
0x6e: {  	_ =	shalt  }
0x6f: {  	_ =	shalt  }
0x70: {  	_ =	shalt  }
0x71: {  	_ =	shalt  }
0x72: {  	_ =	shalt  }
0x73: {  	_ =	shalt  }
0x74: {  	_ =	shalt  }
0x75: {  	_ =	shalt  }
0x76: {  	_ =	shalt  }
0x77: {  	_ =	shalt  }
0x78: {  	_ =	shalt  }
0x79: {  	_ =	shalt  }
0x7a: {  	_ =	shalt  }
0x7b: {  	_ =	shalt  }
0x7c: {  	_ =	shalt  }
0x7d: {  	_ =	shalt  }
0x7e: {  	_ =	shalt  }
0x7f: {  	_ =	shalt  }
0x80: {  	_ =	shalt  }
0x81: {  	_ =	shalt  }
0x82: {  	_ =	shalt  }
0x83: {  	_ =	shalt  }
0x84: {  	_ =	shalt  }
0x85: {  	_ =	shalt  }
0x86: {  	_ =	shalt  }
0x87: {  	_ =	shalt  }
.Lfunc_end0:
.L_simem_size_0:
called_computation_lowered:
.L_overlay_start_0:
0x88: {  	s2 =	sld [smem:$0x3FD9]  }
0x89: {  	s3 =	sld [smem:$0x3FFE];
	_ =	sdelay $0x1  }
0x8a: {  	s1 =	srdreg.scid  }
0x8b: {  	s0 =	sand.u32 $0x1, s1  }
0x8c: {  	s17 =	sshll.u32 s0, $0xA;
	s2 =	sadd.s32 s3, s2  }
0x8d: {  	s2 =	sadd.s32 s2, s17  }
0x8e: {  	[smem:$0x3FC0] =	sst s2  }
0x8f: {  	_ = 	snop  }
0x90: {  	s2 =	sld [smem:$0x3FD0];
	(tm) =	ssettm $0x1  }
0x91: {  	s18 =	sld [smem:$0x3FFB];
	_ =	sdelay $0x3  }
0x92: {  	_ =	strace s18  }
0x93: {  	s3 =	sld [smem:$0x3FFC];
	_ =	sdelay $0x3  }
0x94: {  	_ =	strace s3  }
0x95: {  	s3 =	sld [smem:$0x3FFD];
	_ =	sdelay $0x3  }
0x96: {  	_ =	strace s3  }
0x97: {  	_ =	strace $0x8FFFFFFF  }
0x98: {  	s19 =	sld [smem:$0x3FDB];
	_ =	sdelay $0x1  }
0x99: {  	s4 =	simm.s32 $_scs_section_size  }
0x9a: {  	s5 =	simm.s32 $_size__tile_overlayer_lowered;
	s6 =	simm.s32 $_tile_overlayer_lowered  }
0x9b: {  	s22 =	simm.s32 $0x1BFF;
	s21 =	sshll.u32 s6, $0x1;
	s3 =	sadd.s32 s4, s19  }
0x9c: {  	s7 =	simm.s32 $0x0;
	s20 =	sshll.u32 s5, $0x1;
	s5 =	sadd.s32 s21, s3  }
0x9d: {  	[timem:s7], [sflag:s22] =	dma.local [hbm:s5], s20  }
0x9e: {  	_ =	swait.ge [sflag:s22], s20  }
0x9f: {  	s4 =	ssub.s32 $0x0, s20;
	[sflag:s22] =	ssyncset.done $0x0  }
0xa0: {  	[sflag:s22] =	ssyncadd.s32 s4;
	_ =	sdelay $0x1  }
0xa1: {  	s23 =	simm.s32 $0x1B8B  }
0xa2: {  	_ =	swait.ge [sflag:s23], $0x1  }
0xa3: {  	[sflag:s23] =	ssyncset.done $0x0  }
0xa4: {  	s25 =	simm.s32 $0x1B8E;
	s24 =	sld [smem:$0x3FFE];
	[sflag:s23] =	ssyncadd.s32 $0xFFFFFFFF  }
0xa5: {  	s26 =	simm.s32 $execute0_lowered;
	[smem:$0x3FD2] =	sst s25  }
0xa6: {  	s5 =	sshll.u32 s26, $0x1;
	_ =	strace $0x80000046;
	[dreg:$0x1] =	wrdreg $0xFFFFFFFF  }
0xa7: {  	s28 =	simm.s32 $_size_execute0_lowered;
	s3 =	sadd.s32 s3, s5;
	[dreg:$0x0] =	wrdreg $0x0  }
0xa8: {  	s5 =	sshll.u32 s28, $0x1;
	[dreg:$0x2] =	wrdreg s3  }
0xa9: {  	[dreg:$0x3] =	wrdreg s5  }
0xaa: {  	[dreg:$0x4] =	wrdreg $0xC0  }
0xab: {  	_ =	task [dreg:s7], $0x5FFFF  }
0xac: {  	[dreg:$0x1] =	wrdreg $0xFFFFFFFF  }
0xad: {  	[dreg:$0x0] =	wrdreg $0x60  }
0xae: {  	[dreg:$0x2] =	wrdreg s24  }
0xaf: {  	[dreg:$0x3] =	wrdreg s2  }
0xb0: {  	[dreg:$0x4] =	wrdreg $0x82000  }
0xb1: {  	[dreg:$0x5] =	wrdreg $0x9  }
0xb2: {  	_ =	task.clear_ibuf [dreg:s7], $0x6FFFF;
	_ =	strace $0x90000046  }
0xb3: {  	s29 =	simm.s32 $0x9;
	_ =	strace $0x80000048  }
0xb4: {  	_ =	swait.ge [sflag:s29], $0x1  }
0xb5: {  	[sflag:s29] =	ssyncadd.s32 $0xFFFFFFFF  }
0xb6: {  	_ =	strace $0x90000048  }
0xb7: {  	_ =	sfence  }
0xb8: {  	s30 =	sld [smem:$0x0];
	_ =	sdelay $0x2  }
0xb9: {  	s31 =	sshll.u32 s1, $0xD;
	s1 =	sshrl.u32 s1, $0x2  }
0xba: {  	s3 =	sand.u32 $0x4000, s31;
	s1 =	sadd.s32 s1, s30  }
0xbb: {  	s0 =	sor.u32 s3, s0;
	s1 =	sshll.u32 s1, $0x11  }
0xbc: {  	s0 =	sor.u32 s1, s0  }
0xbd: {  	s0 =	sadd.s32 $0x8F2B, s0  }
0xbe: {  	[sflag:s0] =	ssyncadd.remote.s32 $0x1  }
0xbf: {  	_ =	sfence.sel $0xFFFF  }
0xc0: {  	[dreg:$0x0] =	wrdreg $0xFFFFFFFF;
	(pc) =	sbr.abs _section_cstart, $3  }
0xc1: {  	[dreg:$0x1] =	wrdreg $0xFFFFFFFF  }
0xc2: {  	_ =	task.clear_ibuf [dreg:s7], $0x2FFFF;
	_ =	strace $0x9FFFFFFF  }
0xc3: {  	(tm) =	ssettm $0x7FFFFFFF  }
tec
execute0_lowered:
.L_overlay_start_1:
0x0: {  	(tag) =	ssettag $0x1  }
0x1: {  	s6 =	rddreg [dreg:$0x0]  }
0x2: {  	s2 =	rddreg [dreg:$0x1]  }
0x3: {  	s3 =	rddreg [dreg:$0x2]  }
0x4: {  	s0 =	rddreg [dreg:$0x3]  }
0x5: {  	s5 =	srdreg.scid;
	s1 =	stileid.u32;
	s4 =	simm.s32 $0x0  }
0x6: {  	s17 =	simm.s32 $0x3;
	s18 =	simm.s32 $0x4200;
	s19 =	simm.s32 $0x1  }
0x7: {  	s20 =	simm.s32 $0x100;
	s21 =	simm.s32 $0x80;
	s22 =	simm.s32 $0x2  }
0x8: {  	s23 =	simm.s32 $0x180;
	s26 =	simm.s32 $0x0;
	s7 =	smul.u32 $0x2800, s1  }
0x9: {  	s9 =	sand.u32 $0x1, s5;
	[smem:$0x7FF] =	sst s4;
	s29 =	smul.u32 $0x50000, s1  }
0xa: {  	s13 =	sadd.s32 $0x2200, s6;
	s5 =	sadd.s32 $0x16200, s6;
	s16 =	smul.u32 $0xA00, s1  }
0xb: {  	s24 =	sshll.u32 s1, $0x6;
	s8 =	smul.u32 $0x28000, s9;
	_ =	strace $0x80000047  }
0xc: {  	s30 =	ssub.s32 $0x2, s9;
	s31 =	sshll.u32 s9, $0x4;
	s15 =	smul.u32 $0xA000, s9  }
0xd: {  	s24 =	sor.u32 $0x1C03, s24;
	s10 =	sshrl.u32 s30, $0x1;
	s7 =	sadd.s32 s7, s8  }
0xe: {  	s8 =	sshrl.u32 s29, $0x2;
	s14 =	ssub.s32 s30, s10;
	s15 =	sadd.s32 s15, s13  }
0xf: {  	s12 =	sadd.s32 s7, s6;
	s7 =	sor.u32 s1, s31;
	s6 =	sadd.s32 s8, s3  }
0x10: {  	s15 =	sadd.s32 s16, s15;
	s16 =	simm.s32 $0x200;
	s11 =	smul.u32 $0xA00, s7  }
0x11: {  	s7 =	sadd.s32 $0x4000, s6;
	s8 =	sadd.s32 $0x8000, s6;
	s9 =	sadd.s32 $0xC000, s6  }
0x12: {  	s10 =	sadd.s32 $0x10000, s6;
	s12 =	sadd.s32 $0x16A00, s12;
	s11 =	sadd.s32 s13, s11  }
0x13: {  	s25 =	sshrl.u32 s6, $0x3;
	s13 =	smax.u32 s14, $0x1;
	s14 =	sadd.s32 $0x9E0, s11  }
.LBB2_1:
0x14: {  	[tilespmem:s16], [sflag:$0x3] =	stream.linear.gather [hbm4b:s2+s4], $0x4000, $0x38;
	[tilespmem:$0x1C200] =	vst v63  }
0x15: {  	_ =	swait.ge [sflag:s17], $0x4000  }
0x16: {  	[sflag:s17] =	ssyncset.done $0x0  }
0x17: {  	[sflag:s17] =	ssyncadd.s32 $0xFFFFC000  }
0x18: {  	[tilespmem:s18], [sflag:$0x3] =	stream.linear.gather [hbm4b:s5+s4], $0x4000, $0x38;
	[tilespmem:$0x1C200] =	vst v63  }
0x19: {  	_ =	swait.ge [sflag:s17], $0x4000  }
0x1a: {  	[sflag:s17] =	ssyncset.done $0x0  }
0x1b: {  	[sflag:s17] =	ssyncadd.s32 $0xFFFFC000  }
0x1c: {  	[spmem:s6] =	stream.linear.scatter [tilespmem:s18], [sflag:$0x3], $0x4000, $0x38;
	[tilespmem:$0x1C200] =	vst v63  }
0x1d: {  	_ =	swait.ge [sflag:s17], $0x4000  }
0x1e: {  	[sflag:s17] =	ssyncset.done $0x0  }
0x1f: {  	[sflag:s17] =	ssyncadd.s32 $0xFFFFC000  }
0x20: {  	[spmem:s7] =	stream.linear.scatter [tilespmem:s18], [sflag:$0x3], $0x4000, $0x38;
	[tilespmem:$0x1C200] =	vst v63  }
0x21: {  	_ =	swait.ge [sflag:s17], $0x4000  }
0x22: {  	[sflag:s17] =	ssyncset.done $0x0  }
0x23: {  	[sflag:s17] =	ssyncadd.s32 $0xFFFFC000  }
0x24: {  	[spmem:s8] =	stream.linear.scatter [tilespmem:s18], [sflag:$0x3], $0x4000, $0x38;
	[tilespmem:$0x1C200] =	vst v63  }
0x25: {  	_ =	swait.ge [sflag:s17], $0x4000  }
0x26: {  	[sflag:s17] =	ssyncset.done $0x0  }
0x27: {  	[sflag:s17] =	ssyncadd.s32 $0xFFFFC000  }
0x28: {  	[spmem:s9] =	stream.linear.scatter [tilespmem:s18], [sflag:$0x3], $0x4000, $0x38;
	[tilespmem:$0x1C200] =	vst v63  }
0x29: {  	_ =	swait.ge [sflag:s17], $0x4000  }
0x2a: {  	[sflag:s17] =	ssyncset.done $0x0  }
0x2b: {  	[sflag:s17] =	ssyncadd.s32 $0xFFFFC000  }
0x2c: {  	[spmem:s10] =	stream.linear.scatter [tilespmem:s18], [sflag:$0x3], $0x4000, $0x38;
	[tilespmem:$0x1C200] =	vst v63  }
0x2d: {  	_ =	swait.ge [sflag:s17], $0x4000  }
0x2e: {  	[sflag:s17] =	ssyncset.done $0x0  }
0x2f: {  	[sflag:s17] =	ssyncadd.s32 $0xFFFFC000  }
0x30: {  	[bflag:$0x0] =	sbarrier.arrive $0xFFFF  }
0x31: {  	[tilespmem:s4], [sflag:$0x1] =	stream.linear.gather [hbm4b:s11+s4], $0x100, $0x38;
	[tilespmem:$0x1C200] =	vst v63  }
0x32: {  	_ =	swait.ge [sflag:s19], $0x100  }
0x33: {  	s28 =	sadd.s32 $0xFFFFF640, s15;
	[sflag:s19] =	ssyncset.done $0x0  }
0x34: {  	s29 =	sadd.s32 $0x9E0, s28;
	[sflag:s19] =	ssyncadd.s32 $0xFFFFFF00  }
0x35: {  	[tilespmem:s20], [sflag:$0x2] =	stream.linear.gather [hbm4b:s29+s4], $0x100, $0x38;
	[tilespmem:$0x1C200] =	vst v63  }
0x36: {  	_ = 	snop  }
0x37: {  	[spmem:s3] =	stream.indirect.scatter.add.f32 [tilespmem:s16], [sflag:$0x3], $0x80, s21, s21, $0xb8;
	[tilespmem:$0x1C200] =	vst v63  }
0x38: {  	_ =	swait.ge [sflag:s17], $0x4000  }
0x39: {  	[sflag:s17] =	ssyncset.done $0x0  }
0x3a: {  	[sflag:s17] =	ssyncadd.s32 $0xFFFFC000  }
0x3b: {  	_ =	swait.ge [sflag:s22], $0x100  }
0x3c: {  	[sflag:s22] =	ssyncset.done $0x0  }
0x3d: {  	s28 =	sadd.s32 $0xA00, s28;
	[sflag:s22] =	ssyncadd.s32 $0xFFFFFF00  }
0x3e: {  	[tilespmem:s4], [sflag:$0x1] =	stream.linear.gather [hbm4b:s28+s4], $0x100, $0x38;
	[tilespmem:$0x1C200] =	vst v63  }
0x3f: {  	_ = 	snop  }
0x40: {  	[spmem:s3] =	stream.indirect.scatter.add.f32 [tilespmem:s16], [sflag:$0x3], $0x80, s23, s21, $0xb8;
	[tilespmem:$0x1C200] =	vst v63  }
0x41: {  	_ =	swait.ge [sflag:s17], $0x4000  }
0x42: {  	s28 =	simm.s32 $0xFFFFF680;
	[sflag:s17] =	ssyncset.done $0x0  }
.LBB2_2:
0x43: {  	p0 =	sne.s32 s28, $0xFFFFFFC0  }
0x44: {  	[sflag:s17] =	ssyncadd.s32 $0xFFFFC000;
	s29 =	smov.u32 s28;
	s28 =	sadd.s32 $0x40, s28  }
0x45: {  	_ = 	snop  }
0x46: {  	_ =	swait.ge [sflag:s19], $0x100  }
0x47: {  	s29 =	sadd.s32 s29, s15;
	[sflag:s19] =	ssyncset.done $0x0  }
0x48: {  	s30 =	sadd.s32 $0x9E0, s29;
	[sflag:s19] =	ssyncadd.s32 $0xFFFFFF00  }
0x49: {  	[tilespmem:s20], [sflag:$0x2] =	stream.linear.gather [hbm4b:s30+s4], $0x100, $0x38;
	[tilespmem:$0x1C200] =	vst v63  }
0x4a: {  	_ = 	snop  }
0x4b: {  	[spmem:s3] =	stream.indirect.scatter.add.f32 [tilespmem:s16], [sflag:$0x3], $0x80, s21, s21, $0xb8;
	[tilespmem:$0x1C200] =	vst v63  }
0x4c: {  	_ =	swait.ge [sflag:s17], $0x4000  }
0x4d: {  	[sflag:s17] =	ssyncset.done $0x0  }
0x4e: {  	[sflag:s17] =	ssyncadd.s32 $0xFFFFC000  }
0x4f: {  	_ =	swait.ge [sflag:s22], $0x100  }
0x50: {  	[sflag:s22] =	ssyncset.done $0x0  }
0x51: {  	s29 =	sadd.s32 $0xA00, s29;
	[sflag:s22] =	ssyncadd.s32 $0xFFFFFF00  }
0x52: {  	[tilespmem:s4], [sflag:$0x1] =	stream.linear.gather [hbm4b:s29+s4], $0x100, $0x38;
	[tilespmem:$0x1C200] =	vst v63  }
.Ltmp0:
0x53: {  	_ = 	snop;
	(pc) =	sbr.rel @p0 .LBB2_2-.Ltmp0, $4  }
0x54: {  	_ = 	snop  }
0x55: {  	[spmem:s3] =	stream.indirect.scatter.add.f32 [tilespmem:s16], [sflag:$0x3], $0x80, s23, s21, $0xb8;
	[tilespmem:$0x1C200] =	vst v63  }
0x56: {  	_ =	swait.ge [sflag:s17], $0x4000  }
0x57: {  	[sflag:s17] =	ssyncset.done $0x0  }
0x58: {  	[sflag:s17] =	ssyncadd.s32 $0xFFFFC000  }
0x59: {  	_ =	swait.ge [sflag:s19], $0x100  }
0x5a: {  	[sflag:s19] =	ssyncset.done $0x0  }
0x5b: {  	[sflag:s19] =	ssyncadd.s32 $0xFFFFFF00  }
0x5c: {  	[tilespmem:s20], [sflag:$0x2] =	stream.linear.gather [hbm4b:s14+s4], $0x100, $0x38;
	[tilespmem:$0x1C200] =	vst v63  }
0x5d: {  	_ = 	snop  }
0x5e: {  	[spmem:s3] =	stream.indirect.scatter.add.f32 [tilespmem:s16], [sflag:$0x3], $0x80, s21, s21, $0xb8;
	[tilespmem:$0x1C200] =	vst v63  }
0x5f: {  	_ =	swait.ge [sflag:s17], $0x4000  }
0x60: {  	[sflag:s17] =	ssyncset.done $0x0  }
0x61: {  	[sflag:s17] =	ssyncadd.s32 $0xFFFFC000  }
0x62: {  	_ =	swait.ge [sflag:s22], $0x100  }
0x63: {  	[sflag:s22] =	ssyncset.done $0x0  }
0x64: {  	[sflag:s22] =	ssyncadd.s32 $0xFFFFFF00  }
0x65: {  	[spmem:s3] =	stream.indirect.scatter.add.f32 [tilespmem:s16], [sflag:$0x3], $0x80, s23, s21, $0xb8;
	[tilespmem:$0x1C200] =	vst v63  }
0x66: {  	_ =	swait.ge [sflag:s17], $0x4000  }
0x67: {  	[sflag:s17] =	ssyncset.done $0x0  }
0x68: {  	s26 =	sadd.s32 $0x1, s26;
	[sflag:s17] =	ssyncadd.s32 $0xFFFFC000  }
0x69: {  	p0 =	sne.s32 s26, s13;
	[bflag:$0x0] =	sbarrier.arrive $0xFFFF  }
0x6a: {  	[hbm:s12], [sflag:s24] =	dma.local [spmem:s25], $0x2800  }
.Ltmp1:
0x6b: {  	_ =	swait.ge [sflag:s17], $0x2800;
	(pc) =	sbr.rel @p0 .LBB2_1-.Ltmp1, $3  }
0x6c: {  	[sflag:s17] =	ssyncset.done $0x0  }
0x6d: {  	[sflag:s17] =	ssyncadd.s32 $0xFFFFD800  }
0x6e: {  	[bflag:$0x0] =	sbarrier.arrive $0xFFFF;
	_ =	sdelay $0x1  }
0x6f: {  	_ =	sfence.sel $0x180000  }
0x70: {  	[bflag:$0x0] =	sbarrier.arrive $0xFFFF  }
0x71: {  	p0 =	sne.s32 s1, $0x0;
	_ =	strace $0x90000047  }
0x72: {  	s0 =	sadd.s32 @!p0 $0x100000, s0;
	[bflag:$0x2] =	sbarrier.arrive $0xFFFF  }
0x73: {  	[sflag:s0] =	ssyncadd.tile.s32 @!p0 $0x1;
	_ =	shalt  }
.Lfunc_end2:
_tile_overlayer_lowered:
.L_overlay_start_2:
0x74: {  	(tag) =	ssettag $0x2  }
0x75: {  	s0 =	rddreg [dreg:$0x0];
	s2 =	stileid.u32  }
0x76: {  	s1 =	rddreg [dreg:$0x1];
	p0 =	sne.s32 s2, $0x0  }
0x77: {  	s3 =	rddreg [dreg:$0x2];
	[bflag:$0x3] =	sbarrier.arrive $0xFFFF;
	s2 =	simm.s32 @!p0 $0x1C03  }
0x78: {  	[timem:s3], [sflag:s2] =	dma.local @!p0 [hbm:s0], s1  }
0x79: {  	s0 =	simm.s32 @!p0 $0x3  }
0x7a: {  	_ =	swait.ge @!p0 [sflag:s0], s1  }
0x7b: {  	s1 =	ssub.s32 @!p0 $0x0, s1;
	[sflag:s0] =	ssyncset.done @!p0 $0x0  }
0x7c: {  	[sflag:s0] =	ssyncadd.s32 @!p0 s1  }
0x7d: {  	[bflag:$0x3] =	sbarrier.arrive $0xFFFF  }
0x7e: {  	_ =	shalt  }

</sc_bundles>
